<compile_context>
chip_gen: v7x
topology: tpu7x:2x2x1
jax: 0.10.2.dev20260603
libtpu: 0.0.44.dev20260713+nightly
codegen_flags: <defaults>
</compile_context>

<pallas_src>
import functools

import jax
import jax.numpy as jnp
from jax import lax
from jax.experimental import pallas as pl
from jax.experimental.pallas import tpu as pltpu
from jax.experimental.pallas import tpu_sc as plsc

_N_DIM = 32
_PAD_W = 128
_NC = 2
_NS = 16
_NW = _NC * _NS


@functools.cache
def _build(batch_n, fields):
    bpw = batch_n // _NW
    assert bpw * _NW == batch_n

    mesh = plsc.VectorSubcoreMesh(core_axis_name="c", subcore_axis_name="s")

    @functools.partial(
        pl.kernel,
        mesh=mesh,
        out_type=jax.ShapeDtypeStruct((fields, batch_n, _PAD_W), jnp.float32),
        scratch_types=[
            pltpu.VMEM((fields, bpw), jnp.int32),
            pltpu.VMEM((2, bpw, _N_DIM), jnp.float32),
            pltpu.SemaphoreType.DMA,
            pltpu.SemaphoreType.DMA,
        ],
        compiler_params=pltpu.CompilerParams(use_tc_tiling_on_sc=False),
    )
    def body(idxt_hbm, table_hbm, out_hbm, idx_v, rows_v, gsem, ssem):
        wid = lax.axis_index("s") * _NC + lax.axis_index("c")
        b0 = wid * bpw
        pltpu.sync_copy(idxt_hbm.at[:, pl.ds(b0, bpw)], idx_v)

        def gather(f):
            return pltpu.async_copy(
                table_hbm.at[idx_v.at[f]], rows_v.at[f % 2], gsem)

        def scatter(f):
            return pltpu.async_copy(
                rows_v.at[f % 2],
                out_hbm.at[f, pl.ds(b0, bpw), pl.ds(0, _N_DIM)], ssem)

        gathers = [gather(0)]
        scatters = []
        for f in range(fields):
            if f + 1 < fields:
                if f >= 1:
                    scatters[f - 1].wait()
                gathers.append(gather(f + 1))
            gathers[f].wait()
            scatters.append(scatter(f))
        scatters[fields - 2].wait()
        scatters[fields - 1].wait()

    return body


def kernel(batch, emb_weight):
    bn, fields = batch.shape
    idx_t = batch.astype(jnp.int32).T
    out = _build(bn, fields)(idx_t, emb_weight)
    return out.transpose(1, 0, 2)[:, :, :_N_DIM]

# --- scband reference (transcript-rebuilt; emitter-appended) ---
"""Pipeline reference for scband-embedding-33741263078035 (READ-ONLY COPY).

The authoritative reference and input builder live on the scoring server;
editing this copy changes nothing except your own understanding.
"""

import jax, jax.numpy as jnp
import numpy as np

N_EMB = 1000000
N_DIM = 32
BATCH = 16384
FIELDS = 26

def setup_inputs(seed: int = 0) -> dict:
    key = jax.random.key(seed)
    k_idx, k_w = jax.random.split(key)
    batch = jax.random.randint(k_idx, (BATCH, FIELDS), 0, N_EMB, dtype=jnp.int64 if jax.config.jax_enable_x64 else jnp.int32)
    # xavier_uniform init for an (n_emb, n_dim) weight: bound = sqrt(6/(fan_in+fan_out))
    bound = float(np.sqrt(6.0 / (N_EMB + N_DIM)))
    emb_weight = jax.random.uniform(k_w, (N_EMB, N_DIM), dtype=jnp.float32, minval=-bound, maxval=bound)
    return {"batch": batch, "emb_weight": emb_weight}

def reference(batch, emb_weight):
    # Equivalent of torch.nn.Embedding lookup: self.emb(batch)
    return jnp.take(emb_weight, batch, axis=0)

if __name__ == "__main__":
    import jax
    _d = setup_inputs()
    print(jax.jit(kernel)(*tuple(_d.values())))

</pallas_src>

<mosaic_0001>
#map = affine_map<(d0, d1) -> (0, 0)>
#map1 = affine_map<(d0, d1) -> (0, 0, 0)>
module attributes {stable_mosaic.version = 14 : i64} {
  func.func @body(%arg0: i32, %arg1: i32, %arg2: memref<26x16384xi32, #tpu.memory_space<hbm>>, %arg3: memref<1000000x32xf32, #tpu.memory_space<hbm>>, %arg4: memref<26x16384x128xf32, #tpu.memory_space<hbm>>, %arg5: memref<26x512xi32, #tpu.memory_space<vmem>>, %arg6: memref<2x512x32xf32, #tpu.memory_space<vmem>>, %arg7: memref<!tpu.dma_semaphore, #tpu.memory_space<semaphore_mem>>, %arg8: memref<!tpu.dma_semaphore, #tpu.memory_space<semaphore_mem>>) attributes {dimension_semantics = [#tpu.dimension_semantics<core_parallel>, #tpu.dimension_semantics<subcore_parallel>], iteration_bounds = array<i64: 2, 16>, scalar_prefetch = 0 : i64, scratch_operands = 4 : i64, tpu.core_type = #tpu.core_type<sc_vector_subcore>, window_params = [{transform_indices = #map}, {transform_indices = #map}, {transform_indices = #map1}]} {
    %mul3A = arith.constant 2 : i32
    %mul3A_0 = arith.muli %arg1, %mul3A : i32
    %add3A = arith.addi %mul3A_0, %arg0 : i32
    %mul3A_1 = arith.constant 512 : i32
    %mul3A_2 = arith.muli %add3A, %mul3A_1 : i32
    "tpu.region"() ({
      %run_scoped3A = tpu.sem_alloc : memref<!tpu.dma_semaphore, #tpu.memory_space<semaphore_mem>>
      %dma_start3A_1457 = arith.constant 0 : i32
      %dma_start3A_1458 = tpu.memref_slice %arg2[%dma_start3A_1457, %mul3A_2] : memref<26x16384xi32, #tpu.memory_space<hbm>> -> memref<26x512xi32, #tpu.memory_space<hbm>>
      %dma_start3A_1459 = arith.constant 0 : i32
      %dma_start3A_1460 = tpu.memref_slice %arg2[%dma_start3A_1459, %mul3A_2] : memref<26x16384xi32, #tpu.memory_space<hbm>> -> memref<26x512xi32, #tpu.memory_space<hbm>>
      tpu.enqueue_dma source(%dma_start3A_1460 : memref<26x512xi32, #tpu.memory_space<hbm>>) target(%arg5 : memref<26x512xi32, #tpu.memory_space<vmem>>) target_semaphore(%run_scoped3A : memref<!tpu.dma_semaphore, #tpu.memory_space<semaphore_mem>>)
      %dma_wait3A_1461 = arith.constant 0 : i32
      %dma_wait3A_1462 = tpu.memref_slice %arg2[%dma_wait3A_1461, %mul3A_2] : memref<26x16384xi32, #tpu.memory_space<hbm>> -> memref<26x512xi32, #tpu.memory_space<hbm>>
      %dma_wait3A_1463 = arith.constant 0 : i32
      %dma_wait3A_1464 = tpu.memref_slice %arg2[%dma_wait3A_1463, %mul3A_2] : memref<26x16384xi32, #tpu.memory_space<hbm>> -> memref<26x512xi32, #tpu.memory_space<hbm>>
      tpu.wait_dma2 semaphore(%run_scoped3A : memref<!tpu.dma_semaphore, #tpu.memory_space<semaphore_mem>>) src(%dma_wait3A_1464 : memref<26x512xi32, #tpu.memory_space<hbm>>) dst(%arg5 : memref<26x512xi32, #tpu.memory_space<vmem>>)
      tpu.yield
    }) : () -> ()
    %dma_start3A = arith.constant 0 : i32
    %dma_start3A_3 = arith.constant 0 : i32
    %dma_start3A_4 = arith.constant 0 : i32
    %dma_start3A_5 = arith.constant 0 : i32
    %dma_start3A_6 = tpu.memref_slice %arg6[%dma_start3A_3, %dma_start3A_4, %dma_start3A_5] : memref<2x512x32xf32, #tpu.memory_space<vmem>> -> memref<1x512x32xf32, #tpu.memory_space<vmem>>
    %dma_start3A_7 = tpu.memref_squeeze %dma_start3A_6 : memref<1x512x32xf32, #tpu.memory_space<vmem>> -> memref<512x32xf32, #tpu.memory_space<vmem>>
    %dma_start3A_8 = arith.constant 0 : i32
    %dma_start3A_9 = tpu.memref_slice %arg5[%dma_start3A, %dma_start3A_8] : memref<26x512xi32, #tpu.memory_space<vmem>> -> memref<1x512xi32, #tpu.memory_space<vmem>>
    %dma_start3A_10 = tpu.memref_squeeze %dma_start3A_9 : memref<1x512xi32, #tpu.memory_space<vmem>> -> memref<512xi32, #tpu.memory_space<vmem>>
    %dma_start3A_11 = arith.constant 0 : i32
    %dma_start3A_12 = arith.constant 0 : i32
    %dma_start3A_13 = tpu.memref_slice %arg3[%dma_start3A_11, %dma_start3A_12] : memref<1000000x32xf32, #tpu.memory_space<hbm>> -> memref<1000000x32xf32, #tpu.memory_space<hbm>>
    tpu.enqueue_indirect_dma source(%dma_start3A_13 : memref<1000000x32xf32, #tpu.memory_space<hbm>>) target(%dma_start3A_7 : memref<512x32xf32, #tpu.memory_space<vmem>>) offsets(%dma_start3A_10 : memref<512xi32, #tpu.memory_space<vmem>>) semaphore(%arg7 : memref<!tpu.dma_semaphore, #tpu.memory_space<semaphore_mem>>)
    %dma_start3A_14 = arith.constant 1 : i32
    %dma_start3A_15 = arith.constant 1 : i32
    %dma_start3A_16 = arith.constant 0 : i32
    %dma_start3A_17 = arith.constant 0 : i32
    %dma_start3A_18 = tpu.memref_slice %arg6[%dma_start3A_15, %dma_start3A_16, %dma_start3A_17] : memref<2x512x32xf32, #tpu.memory_space<vmem>> -> memref<1x512x32xf32, #tpu.memory_space<vmem>>
    %dma_start3A_19 = tpu.memref_squeeze %dma_start3A_18 : memref<1x512x32xf32, #tpu.memory_space<vmem>> -> memref<512x32xf32, #tpu.memory_space<vmem>>
    %dma_start3A_20 = arith.constant 0 : i32
    %dma_start3A_21 = tpu.memref_slice %arg5[%dma_start3A_14, %dma_start3A_20] : memref<26x512xi32, #tpu.memory_space<vmem>> -> memref<1x512xi32, #tpu.memory_space<vmem>>
    %dma_start3A_22 = tpu.memref_squeeze %dma_start3A_21 : memref<1x512xi32, #tpu.memory_space<vmem>> -> memref<512xi32, #tpu.memory_space<vmem>>
    %dma_start3A_23 = arith.constant 0 : i32
    %dma_start3A_24 = arith.constant 0 : i32
    %dma_start3A_25 = tpu.memref_slice %arg3[%dma_start3A_23, %dma_start3A_24] : memref<1000000x32xf32, #tpu.memory_space<hbm>> -> memref<1000000x32xf32, #tpu.memory_space<hbm>>
    tpu.enqueue_indirect_dma source(%dma_start3A_25 : memref<1000000x32xf32, #tpu.memory_space<hbm>>) target(%dma_start3A_19 : memref<512x32xf32, #tpu.memory_space<vmem>>) offsets(%dma_start3A_22 : memref<512xi32, #tpu.memory_space<vmem>>) semaphore(%arg7 : memref<!tpu.dma_semaphore, #tpu.memory_space<semaphore_mem>>)
    %dma_wait3A = arith.constant 0 : i32
    %dma_wait3A_26 = arith.constant 0 : i32
    %dma_wait3A_27 = arith.constant 0 : i32
    %dma_wait3A_28 = arith.constant 0 : i32
    %dma_wait3A_29 = tpu.memref_slice %arg6[%dma_wait3A_26, %dma_wait3A_27, %dma_wait3A_28] : memref<2x512x32xf32, #tpu.memory_space<vmem>> -> memref<1x512x32xf32, #tpu.memory_space<vmem>>
    %dma_wait3A_30 = tpu.memref_squeeze %dma_wait3A_29 : memref<1x512x32xf32, #tpu.memory_space<vmem>> -> memref<512x32xf32, #tpu.memory_space<vmem>>
    %dma_wait3A_31 = arith.constant 0 : i32
    %dma_wait3A_32 = tpu.memref_slice %arg5[%dma_wait3A, %dma_wait3A_31] : memref<26x512xi32, #tpu.memory_space<vmem>> -> memref<1x512xi32, #tpu.memory_space<vmem>>
    %dma_wait3A_33 = tpu.memref_squeeze %dma_wait3A_32 : memref<1x512xi32, #tpu.memory_space<vmem>> -> memref<512xi32, #tpu.memory_space<vmem>>
    %dma_wait3A_34 = arith.constant 0 : i32
    %dma_wait3A_35 = arith.constant 0 : i32
    %dma_wait3A_36 = tpu.memref_slice %arg3[%dma_wait3A_34, %dma_wait3A_35] : memref<1000000x32xf32, #tpu.memory_space<hbm>> -> memref<1000000x32xf32, #tpu.memory_space<hbm>>
    tpu.wait_indirect_dma semaphore(%arg7 : memref<!tpu.dma_semaphore, #tpu.memory_space<semaphore_mem>>) src(%dma_wait3A_36 : memref<1000000x32xf32, #tpu.memory_space<hbm>>) dst(%dma_wait3A_30 : memref<512x32xf32, #tpu.memory_space<vmem>>)
    %dma_start3A_37 = arith.constant 0 : i32
    %dma_start3A_38 = arith.constant 0 : i32
    %dma_start3A_39 = arith.constant 0 : i32
    %dma_start3A_40 = arith.constant 0 : i32
    %dma_start3A_41 = tpu.memref_slice %arg6[%dma_start3A_37, %dma_start3A_39, %dma_start3A_40] : memref<2x512x32xf32, #tpu.memory_space<vmem>> -> memref<1x512x32xf32, #tpu.memory_space<vmem>>
    %dma_start3A_42 = tpu.memref_squeeze %dma_start3A_41 : memref<1x512x32xf32, #tpu.memory_space<vmem>> -> memref<512x32xf32, #tpu.memory_space<vmem>>
    %dma_start3A_43 = arith.constant 0 : i32
    %dma_start3A_44 = tpu.memref_slice %arg4[%dma_start3A_38, %mul3A_2, %dma_start3A_43] : memref<26x16384x128xf32, #tpu.memory_space<hbm>> -> memref<1x512x32xf32, #tpu.memory_space<hbm>>
    %dma_start3A_45 = tpu.memref_squeeze %dma_start3A_44 : memref<1x512x32xf32, #tpu.memory_space<hbm>> -> memref<512x32xf32, #tpu.memory_space<hbm>>
    %dma_start3A_46 = arith.constant 0 : i32
    %dma_start3A_47 = tpu.memref_slice %arg4[%dma_start3A_38, %mul3A_2, %dma_start3A_46] : memref<26x16384x128xf32, #tpu.memory_space<hbm>> -> memref<1x512x32xf32, #tpu.memory_space<hbm>>
    %dma_start3A_48 = tpu.memref_squeeze %dma_start3A_47 : memref<1x512x32xf32, #tpu.memory_space<hbm>> -> memref<512x32xf32, #tpu.memory_space<hbm>>
    %dma_start3A_49 = arith.constant 0 : i32
    %dma_start3A_50 = arith.constant 0 : i32
    %dma_start3A_51 = tpu.memref_slice %arg6[%dma_start3A_37, %dma_start3A_49, %dma_start3A_50] : memref<2x512x32xf32, #tpu.memory_space<vmem>> -> memref<1x512x32xf32, #tpu.memory_space<vmem>>
    %dma_start3A_52 = tpu.memref_squeeze %dma_start3A_51 : memref<1x512x32xf32, #tpu.memory_space<vmem>> -> memref<512x32xf32, #tpu.memory_space<vmem>>
    tpu.enqueue_dma source(%dma_start3A_52 : memref<512x32xf32, #tpu.memory_space<vmem>>) target(%dma_start3A_48 : memref<512x32xf32, #tpu.memory_space<hbm>>) target_semaphore(%arg8 : memref<!tpu.dma_semaphore, #tpu.memory_space<semaphore_mem>>)
    %dma_wait3A_53 = arith.constant 0 : i32
    %dma_wait3A_54 = arith.constant 0 : i32
    %dma_wait3A_55 = arith.constant 0 : i32
    %dma_wait3A_56 = arith.constant 0 : i32
    %dma_wait3A_57 = tpu.memref_slice %arg6[%dma_wait3A_53, %dma_wait3A_55, %dma_wait3A_56] : memref<2x512x32xf32, #tpu.memory_space<vmem>> -> memref<1x512x32xf32, #tpu.memory_space<vmem>>
    %dma_wait3A_58 = tpu.memref_squeeze %dma_wait3A_57 : memref<1x512x32xf32, #tpu.memory_space<vmem>> -> memref<512x32xf32, #tpu.memory_space<vmem>>
    %dma_wait3A_59 = arith.constant 0 : i32
    %dma_wait3A_60 = tpu.memref_slice %arg4[%dma_wait3A_54, %mul3A_2, %dma_wait3A_59] : memref<26x16384x128xf32, #tpu.memory_space<hbm>> -> memref<1x512x32xf32, #tpu.memory_space<hbm>>
    %dma_wait3A_61 = tpu.memref_squeeze %dma_wait3A_60 : memref<1x512x32xf32, #tpu.memory_space<hbm>> -> memref<512x32xf32, #tpu.memory_space<hbm>>
    %dma_wait3A_62 = arith.constant 0 : i32
    %dma_wait3A_63 = tpu.memref_slice %arg4[%dma_wait3A_54, %mul3A_2, %dma_wait3A_62] : memref<26x16384x128xf32, #tpu.memory_space<hbm>> -> memref<1x512x32xf32, #tpu.memory_space<hbm>>
    %dma_wait3A_64 = tpu.memref_squeeze %dma_wait3A_63 : memref<1x512x32xf32, #tpu.memory_space<hbm>> -> memref<512x32xf32, #tpu.memory_space<hbm>>
    %dma_wait3A_65 = arith.constant 0 : i32
    %dma_wait3A_66 = arith.constant 0 : i32
    %dma_wait3A_67 = tpu.memref_slice %arg6[%dma_wait3A_53, %dma_wait3A_65, %dma_wait3A_66] : memref<2x512x32xf32, #tpu.memory_space<vmem>> -> memref<1x512x32xf32, #tpu.memory_space<vmem>>
    %dma_wait3A_68 = tpu.memref_squeeze %dma_wait3A_67 : memref<1x512x32xf32, #tpu.memory_space<vmem>> -> memref<512x32xf32, #tpu.memory_space<vmem>>
    tpu.wait_dma2 semaphore(%arg8 : memref<!tpu.dma_semaphore, #tpu.memory_space<semaphore_mem>>) src(%dma_wait3A_68 : memref<512x32xf32, #tpu.memory_space<vmem>>) dst(%dma_wait3A_64 : memref<512x32xf32, #tpu.memory_space<hbm>>)
    %dma_start3A_69 = arith.constant 2 : i32
    %dma_start3A_70 = arith.constant 0 : i32
    %dma_start3A_71 = arith.constant 0 : i32
    %dma_start3A_72 = arith.constant 0 : i32
    %dma_start3A_73 = tpu.memref_slice %arg6[%dma_start3A_70, %dma_start3A_71, %dma_start3A_72] : memref<2x512x32xf32, #tpu.memory_space<vmem>> -> memref<1x512x32xf32, #tpu.memory_space<vmem>>
    %dma_start3A_74 = tpu.memref_squeeze %dma_start3A_73 : memref<1x512x32xf32, #tpu.memory_space<vmem>> -> memref<512x32xf32, #tpu.memory_space<vmem>>
    %dma_start3A_75 = arith.constant 0 : i32
    %dma_start3A_76 = tpu.memref_slice %arg5[%dma_start3A_69, %dma_start3A_75] : memref<26x512xi32, #tpu.memory_space<vmem>> -> memref<1x512xi32, #tpu.memory_space<vmem>>
    %dma_start3A_77 = tpu.memref_squeeze %dma_start3A_76 : memref<1x512xi32, #tpu.memory_space<vmem>> -> memref<512xi32, #tpu.memory_space<vmem>>
    %dma_start3A_78 = arith.constant 0 : i32
    %dma_start3A_79 = arith.constant 0 : i32
    %dma_start3A_80 = tpu.memref_slice %arg3[%dma_start3A_78, %dma_start3A_79] : memref<1000000x32xf32, #tpu.memory_space<hbm>> -> memref<1000000x32xf32, #tpu.memory_space<hbm>>
    tpu.enqueue_indirect_dma source(%dma_start3A_80 : memref<1000000x32xf32, #tpu.memory_space<hbm>>) target(%dma_start3A_74 : memref<512x32xf32, #tpu.memory_space<vmem>>) offsets(%dma_start3A_77 : memref<512xi32, #tpu.memory_space<vmem>>) semaphore(%arg7 : memref<!tpu.dma_semaphore, #tpu.memory_space<semaphore_mem>>)
    %dma_wait3A_81 = arith.constant 1 : i32
    %dma_wait3A_82 = arith.constant 1 : i32
    %dma_wait3A_83 = arith.constant 0 : i32
    %dma_wait3A_84 = arith.constant 0 : i32
    %dma_wait3A_85 = tpu.memref_slice %arg6[%dma_wait3A_82, %dma_wait3A_83, %dma_wait3A_84] : memref<2x512x32xf32, #tpu.memory_space<vmem>> -> memref<1x512x32xf32, #tpu.memory_space<vmem>>
    %dma_wait3A_86 = tpu.memref_squeeze %dma_wait3A_85 : memref<1x512x32xf32, #tpu.memory_space<vmem>> -> memref<512x32xf32, #tpu.memory_space<vmem>>
    %dma_wait3A_87 = arith.constant 0 : i32
    %dma_wait3A_88 = tpu.memref_slice %arg5[%dma_wait3A_81, %dma_wait3A_87] : memref<26x512xi32, #tpu.memory_space<vmem>> -> memref<1x512xi32, #tpu.memory_space<vmem>>
    %dma_wait3A_89 = tpu.memref_squeeze %dma_wait3A_88 : memref<1x512xi32, #tpu.memory_space<vmem>> -> memref<512xi32, #tpu.memory_space<vmem>>
    %dma_wait3A_90 = arith.constant 0 : i32
    %dma_wait3A_91 = arith.constant 0 : i32
    %dma_wait3A_92 = tpu.memref_slice %arg3[%dma_wait3A_90, %dma_wait3A_91] : memref<1000000x32xf32, #tpu.memory_space<hbm>> -> memref<1000000x32xf32, #tpu.memory_space<hbm>>
    tpu.wait_indirect_dma semaphore(%arg7 : memref<!tpu.dma_semaphore, #tpu.memory_space<semaphore_mem>>) src(%dma_wait3A_92 : memref<1000000x32xf32, #tpu.memory_space<hbm>>) dst(%dma_wait3A_86 : memref<512x32xf32, #tpu.memory_space<vmem>>)
    %dma_start3A_93 = arith.constant 1 : i32
    %dma_start3A_94 = arith.constant 1 : i32
    %dma_start3A_95 = arith.constant 0 : i32
    %dma_start3A_96 = arith.constant 0 : i32
    %dma_start3A_97 = tpu.memref_slice %arg6[%dma_start3A_93, %dma_start3A_95, %dma_start3A_96] : memref<2x512x32xf32, #tpu.memory_space<vmem>> -> memref<1x512x32xf32, #tpu.memory_space<vmem>>
    %dma_start3A_98 = tpu.memref_squeeze %dma_start3A_97 : memref<1x512x32xf32, #tpu.memory_space<vmem>> -> memref<512x32xf32, #tpu.memory_space<vmem>>
    %dma_start3A_99 = arith.constant 0 : i32
    %dma_start3A_100 = tpu.memref_slice %arg4[%dma_start3A_94, %mul3A_2, %dma_start3A_99] : memref<26x16384x128xf32, #tpu.memory_space<hbm>> -> memref<1x512x32xf32, #tpu.memory_space<hbm>>
    %dma_start3A_101 = tpu.memref_squeeze %dma_start3A_100 : memref<1x512x32xf32, #tpu.memory_space<hbm>> -> memref<512x32xf32, #tpu.memory_space<hbm>>
    %dma_start3A_102 = arith.constant 0 : i32
    %dma_start3A_103 = tpu.memref_slice %arg4[%dma_start3A_94, %mul3A_2, %dma_start3A_102] : memref<26x16384x128xf32, #tpu.memory_space<hbm>> -> memref<1x512x32xf32, #tpu.memory_space<hbm>>
    %dma_start3A_104 = tpu.memref_squeeze %dma_start3A_103 : memref<1x512x32xf32, #tpu.memory_space<hbm>> -> memref<512x32xf32, #tpu.memory_space<hbm>>
    %dma_start3A_105 = arith.constant 0 : i32
    %dma_start3A_106 = arith.constant 0 : i32
    %dma_start3A_107 = tpu.memref_slice %arg6[%dma_start3A_93, %dma_start3A_105, %dma_start3A_106] : memref<2x512x32xf32, #tpu.memory_space<vmem>> -> memref<1x512x32xf32, #tpu.memory_space<vmem>>
    %dma_start3A_108 = tpu.memref_squeeze %dma_start3A_107 : memref<1x512x32xf32, #tpu.memory_space<vmem>> -> memref<512x32xf32, #tpu.memory_space<vmem>>
    tpu.enqueue_dma source(%dma_start3A_108 : memref<512x32xf32, #tpu.memory_space<vmem>>) target(%dma_start3A_104 : memref<512x32xf32, #tpu.memory_space<hbm>>) target_semaphore(%arg8 : memref<!tpu.dma_semaphore, #tpu.memory_space<semaphore_mem>>)
    %dma_wait3A_109 = arith.constant 1 : i32
    %dma_wait3A_110 = arith.constant 1 : i32
    %dma_wait3A_111 = arith.constant 0 : i32
    %dma_wait3A_112 = arith.constant 0 : i32
    %dma_wait3A_113 = tpu.memref_slice %arg6[%dma_wait3A_109, %dma_wait3A_111, %dma_wait3A_112] : memref<2x512x32xf32, #tpu.memory_space<vmem>> -> memref<1x512x32xf32, #tpu.memory_space<vmem>>
    %dma_wait3A_114 = tpu.memref_squeeze %dma_wait3A_113 : memref<1x512x32xf32, #tpu.memory_space<vmem>> -> memref<512x32xf32, #tpu.memory_space<vmem>>
    %dma_wait3A_115 = arith.constant 0 : i32
    %dma_wait3A_116 = tpu.memref_slice %arg4[%dma_wait3A_110, %mul3A_2, %dma_wait3A_115] : memref<26x16384x128xf32, #tpu.memory_space<hbm>> -> memref<1x512x32xf32, #tpu.memory_space<hbm>>
    %dma_wait3A_117 = tpu.memref_squeeze %dma_wait3A_116 : memref<1x512x32xf32, #tpu.memory_space<hbm>> -> memref<512x32xf32, #tpu.memory_space<hbm>>
    %dma_wait3A_118 = arith.constant 0 : i32
    %dma_wait3A_119 = tpu.memref_slice %arg4[%dma_wait3A_110, %mul3A_2, %dma_wait3A_118] : memref<26x16384x128xf32, #tpu.memory_space<hbm>> -> memref<1x512x32xf32, #tpu.memory_space<hbm>>
    %dma_wait3A_120 = tpu.memref_squeeze %dma_wait3A_119 : memref<1x512x32xf32, #tpu.memory_space<hbm>> -> memref<512x32xf32, #tpu.memory_space<hbm>>
    %dma_wait3A_121 = arith.constant 0 : i32
    %dma_wait3A_122 = arith.constant 0 : i32
    %dma_wait3A_123 = tpu.memref_slice %arg6[%dma_wait3A_109, %dma_wait3A_121, %dma_wait3A_122] : memref<2x512x32xf32, #tpu.memory_space<vmem>> -> memref<1x512x32xf32, #tpu.memory_space<vmem>>
    %dma_wait3A_124 = tpu.memref_squeeze %dma_wait3A_123 : memref<1x512x32xf32, #tpu.memory_space<vmem>> -> memref<512x32xf32, #tpu.memory_space<vmem>>
    tpu.wait_dma2 semaphore(%arg8 : memref<!tpu.dma_semaphore, #tpu.memory_space<semaphore_mem>>) src(%dma_wait3A_124 : memref<512x32xf32, #tpu.memory_space<vmem>>) dst(%dma_wait3A_120 : memref<512x32xf32, #tpu.memory_space<hbm>>)
    %dma_start3A_125 = arith.constant 3 : i32
    %dma_start3A_126 = arith.constant 1 : i32
    %dma_start3A_127 = arith.constant 0 : i32
    %dma_start3A_128 = arith.constant 0 : i32
    %dma_start3A_129 = tpu.memref_slice %arg6[%dma_start3A_126, %dma_start3A_127, %dma_start3A_128] : memref<2x512x32xf32, #tpu.memory_space<vmem>> -> memref<1x512x32xf32, #tpu.memory_space<vmem>>
    %dma_start3A_130 = tpu.memref_squeeze %dma_start3A_129 : memref<1x512x32xf32, #tpu.memory_space<vmem>> -> memref<512x32xf32, #tpu.memory_space<vmem>>
    %dma_start3A_131 = arith.constant 0 : i32
    %dma_start3A_132 = tpu.memref_slice %arg5[%dma_start3A_125, %dma_start3A_131] : memref<26x512xi32, #tpu.memory_space<vmem>> -> memref<1x512xi32, #tpu.memory_space<vmem>>
    %dma_start3A_133 = tpu.memref_squeeze %dma_start3A_132 : memref<1x512xi32, #tpu.memory_space<vmem>> -> memref<512xi32, #tpu.memory_space<vmem>>
    %dma_start3A_134 = arith.constant 0 : i32
    %dma_start3A_135 = arith.constant 0 : i32
    %dma_start3A_136 = tpu.memref_slice %arg3[%dma_start3A_134, %dma_start3A_135] : memref<1000000x32xf32, #tpu.memory_space<hbm>> -> memref<1000000x32xf32, #tpu.memory_space<hbm>>
    tpu.enqueue_indirect_dma source(%dma_start3A_136 : memref<1000000x32xf32, #tpu.memory_space<hbm>>) target(%dma_start3A_130 : memref<512x32xf32, #tpu.memory_space<vmem>>) offsets(%dma_start3A_133 : memref<512xi32, #tpu.memory_space<vmem>>) semaphore(%arg7 : memref<!tpu.dma_semaphore, #tpu.memory_space<semaphore_mem>>)
    %dma_wait3A_137 = arith.constant 2 : i32
    %dma_wait3A_138 = arith.constant 0 : i32
    %dma_wait3A_139 = arith.constant 0 : i32
    %dma_wait3A_140 = arith.constant 0 : i32
    %dma_wait3A_141 = tpu.memref_slice %arg6[%dma_wait3A_138, %dma_wait3A_139, %dma_wait3A_140] : memref<2x512x32xf32, #tpu.memory_space<vmem>> -> memref<1x512x32xf32, #tpu.memory_space<vmem>>
    %dma_wait3A_142 = tpu.memref_squeeze %dma_wait3A_141 : memref<1x512x32xf32, #tpu.memory_space<vmem>> -> memref<512x32xf32, #tpu.memory_space<vmem>>
    %dma_wait3A_143 = arith.constant 0 : i32
    %dma_wait3A_144 = tpu.memref_slice %arg5[%dma_wait3A_137, %dma_wait3A_143] : memref<26x512xi32, #tpu.memory_space<vmem>> -> memref<1x512xi32, #tpu.memory_space<vmem>>
    %dma_wait3A_145 = tpu.memref_squeeze %dma_wait3A_144 : memref<1x512xi32, #tpu.memory_space<vmem>> -> memref<512xi32, #tpu.memory_space<vmem>>
    %dma_wait3A_146 = arith.constant 0 : i32
    %dma_wait3A_147 = arith.constant 0 : i32
    %dma_wait3A_148 = tpu.memref_slice %arg3[%dma_wait3A_146, %dma_wait3A_147] : memref<1000000x32xf32, #tpu.memory_space<hbm>> -> memref<1000000x32xf32, #tpu.memory_space<hbm>>
    tpu.wait_indirect_dma semaphore(%arg7 : memref<!tpu.dma_semaphore, #tpu.memory_space<semaphore_mem>>) src(%dma_wait3A_148 : memref<1000000x32xf32, #tpu.memory_space<hbm>>) dst(%dma_wait3A_142 : memref<512x32xf32, #tpu.memory_space<vmem>>)
    %dma_start3A_149 = arith.constant 0 : i32
    %dma_start3A_150 = arith.constant 2 : i32
    %dma_start3A_151 = arith.constant 0 : i32
    %dma_start3A_152 = arith.constant 0 : i32
    %dma_start3A_153 = tpu.memref_slice %arg6[%dma_start3A_149, %dma_start3A_151, %dma_start3A_152] : memref<2x512x32xf32, #tpu.memory_space<vmem>> -> memref<1x512x32xf32, #tpu.memory_space<vmem>>
    %dma_start3A_154 = tpu.memref_squeeze %dma_start3A_153 : memref<1x512x32xf32, #tpu.memory_space<vmem>> -> memref<512x32xf32, #tpu.memory_space<vmem>>
    %dma_start3A_155 = arith.constant 0 : i32
    %dma_start3A_156 = tpu.memref_slice %arg4[%dma_start3A_150, %mul3A_2, %dma_start3A_155] : memref<26x16384x128xf32, #tpu.memory_space<hbm>> -> memref<1x512x32xf32, #tpu.memory_space<hbm>>
    %dma_start3A_157 = tpu.memref_squeeze %dma_start3A_156 : memref<1x512x32xf32, #tpu.memory_space<hbm>> -> memref<512x32xf32, #tpu.memory_space<hbm>>
    %dma_start3A_158 = arith.constant 0 : i32
    %dma_start3A_159 = tpu.memref_slice %arg4[%dma_start3A_150, %mul3A_2, %dma_start3A_158] : memref<26x16384x128xf32, #tpu.memory_space<hbm>> -> memref<1x512x32xf32, #tpu.memory_space<hbm>>
    %dma_start3A_160 = tpu.memref_squeeze %dma_start3A_159 : memref<1x512x32xf32, #tpu.memory_space<hbm>> -> memref<512x32xf32, #tpu.memory_space<hbm>>
    %dma_start3A_161 = arith.constant 0 : i32
    %dma_start3A_162 = arith.constant 0 : i32
    %dma_start3A_163 = tpu.memref_slice %arg6[%dma_start3A_149, %dma_start3A_161, %dma_start3A_162] : memref<2x512x32xf32, #tpu.memory_space<vmem>> -> memref<1x512x32xf32, #tpu.memory_space<vmem>>
    %dma_start3A_164 = tpu.memref_squeeze %dma_start3A_163 : memref<1x512x32xf32, #tpu.memory_space<vmem>> -> memref<512x32xf32, #tpu.memory_space<vmem>>
    tpu.enqueue_dma source(%dma_start3A_164 : memref<512x32xf32, #tpu.memory_space<vmem>>) target(%dma_start3A_160 : memref<512x32xf32, #tpu.memory_space<hbm>>) target_semaphore(%arg8 : memref<!tpu.dma_semaphore, #tpu.memory_space<semaphore_mem>>)
    %dma_wait3A_165 = arith.constant 0 : i32
    %dma_wait3A_166 = arith.constant 2 : i32
    %dma_wait3A_167 = arith.constant 0 : i32
    %dma_wait3A_168 = arith.constant 0 : i32
    %dma_wait3A_169 = tpu.memref_slice %arg6[%dma_wait3A_165, %dma_wait3A_167, %dma_wait3A_168] : memref<2x512x32xf32, #tpu.memory_space<vmem>> -> memref<1x512x32xf32, #tpu.memory_space<vmem>>
    %dma_wait3A_170 = tpu.memref_squeeze %dma_wait3A_169 : memref<1x512x32xf32, #tpu.memory_space<vmem>> -> memref<512x32xf32, #tpu.memory_space<vmem>>
    %dma_wait3A_171 = arith.constant 0 : i32
    %dma_wait3A_172 = tpu.memref_slice %arg4[%dma_wait3A_166, %mul3A_2, %dma_wait3A_171] : memref<26x16384x128xf32, #tpu.memory_space<hbm>> -> memref<1x512x32xf32, #tpu.memory_space<hbm>>
    %dma_wait3A_173 = tpu.memref_squeeze %dma_wait3A_172 : memref<1x512x32xf32, #tpu.memory_space<hbm>> -> memref<512x32xf32, #tpu.memory_space<hbm>>
    %dma_wait3A_174 = arith.constant 0 : i32
    %dma_wait3A_175 = tpu.memref_slice %arg4[%dma_wait3A_166, %mul3A_2, %dma_wait3A_174] : memref<26x16384x128xf32, #tpu.memory_space<hbm>> -> memref<1x512x32xf32, #tpu.memory_space<hbm>>
    %dma_wait3A_176 = tpu.memref_squeeze %dma_wait3A_175 : memref<1x512x32xf32, #tpu.memory_space<hbm>> -> memref<512x32xf32, #tpu.memory_space<hbm>>
    %dma_wait3A_177 = arith.constant 0 : i32
    %dma_wait3A_178 = arith.constant 0 : i32
    %dma_wait3A_179 = tpu.memref_slice %arg6[%dma_wait3A_165, %dma_wait3A_177, %dma_wait3A_178] : memref<2x512x32xf32, #tpu.memory_space<vmem>> -> memref<1x512x32xf32, #tpu.memory_space<vmem>>
    %dma_wait3A_180 = tpu.memref_squeeze %dma_wait3A_179 : memref<1x512x32xf32, #tpu.memory_space<vmem>> -> memref<512x32xf32, #tpu.memory_space<vmem>>
    tpu.wait_dma2 semaphore(%arg8 : memref<!tpu.dma_semaphore, #tpu.memory_space<semaphore_mem>>) src(%dma_wait3A_180 : memref<512x32xf32, #tpu.memory_space<vmem>>) dst(%dma_wait3A_176 : memref<512x32xf32, #tpu.memory_space<hbm>>)
    %dma_start3A_181 = arith.constant 4 : i32
    %dma_start3A_182 = arith.constant 0 : i32
    %dma_start3A_183 = arith.constant 0 : i32
    %dma_start3A_184 = arith.constant 0 : i32
    %dma_start3A_185 = tpu.memref_slice %arg6[%dma_start3A_182, %dma_start3A_183, %dma_start3A_184] : memref<2x512x32xf32, #tpu.memory_space<vmem>> -> memref<1x512x32xf32, #tpu.memory_space<vmem>>
    %dma_start3A_186 = tpu.memref_squeeze %dma_start3A_185 : memref<1x512x32xf32, #tpu.memory_space<vmem>> -> memref<512x32xf32, #tpu.memory_space<vmem>>
    %dma_start3A_187 = arith.constant 0 : i32
    %dma_start3A_188 = tpu.memref_slice %arg5[%dma_start3A_181, %dma_start3A_187] : memref<26x512xi32, #tpu.memory_space<vmem>> -> memref<1x512xi32, #tpu.memory_space<vmem>>
    %dma_start3A_189 = tpu.memref_squeeze %dma_start3A_188 : memref<1x512xi32, #tpu.memory_space<vmem>> -> memref<512xi32, #tpu.memory_space<vmem>>
    %dma_start3A_190 = arith.constant 0 : i32
    %dma_start3A_191 = arith.constant 0 : i32
    %dma_start3A_192 = tpu.memref_slice %arg3[%dma_start3A_190, %dma_start3A_191] : memref<1000000x32xf32, #tpu.memory_space<hbm>> -> memref<1000000x32xf32, #tpu.memory_space<hbm>>
    tpu.enqueue_indirect_dma source(%dma_start3A_192 : memref<1000000x32xf32, #tpu.memory_space<hbm>>) target(%dma_start3A_186 : memref<512x32xf32, #tpu.memory_space<vmem>>) offsets(%dma_start3A_189 : memref<512xi32, #tpu.memory_space<vmem>>) semaphore(%arg7 : memref<!tpu.dma_semaphore, #tpu.memory_space<semaphore_mem>>)
    %dma_wait3A_193 = arith.constant 3 : i32
    %dma_wait3A_194 = arith.constant 1 : i32
    %dma_wait3A_195 = arith.constant 0 : i32
    %dma_wait3A_196 = arith.constant 0 : i32
    %dma_wait3A_197 = tpu.memref_slice %arg6[%dma_wait3A_194, %dma_wait3A_195, %dma_wait3A_196] : memref<2x512x32xf32, #tpu.memory_space<vmem>> -> memref<1x512x32xf32, #tpu.memory_space<vmem>>
    %dma_wait3A_198 = tpu.memref_squeeze %dma_wait3A_197 : memref<1x512x32xf32, #tpu.memory_space<vmem>> -> memref<512x32xf32, #tpu.memory_space<vmem>>
    %dma_wait3A_199 = arith.constant 0 : i32
    %dma_wait3A_200 = tpu.memref_slice %arg5[%dma_wait3A_193, %dma_wait3A_199] : memref<26x512xi32, #tpu.memory_space<vmem>> -> memref<1x512xi32, #tpu.memory_space<vmem>>
    %dma_wait3A_201 = tpu.memref_squeeze %dma_wait3A_200 : memref<1x512xi32, #tpu.memory_space<vmem>> -> memref<512xi32, #tpu.memory_space<vmem>>
    %dma_wait3A_202 = arith.constant 0 : i32
    %dma_wait3A_203 = arith.constant 0 : i32
    %dma_wait3A_204 = tpu.memref_slice %arg3[%dma_wait3A_202, %dma_wait3A_203] : memref<1000000x32xf32, #tpu.memory_space<hbm>> -> memref<1000000x32xf32, #tpu.memory_space<hbm>>
    tpu.wait_indirect_dma semaphore(%arg7 : memref<!tpu.dma_semaphore, #tpu.memory_space<semaphore_mem>>) src(%dma_wait3A_204 : memref<1000000x32xf32, #tpu.memory_space<hbm>>) dst(%dma_wait3A_198 : memref<512x32xf32, #tpu.memory_space<vmem>>)
    %dma_start3A_205 = arith.constant 1 : i32
    %dma_start3A_206 = arith.constant 3 : i32
    %dma_start3A_207 = arith.constant 0 : i32
    %dma_start3A_208 = arith.constant 0 : i32
    %dma_start3A_209 = tpu.memref_slice %arg6[%dma_start3A_205, %dma_start3A_207, %dma_start3A_208] : memref<2x512x32xf32, #tpu.memory_space<vmem>> -> memref<1x512x32xf32, #tpu.memory_space<vmem>>
    %dma_start3A_210 = tpu.memref_squeeze %dma_start3A_209 : memref<1x512x32xf32, #tpu.memory_space<vmem>> -> memref<512x32xf32, #tpu.memory_space<vmem>>
    %dma_start3A_211 = arith.constant 0 : i32
    %dma_start3A_212 = tpu.memref_slice %arg4[%dma_start3A_206, %mul3A_2, %dma_start3A_211] : memref<26x16384x128xf32, #tpu.memory_space<hbm>> -> memref<1x512x32xf32, #tpu.memory_space<hbm>>
    %dma_start3A_213 = tpu.memref_squeeze %dma_start3A_212 : memref<1x512x32xf32, #tpu.memory_space<hbm>> -> memref<512x32xf32, #tpu.memory_space<hbm>>
    %dma_start3A_214 = arith.constant 0 : i32
    %dma_start3A_215 = tpu.memref_slice %arg4[%dma_start3A_206, %mul3A_2, %dma_start3A_214] : memref<26x16384x128xf32, #tpu.memory_space<hbm>> -> memref<1x512x32xf32, #tpu.memory_space<hbm>>
    %dma_start3A_216 = tpu.memref_squeeze %dma_start3A_215 : memref<1x512x32xf32, #tpu.memory_space<hbm>> -> memref<512x32xf32, #tpu.memory_space<hbm>>
    %dma_start3A_217 = arith.constant 0 : i32
    %dma_start3A_218 = arith.constant 0 : i32
    %dma_start3A_219 = tpu.memref_slice %arg6[%dma_start3A_205, %dma_start3A_217, %dma_start3A_218] : memref<2x512x32xf32, #tpu.memory_space<vmem>> -> memref<1x512x32xf32, #tpu.memory_space<vmem>>
    %dma_start3A_220 = tpu.memref_squeeze %dma_start3A_219 : memref<1x512x32xf32, #tpu.memory_space<vmem>> -> memref<512x32xf32, #tpu.memory_space<vmem>>
    tpu.enqueue_dma source(%dma_start3A_220 : memref<512x32xf32, #tpu.memory_space<vmem>>) target(%dma_start3A_216 : memref<512x32xf32, #tpu.memory_space<hbm>>) target_semaphore(%arg8 : memref<!tpu.dma_semaphore, #tpu.memory_space<semaphore_mem>>)
    %dma_wait3A_221 = arith.constant 1 : i32
    %dma_wait3A_222 = arith.constant 3 : i32
    %dma_wait3A_223 = arith.constant 0 : i32
    %dma_wait3A_224 = arith.constant 0 : i32
    %dma_wait3A_225 = tpu.memref_slice %arg6[%dma_wait3A_221, %dma_wait3A_223, %dma_wait3A_224] : memref<2x512x32xf32, #tpu.memory_space<vmem>> -> memref<1x512x32xf32, #tpu.memory_space<vmem>>
    %dma_wait3A_226 = tpu.memref_squeeze %dma_wait3A_225 : memref<1x512x32xf32, #tpu.memory_space<vmem>> -> memref<512x32xf32, #tpu.memory_space<vmem>>
    %dma_wait3A_227 = arith.constant 0 : i32
    %dma_wait3A_228 = tpu.memref_slice %arg4[%dma_wait3A_222, %mul3A_2, %dma_wait3A_227] : memref<26x16384x128xf32, #tpu.memory_space<hbm>> -> memref<1x512x32xf32, #tpu.memory_space<hbm>>
    %dma_wait3A_229 = tpu.memref_squeeze %dma_wait3A_228 : memref<1x512x32xf32, #tpu.memory_space<hbm>> -> memref<512x32xf32, #tpu.memory_space<hbm>>
    %dma_wait3A_230 = arith.constant 0 : i32
    %dma_wait3A_231 = tpu.memref_slice %arg4[%dma_wait3A_222, %mul3A_2, %dma_wait3A_230] : memref<26x16384x128xf32, #tpu.memory_space<hbm>> -> memref<1x512x32xf32, #tpu.memory_space<hbm>>
    %dma_wait3A_232 = tpu.memref_squeeze %dma_wait3A_231 : memref<1x512x32xf32, #tpu.memory_space<hbm>> -> memref<512x32xf32, #tpu.memory_space<hbm>>
    %dma_wait3A_233 = arith.constant 0 : i32
    %dma_wait3A_234 = arith.constant 0 : i32
    %dma_wait3A_235 = tpu.memref_slice %arg6[%dma_wait3A_221, %dma_wait3A_233, %dma_wait3A_234] : memref<2x512x32xf32, #tpu.memory_space<vmem>> -> memref<1x512x32xf32, #tpu.memory_space<vmem>>
    %dma_wait3A_236 = tpu.memref_squeeze %dma_wait3A_235 : memref<1x512x32xf32, #tpu.memory_space<vmem>> -> memref<512x32xf32, #tpu.memory_space<vmem>>
    tpu.wait_dma2 semaphore(%arg8 : memref<!tpu.dma_semaphore, #tpu.memory_space<semaphore_mem>>) src(%dma_wait3A_236 : memref<512x32xf32, #tpu.memory_space<vmem>>) dst(%dma_wait3A_232 : memref<512x32xf32, #tpu.memory_space<hbm>>)
    %dma_start3A_237 = arith.constant 5 : i32
    %dma_start3A_238 = arith.constant 1 : i32
    %dma_start3A_239 = arith.constant 0 : i32
    %dma_start3A_240 = arith.constant 0 : i32
    %dma_start3A_241 = tpu.memref_slice %arg6[%dma_start3A_238, %dma_start3A_239, %dma_start3A_240] : memref<2x512x32xf32, #tpu.memory_space<vmem>> -> memref<1x512x32xf32, #tpu.memory_space<vmem>>
    %dma_start3A_242 = tpu.memref_squeeze %dma_start3A_241 : memref<1x512x32xf32, #tpu.memory_space<vmem>> -> memref<512x32xf32, #tpu.memory_space<vmem>>
    %dma_start3A_243 = arith.constant 0 : i32
    %dma_start3A_244 = tpu.memref_slice %arg5[%dma_start3A_237, %dma_start3A_243] : memref<26x512xi32, #tpu.memory_space<vmem>> -> memref<1x512xi32, #tpu.memory_space<vmem>>
    %dma_start3A_245 = tpu.memref_squeeze %dma_start3A_244 : memref<1x512xi32, #tpu.memory_space<vmem>> -> memref<512xi32, #tpu.memory_space<vmem>>
    %dma_start3A_246 = arith.constant 0 : i32
    %dma_start3A_247 = arith.constant 0 : i32
    %dma_start3A_248 = tpu.memref_slice %arg3[%dma_start3A_246, %dma_start3A_247] : memref<1000000x32xf32, #tpu.memory_space<hbm>> -> memref<1000000x32xf32, #tpu.memory_space<hbm>>
    tpu.enqueue_indirect_dma source(%dma_start3A_248 : memref<1000000x32xf32, #tpu.memory_space<hbm>>) target(%dma_start3A_242 : memref<512x32xf32, #tpu.memory_space<vmem>>) offsets(%dma_start3A_245 : memref<512xi32, #tpu.memory_space<vmem>>) semaphore(%arg7 : memref<!tpu.dma_semaphore, #tpu.memory_space<semaphore_mem>>)
    %dma_wait3A_249 = arith.constant 4 : i32
    %dma_wait3A_250 = arith.constant 0 : i32
    %dma_wait3A_251 = arith.constant 0 : i32
    %dma_wait3A_252 = arith.constant 0 : i32
    %dma_wait3A_253 = tpu.memref_slice %arg6[%dma_wait3A_250, %dma_wait3A_251, %dma_wait3A_252] : memref<2x512x32xf32, #tpu.memory_space<vmem>> -> memref<1x512x32xf32, #tpu.memory_space<vmem>>
    %dma_wait3A_254 = tpu.memref_squeeze %dma_wait3A_253 : memref<1x512x32xf32, #tpu.memory_space<vmem>> -> memref<512x32xf32, #tpu.memory_space<vmem>>
    %dma_wait3A_255 = arith.constant 0 : i32
    %dma_wait3A_256 = tpu.memref_slice %arg5[%dma_wait3A_249, %dma_wait3A_255] : memref<26x512xi32, #tpu.memory_space<vmem>> -> memref<1x512xi32, #tpu.memory_space<vmem>>
    %dma_wait3A_257 = tpu.memref_squeeze %dma_wait3A_256 : memref<1x512xi32, #tpu.memory_space<vmem>> -> memref<512xi32, #tpu.memory_space<vmem>>
    %dma_wait3A_258 = arith.constant 0 : i32
    %dma_wait3A_259 = arith.constant 0 : i32
    %dma_wait3A_260 = tpu.memref_slice %arg3[%dma_wait3A_258, %dma_wait3A_259] : memref<1000000x32xf32, #tpu.memory_space<hbm>> -> memref<1000000x32xf32, #tpu.memory_space<hbm>>
    tpu.wait_indirect_dma semaphore(%arg7 : memref<!tpu.dma_semaphore, #tpu.memory_space<semaphore_mem>>) src(%dma_wait3A_260 : memref<1000000x32xf32, #tpu.memory_space<hbm>>) dst(%dma_wait3A_254 : memref<512x32xf32, #tpu.memory_space<vmem>>)
    %dma_start3A_261 = arith.constant 0 : i32
    %dma_start3A_262 = arith.constant 4 : i32
    %dma_start3A_263 = arith.constant 0 : i32
    %dma_start3A_264 = arith.constant 0 : i32
    %dma_start3A_265 = tpu.memref_slice %arg6[%dma_start3A_261, %dma_start3A_263, %dma_start3A_264] : memref<2x512x32xf32, #tpu.memory_space<vmem>> -> memref<1x512x32xf32, #tpu.memory_space<vmem>>
    %dma_start3A_266 = tpu.memref_squeeze %dma_start3A_265 : memref<1x512x32xf32, #tpu.memory_space<vmem>> -> memref<512x32xf32, #tpu.memory_space<vmem>>
    %dma_start3A_267 = arith.constant 0 : i32
    %dma_start3A_268 = tpu.memref_slice %arg4[%dma_start3A_262, %mul3A_2, %dma_start3A_267] : memref<26x16384x128xf32, #tpu.memory_space<hbm>> -> memref<1x512x32xf32, #tpu.memory_space<hbm>>
    %dma_start3A_269 = tpu.memref_squeeze %dma_start3A_268 : memref<1x512x32xf32, #tpu.memory_space<hbm>> -> memref<512x32xf32, #tpu.memory_space<hbm>>
    %dma_start3A_270 = arith.constant 0 : i32
    %dma_start3A_271 = tpu.memref_slice %arg4[%dma_start3A_262, %mul3A_2, %dma_start3A_270] : memref<26x16384x128xf32, #tpu.memory_space<hbm>> -> memref<1x512x32xf32, #tpu.memory_space<hbm>>
    %dma_start3A_272 = tpu.memref_squeeze %dma_start3A_271 : memref<1x512x32xf32, #tpu.memory_space<hbm>> -> memref<512x32xf32, #tpu.memory_space<hbm>>
    %dma_start3A_273 = arith.constant 0 : i32
    %dma_start3A_274 = arith.constant 0 : i32
    %dma_start3A_275 = tpu.memref_slice %arg6[%dma_start3A_261, %dma_start3A_273, %dma_start3A_274] : memref<2x512x32xf32, #tpu.memory_space<vmem>> -> memref<1x512x32xf32, #tpu.memory_space<vmem>>
    %dma_start3A_276 = tpu.memref_squeeze %dma_start3A_275 : memref<1x512x32xf32, #tpu.memory_space<vmem>> -> memref<512x32xf32, #tpu.memory_space<vmem>>
    tpu.enqueue_dma source(%dma_start3A_276 : memref<512x32xf32, #tpu.memory_space<vmem>>) target(%dma_start3A_272 : memref<512x32xf32, #tpu.memory_space<hbm>>) target_semaphore(%arg8 : memref<!tpu.dma_semaphore, #tpu.memory_space<semaphore_mem>>)
    %dma_wait3A_277 = arith.constant 0 : i32
    %dma_wait3A_278 = arith.constant 4 : i32
    %dma_wait3A_279 = arith.constant 0 : i32
    %dma_wait3A_280 = arith.constant 0 : i32
    %dma_wait3A_281 = tpu.memref_slice %arg6[%dma_wait3A_277, %dma_wait3A_279, %dma_wait3A_280] : memref<2x512x32xf32, #tpu.memory_space<vmem>> -> memref<1x512x32xf32, #tpu.memory_space<vmem>>
    %dma_wait3A_282 = tpu.memref_squeeze %dma_wait3A_281 : memref<1x512x32xf32, #tpu.memory_space<vmem>> -> memref<512x32xf32, #tpu.memory_space<vmem>>
    %dma_wait3A_283 = arith.constant 0 : i32
    %dma_wait3A_284 = tpu.memref_slice %arg4[%dma_wait3A_278, %mul3A_2, %dma_wait3A_283] : memref<26x16384x128xf32, #tpu.memory_space<hbm>> -> memref<1x512x32xf32, #tpu.memory_space<hbm>>
    %dma_wait3A_285 = tpu.memref_squeeze %dma_wait3A_284 : memref<1x512x32xf32, #tpu.memory_space<hbm>> -> memref<512x32xf32, #tpu.memory_space<hbm>>
    %dma_wait3A_286 = arith.constant 0 : i32
    %dma_wait3A_287 = tpu.memref_slice %arg4[%dma_wait3A_278, %mul3A_2, %dma_wait3A_286] : memref<26x16384x128xf32, #tpu.memory_space<hbm>> -> memref<1x512x32xf32, #tpu.memory_space<hbm>>
    %dma_wait3A_288 = tpu.memref_squeeze %dma_wait3A_287 : memref<1x512x32xf32, #tpu.memory_space<hbm>> -> memref<512x32xf32, #tpu.memory_space<hbm>>
    %dma_wait3A_289 = arith.constant 0 : i32
    %dma_wait3A_290 = arith.constant 0 : i32
    %dma_wait3A_291 = tpu.memref_slice %arg6[%dma_wait3A_277, %dma_wait3A_289, %dma_wait3A_290] : memref<2x512x32xf32, #tpu.memory_space<vmem>> -> memref<1x512x32xf32, #tpu.memory_space<vmem>>
    %dma_wait3A_292 = tpu.memref_squeeze %dma_wait3A_291 : memref<1x512x32xf32, #tpu.memory_space<vmem>> -> memref<512x32xf32, #tpu.memory_space<vmem>>
    tpu.wait_dma2 semaphore(%arg8 : memref<!tpu.dma_semaphore, #tpu.memory_space<semaphore_mem>>) src(%dma_wait3A_292 : memref<512x32xf32, #tpu.memory_space<vmem>>) dst(%dma_wait3A_288 : memref<512x32xf32, #tpu.memory_space<hbm>>)
    %dma_start3A_293 = arith.constant 6 : i32
    %dma_start3A_294 = arith.constant 0 : i32
    %dma_start3A_295 = arith.constant 0 : i32
    %dma_start3A_296 = arith.constant 0 : i32
    %dma_start3A_297 = tpu.memref_slice %arg6[%dma_start3A_294, %dma_start3A_295, %dma_start3A_296] : memref<2x512x32xf32, #tpu.memory_space<vmem>> -> memref<1x512x32xf32, #tpu.memory_space<vmem>>
    %dma_start3A_298 = tpu.memref_squeeze %dma_start3A_297 : memref<1x512x32xf32, #tpu.memory_space<vmem>> -> memref<512x32xf32, #tpu.memory_space<vmem>>
    %dma_start3A_299 = arith.constant 0 : i32
    %dma_start3A_300 = tpu.memref_slice %arg5[%dma_start3A_293, %dma_start3A_299] : memref<26x512xi32, #tpu.memory_space<vmem>> -> memref<1x512xi32, #tpu.memory_space<vmem>>
    %dma_start3A_301 = tpu.memref_squeeze %dma_start3A_300 : memref<1x512xi32, #tpu.memory_space<vmem>> -> memref<512xi32, #tpu.memory_space<vmem>>
    %dma_start3A_302 = arith.constant 0 : i32
    %dma_start3A_303 = arith.constant 0 : i32
    %dma_start3A_304 = tpu.memref_slice %arg3[%dma_start3A_302, %dma_start3A_303] : memref<1000000x32xf32, #tpu.memory_space<hbm>> -> memref<1000000x32xf32, #tpu.memory_space<hbm>>
    tpu.enqueue_indirect_dma source(%dma_start3A_304 : memref<1000000x32xf32, #tpu.memory_space<hbm>>) target(%dma_start3A_298 : memref<512x32xf32, #tpu.memory_space<vmem>>) offsets(%dma_start3A_301 : memref<512xi32, #tpu.memory_space<vmem>>) semaphore(%arg7 : memref<!tpu.dma_semaphore, #tpu.memory_space<semaphore_mem>>)
    %dma_wait3A_305 = arith.constant 5 : i32
    %dma_wait3A_306 = arith.constant 1 : i32
    %dma_wait3A_307 = arith.constant 0 : i32
    %dma_wait3A_308 = arith.constant 0 : i32
    %dma_wait3A_309 = tpu.memref_slice %arg6[%dma_wait3A_306, %dma_wait3A_307, %dma_wait3A_308] : memref<2x512x32xf32, #tpu.memory_space<vmem>> -> memref<1x512x32xf32, #tpu.memory_space<vmem>>
    %dma_wait3A_310 = tpu.memref_squeeze %dma_wait3A_309 : memref<1x512x32xf32, #tpu.memory_space<vmem>> -> memref<512x32xf32, #tpu.memory_space<vmem>>
    %dma_wait3A_311 = arith.constant 0 : i32
    %dma_wait3A_312 = tpu.memref_slice %arg5[%dma_wait3A_305, %dma_wait3A_311] : memref<26x512xi32, #tpu.memory_space<vmem>> -> memref<1x512xi32, #tpu.memory_space<vmem>>
    %dma_wait3A_313 = tpu.memref_squeeze %dma_wait3A_312 : memref<1x512xi32, #tpu.memory_space<vmem>> -> memref<512xi32, #tpu.memory_space<vmem>>
    %dma_wait3A_314 = arith.constant 0 : i32
    %dma_wait3A_315 = arith.constant 0 : i32
    %dma_wait3A_316 = tpu.memref_slice %arg3[%dma_wait3A_314, %dma_wait3A_315] : memref<1000000x32xf32, #tpu.memory_space<hbm>> -> memref<1000000x32xf32, #tpu.memory_space<hbm>>
    tpu.wait_indirect_dma semaphore(%arg7 : memref<!tpu.dma_semaphore, #tpu.memory_space<semaphore_mem>>) src(%dma_wait3A_316 : memref<1000000x32xf32, #tpu.memory_space<hbm>>) dst(%dma_wait3A_310 : memref<512x32xf32, #tpu.memory_space<vmem>>)
    %dma_start3A_317 = arith.constant 1 : i32
    %dma_start3A_318 = arith.constant 5 : i32
    %dma_start3A_319 = arith.constant 0 : i32
    %dma_start3A_320 = arith.constant 0 : i32
    %dma_start3A_321 = tpu.memref_slice %arg6[%dma_start3A_317, %dma_start3A_319, %dma_start3A_320] : memref<2x512x32xf32, #tpu.memory_space<vmem>> -> memref<1x512x32xf32, #tpu.memory_space<vmem>>
    %dma_start3A_322 = tpu.memref_squeeze %dma_start3A_321 : memref<1x512x32xf32, #tpu.memory_space<vmem>> -> memref<512x32xf32, #tpu.memory_space<vmem>>
    %dma_start3A_323 = arith.constant 0 : i32
    %dma_start3A_324 = tpu.memref_slice %arg4[%dma_start3A_318, %mul3A_2, %dma_start3A_323] : memref<26x16384x128xf32, #tpu.memory_space<hbm>> -> memref<1x512x32xf32, #tpu.memory_space<hbm>>
    %dma_start3A_325 = tpu.memref_squeeze %dma_start3A_324 : memref<1x512x32xf32, #tpu.memory_space<hbm>> -> memref<512x32xf32, #tpu.memory_space<hbm>>
    %dma_start3A_326 = arith.constant 0 : i32
    %dma_start3A_327 = tpu.memref_slice %arg4[%dma_start3A_318, %mul3A_2, %dma_start3A_326] : memref<26x16384x128xf32, #tpu.memory_space<hbm>> -> memref<1x512x32xf32, #tpu.memory_space<hbm>>
    %dma_start3A_328 = tpu.memref_squeeze %dma_start3A_327 : memref<1x512x32xf32, #tpu.memory_space<hbm>> -> memref<512x32xf32, #tpu.memory_space<hbm>>
    %dma_start3A_329 = arith.constant 0 : i32
    %dma_start3A_330 = arith.constant 0 : i32
    %dma_start3A_331 = tpu.memref_slice %arg6[%dma_start3A_317, %dma_start3A_329, %dma_start3A_330] : memref<2x512x32xf32, #tpu.memory_space<vmem>> -> memref<1x512x32xf32, #tpu.memory_space<vmem>>
    %dma_start3A_332 = tpu.memref_squeeze %dma_start3A_331 : memref<1x512x32xf32, #tpu.memory_space<vmem>> -> memref<512x32xf32, #tpu.memory_space<vmem>>
    tpu.enqueue_dma source(%dma_start3A_332 : memref<512x32xf32, #tpu.memory_space<vmem>>) target(%dma_start3A_328 : memref<512x32xf32, #tpu.memory_space<hbm>>) target_semaphore(%arg8 : memref<!tpu.dma_semaphore, #tpu.memory_space<semaphore_mem>>)
    %dma_wait3A_333 = arith.constant 1 : i32
    %dma_wait3A_334 = arith.constant 5 : i32
    %dma_wait3A_335 = arith.constant 0 : i32
    %dma_wait3A_336 = arith.constant 0 : i32
    %dma_wait3A_337 = tpu.memref_slice %arg6[%dma_wait3A_333, %dma_wait3A_335, %dma_wait3A_336] : memref<2x512x32xf32, #tpu.memory_space<vmem>> -> memref<1x512x32xf32, #tpu.memory_space<vmem>>
    %dma_wait3A_338 = tpu.memref_squeeze %dma_wait3A_337 : memref<1x512x32xf32, #tpu.memory_space<vmem>> -> memref<512x32xf32, #tpu.memory_space<vmem>>
    %dma_wait3A_339 = arith.constant 0 : i32
    %dma_wait3A_340 = tpu.memref_slice %arg4[%dma_wait3A_334, %mul3A_2, %dma_wait3A_339] : memref<26x16384x128xf32, #tpu.memory_space<hbm>> -> memref<1x512x32xf32, #tpu.memory_space<hbm>>
    %dma_wait3A_341 = tpu.memref_squeeze %dma_wait3A_340 : memref<1x512x32xf32, #tpu.memory_space<hbm>> -> memref<512x32xf32, #tpu.memory_space<hbm>>
    %dma_wait3A_342 = arith.constant 0 : i32
    %dma_wait3A_343 = tpu.memref_slice %arg4[%dma_wait3A_334, %mul3A_2, %dma_wait3A_342] : memref<26x16384x128xf32, #tpu.memory_space<hbm>> -> memref<1x512x32xf32, #tpu.memory_space<hbm>>
    %dma_wait3A_344 = tpu.memref_squeeze %dma_wait3A_343 : memref<1x512x32xf32, #tpu.memory_space<hbm>> -> memref<512x32xf32, #tpu.memory_space<hbm>>
    %dma_wait3A_345 = arith.constant 0 : i32
    %dma_wait3A_346 = arith.constant 0 : i32
    %dma_wait3A_347 = tpu.memref_slice %arg6[%dma_wait3A_333, %dma_wait3A_345, %dma_wait3A_346] : memref<2x512x32xf32, #tpu.memory_space<vmem>> -> memref<1x512x32xf32, #tpu.memory_space<vmem>>
    %dma_wait3A_348 = tpu.memref_squeeze %dma_wait3A_347 : memref<1x512x32xf32, #tpu.memory_space<vmem>> -> memref<512x32xf32, #tpu.memory_space<vmem>>
    tpu.wait_dma2 semaphore(%arg8 : memref<!tpu.dma_semaphore, #tpu.memory_space<semaphore_mem>>) src(%dma_wait3A_348 : memref<512x32xf32, #tpu.memory_space<vmem>>) dst(%dma_wait3A_344 : memref<512x32xf32, #tpu.memory_space<hbm>>)
    %dma_start3A_349 = arith.constant 7 : i32
    %dma_start3A_350 = arith.constant 1 : i32
    %dma_start3A_351 = arith.constant 0 : i32
    %dma_start3A_352 = arith.constant 0 : i32
    %dma_start3A_353 = tpu.memref_slice %arg6[%dma_start3A_350, %dma_start3A_351, %dma_start3A_352] : memref<2x512x32xf32, #tpu.memory_space<vmem>> -> memref<1x512x32xf32, #tpu.memory_space<vmem>>
    %dma_start3A_354 = tpu.memref_squeeze %dma_start3A_353 : memref<1x512x32xf32, #tpu.memory_space<vmem>> -> memref<512x32xf32, #tpu.memory_space<vmem>>
    %dma_start3A_355 = arith.constant 0 : i32
    %dma_start3A_356 = tpu.memref_slice %arg5[%dma_start3A_349, %dma_start3A_355] : memref<26x512xi32, #tpu.memory_space<vmem>> -> memref<1x512xi32, #tpu.memory_space<vmem>>
    %dma_start3A_357 = tpu.memref_squeeze %dma_start3A_356 : memref<1x512xi32, #tpu.memory_space<vmem>> -> memref<512xi32, #tpu.memory_space<vmem>>
    %dma_start3A_358 = arith.constant 0 : i32
    %dma_start3A_359 = arith.constant 0 : i32
    %dma_start3A_360 = tpu.memref_slice %arg3[%dma_start3A_358, %dma_start3A_359] : memref<1000000x32xf32, #tpu.memory_space<hbm>> -> memref<1000000x32xf32, #tpu.memory_space<hbm>>
    tpu.enqueue_indirect_dma source(%dma_start3A_360 : memref<1000000x32xf32, #tpu.memory_space<hbm>>) target(%dma_start3A_354 : memref<512x32xf32, #tpu.memory_space<vmem>>) offsets(%dma_start3A_357 : memref<512xi32, #tpu.memory_space<vmem>>) semaphore(%arg7 : memref<!tpu.dma_semaphore, #tpu.memory_space<semaphore_mem>>)
    %dma_wait3A_361 = arith.constant 6 : i32
    %dma_wait3A_362 = arith.constant 0 : i32
    %dma_wait3A_363 = arith.constant 0 : i32
    %dma_wait3A_364 = arith.constant 0 : i32
    %dma_wait3A_365 = tpu.memref_slice %arg6[%dma_wait3A_362, %dma_wait3A_363, %dma_wait3A_364] : memref<2x512x32xf32, #tpu.memory_space<vmem>> -> memref<1x512x32xf32, #tpu.memory_space<vmem>>
    %dma_wait3A_366 = tpu.memref_squeeze %dma_wait3A_365 : memref<1x512x32xf32, #tpu.memory_space<vmem>> -> memref<512x32xf32, #tpu.memory_space<vmem>>
    %dma_wait3A_367 = arith.constant 0 : i32
    %dma_wait3A_368 = tpu.memref_slice %arg5[%dma_wait3A_361, %dma_wait3A_367] : memref<26x512xi32, #tpu.memory_space<vmem>> -> memref<1x512xi32, #tpu.memory_space<vmem>>
    %dma_wait3A_369 = tpu.memref_squeeze %dma_wait3A_368 : memref<1x512xi32, #tpu.memory_space<vmem>> -> memref<512xi32, #tpu.memory_space<vmem>>
    %dma_wait3A_370 = arith.constant 0 : i32
    %dma_wait3A_371 = arith.constant 0 : i32
    %dma_wait3A_372 = tpu.memref_slice %arg3[%dma_wait3A_370, %dma_wait3A_371] : memref<1000000x32xf32, #tpu.memory_space<hbm>> -> memref<1000000x32xf32, #tpu.memory_space<hbm>>
    tpu.wait_indirect_dma semaphore(%arg7 : memref<!tpu.dma_semaphore, #tpu.memory_space<semaphore_mem>>) src(%dma_wait3A_372 : memref<1000000x32xf32, #tpu.memory_space<hbm>>) dst(%dma_wait3A_366 : memref<512x32xf32, #tpu.memory_space<vmem>>)
    %dma_start3A_373 = arith.constant 0 : i32
    %dma_start3A_374 = arith.constant 6 : i32
    %dma_start3A_375 = arith.constant 0 : i32
    %dma_start3A_376 = arith.constant 0 : i32
    %dma_start3A_377 = tpu.memref_slice %arg6[%dma_start3A_373, %dma_start3A_375, %dma_start3A_376] : memref<2x512x32xf32, #tpu.memory_space<vmem>> -> memref<1x512x32xf32, #tpu.memory_space<vmem>>
    %dma_start3A_378 = tpu.memref_squeeze %dma_start3A_377 : memref<1x512x32xf32, #tpu.memory_space<vmem>> -> memref<512x32xf32, #tpu.memory_space<vmem>>
    %dma_start3A_379 = arith.constant 0 : i32
    %dma_start3A_380 = tpu.memref_slice %arg4[%dma_start3A_374, %mul3A_2, %dma_start3A_379] : memref<26x16384x128xf32, #tpu.memory_space<hbm>> -> memref<1x512x32xf32, #tpu.memory_space<hbm>>
    %dma_start3A_381 = tpu.memref_squeeze %dma_start3A_380 : memref<1x512x32xf32, #tpu.memory_space<hbm>> -> memref<512x32xf32, #tpu.memory_space<hbm>>
    %dma_start3A_382 = arith.constant 0 : i32
    %dma_start3A_383 = tpu.memref_slice %arg4[%dma_start3A_374, %mul3A_2, %dma_start3A_382] : memref<26x16384x128xf32, #tpu.memory_space<hbm>> -> memref<1x512x32xf32, #tpu.memory_space<hbm>>
    %dma_start3A_384 = tpu.memref_squeeze %dma_start3A_383 : memref<1x512x32xf32, #tpu.memory_space<hbm>> -> memref<512x32xf32, #tpu.memory_space<hbm>>
    %dma_start3A_385 = arith.constant 0 : i32
    %dma_start3A_386 = arith.constant 0 : i32
    %dma_start3A_387 = tpu.memref_slice %arg6[%dma_start3A_373, %dma_start3A_385, %dma_start3A_386] : memref<2x512x32xf32, #tpu.memory_space<vmem>> -> memref<1x512x32xf32, #tpu.memory_space<vmem>>
    %dma_start3A_388 = tpu.memref_squeeze %dma_start3A_387 : memref<1x512x32xf32, #tpu.memory_space<vmem>> -> memref<512x32xf32, #tpu.memory_space<vmem>>
    tpu.enqueue_dma source(%dma_start3A_388 : memref<512x32xf32, #tpu.memory_space<vmem>>) target(%dma_start3A_384 : memref<512x32xf32, #tpu.memory_space<hbm>>) target_semaphore(%arg8 : memref<!tpu.dma_semaphore, #tpu.memory_space<semaphore_mem>>)
    %dma_wait3A_389 = arith.constant 0 : i32
    %dma_wait3A_390 = arith.constant 6 : i32
    %dma_wait3A_391 = arith.constant 0 : i32
    %dma_wait3A_392 = arith.constant 0 : i32
    %dma_wait3A_393 = tpu.memref_slice %arg6[%dma_wait3A_389, %dma_wait3A_391, %dma_wait3A_392] : memref<2x512x32xf32, #tpu.memory_space<vmem>> -> memref<1x512x32xf32, #tpu.memory_space<vmem>>
    %dma_wait3A_394 = tpu.memref_squeeze %dma_wait3A_393 : memref<1x512x32xf32, #tpu.memory_space<vmem>> -> memref<512x32xf32, #tpu.memory_space<vmem>>
    %dma_wait3A_395 = arith.constant 0 : i32
    %dma_wait3A_396 = tpu.memref_slice %arg4[%dma_wait3A_390, %mul3A_2, %dma_wait3A_395] : memref<26x16384x128xf32, #tpu.memory_space<hbm>> -> memref<1x512x32xf32, #tpu.memory_space<hbm>>
    %dma_wait3A_397 = tpu.memref_squeeze %dma_wait3A_396 : memref<1x512x32xf32, #tpu.memory_space<hbm>> -> memref<512x32xf32, #tpu.memory_space<hbm>>
    %dma_wait3A_398 = arith.constant 0 : i32
    %dma_wait3A_399 = tpu.memref_slice %arg4[%dma_wait3A_390, %mul3A_2, %dma_wait3A_398] : memref<26x16384x128xf32, #tpu.memory_space<hbm>> -> memref<1x512x32xf32, #tpu.memory_space<hbm>>
    %dma_wait3A_400 = tpu.memref_squeeze %dma_wait3A_399 : memref<1x512x32xf32, #tpu.memory_space<hbm>> -> memref<512x32xf32, #tpu.memory_space<hbm>>
    %dma_wait3A_401 = arith.constant 0 : i32
    %dma_wait3A_402 = arith.constant 0 : i32
    %dma_wait3A_403 = tpu.memref_slice %arg6[%dma_wait3A_389, %dma_wait3A_401, %dma_wait3A_402] : memref<2x512x32xf32, #tpu.memory_space<vmem>> -> memref<1x512x32xf32, #tpu.memory_space<vmem>>
    %dma_wait3A_404 = tpu.memref_squeeze %dma_wait3A_403 : memref<1x512x32xf32, #tpu.memory_space<vmem>> -> memref<512x32xf32, #tpu.memory_space<vmem>>
    tpu.wait_dma2 semaphore(%arg8 : memref<!tpu.dma_semaphore, #tpu.memory_space<semaphore_mem>>) src(%dma_wait3A_404 : memref<512x32xf32, #tpu.memory_space<vmem>>) dst(%dma_wait3A_400 : memref<512x32xf32, #tpu.memory_space<hbm>>)
    %dma_start3A_405 = arith.constant 8 : i32
    %dma_start3A_406 = arith.constant 0 : i32
    %dma_start3A_407 = arith.constant 0 : i32
    %dma_start3A_408 = arith.constant 0 : i32
    %dma_start3A_409 = tpu.memref_slice %arg6[%dma_start3A_406, %dma_start3A_407, %dma_start3A_408] : memref<2x512x32xf32, #tpu.memory_space<vmem>> -> memref<1x512x32xf32, #tpu.memory_space<vmem>>
    %dma_start3A_410 = tpu.memref_squeeze %dma_start3A_409 : memref<1x512x32xf32, #tpu.memory_space<vmem>> -> memref<512x32xf32, #tpu.memory_space<vmem>>
    %dma_start3A_411 = arith.constant 0 : i32
    %dma_start3A_412 = tpu.memref_slice %arg5[%dma_start3A_405, %dma_start3A_411] : memref<26x512xi32, #tpu.memory_space<vmem>> -> memref<1x512xi32, #tpu.memory_space<vmem>>
    %dma_start3A_413 = tpu.memref_squeeze %dma_start3A_412 : memref<1x512xi32, #tpu.memory_space<vmem>> -> memref<512xi32, #tpu.memory_space<vmem>>
    %dma_start3A_414 = arith.constant 0 : i32
    %dma_start3A_415 = arith.constant 0 : i32
    %dma_start3A_416 = tpu.memref_slice %arg3[%dma_start3A_414, %dma_start3A_415] : memref<1000000x32xf32, #tpu.memory_space<hbm>> -> memref<1000000x32xf32, #tpu.memory_space<hbm>>
    tpu.enqueue_indirect_dma source(%dma_start3A_416 : memref<1000000x32xf32, #tpu.memory_space<hbm>>) target(%dma_start3A_410 : memref<512x32xf32, #tpu.memory_space<vmem>>) offsets(%dma_start3A_413 : memref<512xi32, #tpu.memory_space<vmem>>) semaphore(%arg7 : memref<!tpu.dma_semaphore, #tpu.memory_space<semaphore_mem>>)
    %dma_wait3A_417 = arith.constant 7 : i32
    %dma_wait3A_418 = arith.constant 1 : i32
    %dma_wait3A_419 = arith.constant 0 : i32
    %dma_wait3A_420 = arith.constant 0 : i32
    %dma_wait3A_421 = tpu.memref_slice %arg6[%dma_wait3A_418, %dma_wait3A_419, %dma_wait3A_420] : memref<2x512x32xf32, #tpu.memory_space<vmem>> -> memref<1x512x32xf32, #tpu.memory_space<vmem>>
    %dma_wait3A_422 = tpu.memref_squeeze %dma_wait3A_421 : memref<1x512x32xf32, #tpu.memory_space<vmem>> -> memref<512x32xf32, #tpu.memory_space<vmem>>
    %dma_wait3A_423 = arith.constant 0 : i32
    %dma_wait3A_424 = tpu.memref_slice %arg5[%dma_wait3A_417, %dma_wait3A_423] : memref<26x512xi32, #tpu.memory_space<vmem>> -> memref<1x512xi32, #tpu.memory_space<vmem>>
    %dma_wait3A_425 = tpu.memref_squeeze %dma_wait3A_424 : memref<1x512xi32, #tpu.memory_space<vmem>> -> memref<512xi32, #tpu.memory_space<vmem>>
    %dma_wait3A_426 = arith.constant 0 : i32
    %dma_wait3A_427 = arith.constant 0 : i32
    %dma_wait3A_428 = tpu.memref_slice %arg3[%dma_wait3A_426, %dma_wait3A_427] : memref<1000000x32xf32, #tpu.memory_space<hbm>> -> memref<1000000x32xf32, #tpu.memory_space<hbm>>
    tpu.wait_indirect_dma semaphore(%arg7 : memref<!tpu.dma_semaphore, #tpu.memory_space<semaphore_mem>>) src(%dma_wait3A_428 : memref<1000000x32xf32, #tpu.memory_space<hbm>>) dst(%dma_wait3A_422 : memref<512x32xf32, #tpu.memory_space<vmem>>)
    %dma_start3A_429 = arith.constant 1 : i32
    %dma_start3A_430 = arith.constant 7 : i32
    %dma_start3A_431 = arith.constant 0 : i32
    %dma_start3A_432 = arith.constant 0 : i32
    %dma_start3A_433 = tpu.memref_slice %arg6[%dma_start3A_429, %dma_start3A_431, %dma_start3A_432] : memref<2x512x32xf32, #tpu.memory_space<vmem>> -> memref<1x512x32xf32, #tpu.memory_space<vmem>>
    %dma_start3A_434 = tpu.memref_squeeze %dma_start3A_433 : memref<1x512x32xf32, #tpu.memory_space<vmem>> -> memref<512x32xf32, #tpu.memory_space<vmem>>
    %dma_start3A_435 = arith.constant 0 : i32
    %dma_start3A_436 = tpu.memref_slice %arg4[%dma_start3A_430, %mul3A_2, %dma_start3A_435] : memref<26x16384x128xf32, #tpu.memory_space<hbm>> -> memref<1x512x32xf32, #tpu.memory_space<hbm>>
    %dma_start3A_437 = tpu.memref_squeeze %dma_start3A_436 : memref<1x512x32xf32, #tpu.memory_space<hbm>> -> memref<512x32xf32, #tpu.memory_space<hbm>>
    %dma_start3A_438 = arith.constant 0 : i32
    %dma_start3A_439 = tpu.memref_slice %arg4[%dma_start3A_430, %mul3A_2, %dma_start3A_438] : memref<26x16384x128xf32, #tpu.memory_space<hbm>> -> memref<1x512x32xf32, #tpu.memory_space<hbm>>
    %dma_start3A_440 = tpu.memref_squeeze %dma_start3A_439 : memref<1x512x32xf32, #tpu.memory_space<hbm>> -> memref<512x32xf32, #tpu.memory_space<hbm>>
    %dma_start3A_441 = arith.constant 0 : i32
    %dma_start3A_442 = arith.constant 0 : i32
    %dma_start3A_443 = tpu.memref_slice %arg6[%dma_start3A_429, %dma_start3A_441, %dma_start3A_442] : memref<2x512x32xf32, #tpu.memory_space<vmem>> -> memref<1x512x32xf32, #tpu.memory_space<vmem>>
    %dma_start3A_444 = tpu.memref_squeeze %dma_start3A_443 : memref<1x512x32xf32, #tpu.memory_space<vmem>> -> memref<512x32xf32, #tpu.memory_space<vmem>>
    tpu.enqueue_dma source(%dma_start3A_444 : memref<512x32xf32, #tpu.memory_space<vmem>>) target(%dma_start3A_440 : memref<512x32xf32, #tpu.memory_space<hbm>>) target_semaphore(%arg8 : memref<!tpu.dma_semaphore, #tpu.memory_space<semaphore_mem>>)
    %dma_wait3A_445 = arith.constant 1 : i32
    %dma_wait3A_446 = arith.constant 7 : i32
    %dma_wait3A_447 = arith.constant 0 : i32
    %dma_wait3A_448 = arith.constant 0 : i32
    %dma_wait3A_449 = tpu.memref_slice %arg6[%dma_wait3A_445, %dma_wait3A_447, %dma_wait3A_448] : memref<2x512x32xf32, #tpu.memory_space<vmem>> -> memref<1x512x32xf32, #tpu.memory_space<vmem>>
    %dma_wait3A_450 = tpu.memref_squeeze %dma_wait3A_449 : memref<1x512x32xf32, #tpu.memory_space<vmem>> -> memref<512x32xf32, #tpu.memory_space<vmem>>
    %dma_wait3A_451 = arith.constant 0 : i32
    %dma_wait3A_452 = tpu.memref_slice %arg4[%dma_wait3A_446, %mul3A_2, %dma_wait3A_451] : memref<26x16384x128xf32, #tpu.memory_space<hbm>> -> memref<1x512x32xf32, #tpu.memory_space<hbm>>
    %dma_wait3A_453 = tpu.memref_squeeze %dma_wait3A_452 : memref<1x512x32xf32, #tpu.memory_space<hbm>> -> memref<512x32xf32, #tpu.memory_space<hbm>>
    %dma_wait3A_454 = arith.constant 0 : i32
    %dma_wait3A_455 = tpu.memref_slice %arg4[%dma_wait3A_446, %mul3A_2, %dma_wait3A_454] : memref<26x16384x128xf32, #tpu.memory_space<hbm>> -> memref<1x512x32xf32, #tpu.memory_space<hbm>>
    %dma_wait3A_456 = tpu.memref_squeeze %dma_wait3A_455 : memref<1x512x32xf32, #tpu.memory_space<hbm>> -> memref<512x32xf32, #tpu.memory_space<hbm>>
    %dma_wait3A_457 = arith.constant 0 : i32
    %dma_wait3A_458 = arith.constant 0 : i32
    %dma_wait3A_459 = tpu.memref_slice %arg6[%dma_wait3A_445, %dma_wait3A_457, %dma_wait3A_458] : memref<2x512x32xf32, #tpu.memory_space<vmem>> -> memref<1x512x32xf32, #tpu.memory_space<vmem>>
    %dma_wait3A_460 = tpu.memref_squeeze %dma_wait3A_459 : memref<1x512x32xf32, #tpu.memory_space<vmem>> -> memref<512x32xf32, #tpu.memory_space<vmem>>
    tpu.wait_dma2 semaphore(%arg8 : memref<!tpu.dma_semaphore, #tpu.memory_space<semaphore_mem>>) src(%dma_wait3A_460 : memref<512x32xf32, #tpu.memory_space<vmem>>) dst(%dma_wait3A_456 : memref<512x32xf32, #tpu.memory_space<hbm>>)
    %dma_start3A_461 = arith.constant 9 : i32
    %dma_start3A_462 = arith.constant 1 : i32
    %dma_start3A_463 = arith.constant 0 : i32
    %dma_start3A_464 = arith.constant 0 : i32
    %dma_start3A_465 = tpu.memref_slice %arg6[%dma_start3A_462, %dma_start3A_463, %dma_start3A_464] : memref<2x512x32xf32, #tpu.memory_space<vmem>> -> memref<1x512x32xf32, #tpu.memory_space<vmem>>
    %dma_start3A_466 = tpu.memref_squeeze %dma_start3A_465 : memref<1x512x32xf32, #tpu.memory_space<vmem>> -> memref<512x32xf32, #tpu.memory_space<vmem>>
    %dma_start3A_467 = arith.constant 0 : i32
    %dma_start3A_468 = tpu.memref_slice %arg5[%dma_start3A_461, %dma_start3A_467] : memref<26x512xi32, #tpu.memory_space<vmem>> -> memref<1x512xi32, #tpu.memory_space<vmem>>
    %dma_start3A_469 = tpu.memref_squeeze %dma_start3A_468 : memref<1x512xi32, #tpu.memory_space<vmem>> -> memref<512xi32, #tpu.memory_space<vmem>>
    %dma_start3A_470 = arith.constant 0 : i32
    %dma_start3A_471 = arith.constant 0 : i32
    %dma_start3A_472 = tpu.memref_slice %arg3[%dma_start3A_470, %dma_start3A_471] : memref<1000000x32xf32, #tpu.memory_space<hbm>> -> memref<1000000x32xf32, #tpu.memory_space<hbm>>
    tpu.enqueue_indirect_dma source(%dma_start3A_472 : memref<1000000x32xf32, #tpu.memory_space<hbm>>) target(%dma_start3A_466 : memref<512x32xf32, #tpu.memory_space<vmem>>) offsets(%dma_start3A_469 : memref<512xi32, #tpu.memory_space<vmem>>) semaphore(%arg7 : memref<!tpu.dma_semaphore, #tpu.memory_space<semaphore_mem>>)
    %dma_wait3A_473 = arith.constant 8 : i32
    %dma_wait3A_474 = arith.constant 0 : i32
    %dma_wait3A_475 = arith.constant 0 : i32
    %dma_wait3A_476 = arith.constant 0 : i32
    %dma_wait3A_477 = tpu.memref_slice %arg6[%dma_wait3A_474, %dma_wait3A_475, %dma_wait3A_476] : memref<2x512x32xf32, #tpu.memory_space<vmem>> -> memref<1x512x32xf32, #tpu.memory_space<vmem>>
    %dma_wait3A_478 = tpu.memref_squeeze %dma_wait3A_477 : memref<1x512x32xf32, #tpu.memory_space<vmem>> -> memref<512x32xf32, #tpu.memory_space<vmem>>
    %dma_wait3A_479 = arith.constant 0 : i32
    %dma_wait3A_480 = tpu.memref_slice %arg5[%dma_wait3A_473, %dma_wait3A_479] : memref<26x512xi32, #tpu.memory_space<vmem>> -> memref<1x512xi32, #tpu.memory_space<vmem>>
    %dma_wait3A_481 = tpu.memref_squeeze %dma_wait3A_480 : memref<1x512xi32, #tpu.memory_space<vmem>> -> memref<512xi32, #tpu.memory_space<vmem>>
    %dma_wait3A_482 = arith.constant 0 : i32
    %dma_wait3A_483 = arith.constant 0 : i32
    %dma_wait3A_484 = tpu.memref_slice %arg3[%dma_wait3A_482, %dma_wait3A_483] : memref<1000000x32xf32, #tpu.memory_space<hbm>> -> memref<1000000x32xf32, #tpu.memory_space<hbm>>
    tpu.wait_indirect_dma semaphore(%arg7 : memref<!tpu.dma_semaphore, #tpu.memory_space<semaphore_mem>>) src(%dma_wait3A_484 : memref<1000000x32xf32, #tpu.memory_space<hbm>>) dst(%dma_wait3A_478 : memref<512x32xf32, #tpu.memory_space<vmem>>)
    %dma_start3A_485 = arith.constant 0 : i32
    %dma_start3A_486 = arith.constant 8 : i32
    %dma_start3A_487 = arith.constant 0 : i32
    %dma_start3A_488 = arith.constant 0 : i32
    %dma_start3A_489 = tpu.memref_slice %arg6[%dma_start3A_485, %dma_start3A_487, %dma_start3A_488] : memref<2x512x32xf32, #tpu.memory_space<vmem>> -> memref<1x512x32xf32, #tpu.memory_space<vmem>>
    %dma_start3A_490 = tpu.memref_squeeze %dma_start3A_489 : memref<1x512x32xf32, #tpu.memory_space<vmem>> -> memref<512x32xf32, #tpu.memory_space<vmem>>
    %dma_start3A_491 = arith.constant 0 : i32
    %dma_start3A_492 = tpu.memref_slice %arg4[%dma_start3A_486, %mul3A_2, %dma_start3A_491] : memref<26x16384x128xf32, #tpu.memory_space<hbm>> -> memref<1x512x32xf32, #tpu.memory_space<hbm>>
    %dma_start3A_493 = tpu.memref_squeeze %dma_start3A_492 : memref<1x512x32xf32, #tpu.memory_space<hbm>> -> memref<512x32xf32, #tpu.memory_space<hbm>>
    %dma_start3A_494 = arith.constant 0 : i32
    %dma_start3A_495 = tpu.memref_slice %arg4[%dma_start3A_486, %mul3A_2, %dma_start3A_494] : memref<26x16384x128xf32, #tpu.memory_space<hbm>> -> memref<1x512x32xf32, #tpu.memory_space<hbm>>
    %dma_start3A_496 = tpu.memref_squeeze %dma_start3A_495 : memref<1x512x32xf32, #tpu.memory_space<hbm>> -> memref<512x32xf32, #tpu.memory_space<hbm>>
    %dma_start3A_497 = arith.constant 0 : i32
    %dma_start3A_498 = arith.constant 0 : i32
    %dma_start3A_499 = tpu.memref_slice %arg6[%dma_start3A_485, %dma_start3A_497, %dma_start3A_498] : memref<2x512x32xf32, #tpu.memory_space<vmem>> -> memref<1x512x32xf32, #tpu.memory_space<vmem>>
    %dma_start3A_500 = tpu.memref_squeeze %dma_start3A_499 : memref<1x512x32xf32, #tpu.memory_space<vmem>> -> memref<512x32xf32, #tpu.memory_space<vmem>>
    tpu.enqueue_dma source(%dma_start3A_500 : memref<512x32xf32, #tpu.memory_space<vmem>>) target(%dma_start3A_496 : memref<512x32xf32, #tpu.memory_space<hbm>>) target_semaphore(%arg8 : memref<!tpu.dma_semaphore, #tpu.memory_space<semaphore_mem>>)
    %dma_wait3A_501 = arith.constant 0 : i32
    %dma_wait3A_502 = arith.constant 8 : i32
    %dma_wait3A_503 = arith.constant 0 : i32
    %dma_wait3A_504 = arith.constant 0 : i32
    %dma_wait3A_505 = tpu.memref_slice %arg6[%dma_wait3A_501, %dma_wait3A_503, %dma_wait3A_504] : memref<2x512x32xf32, #tpu.memory_space<vmem>> -> memref<1x512x32xf32, #tpu.memory_space<vmem>>
    %dma_wait3A_506 = tpu.memref_squeeze %dma_wait3A_505 : memref<1x512x32xf32, #tpu.memory_space<vmem>> -> memref<512x32xf32, #tpu.memory_space<vmem>>
    %dma_wait3A_507 = arith.constant 0 : i32
    %dma_wait3A_508 = tpu.memref_slice %arg4[%dma_wait3A_502, %mul3A_2, %dma_wait3A_507] : memref<26x16384x128xf32, #tpu.memory_space<hbm>> -> memref<1x512x32xf32, #tpu.memory_space<hbm>>
    %dma_wait3A_509 = tpu.memref_squeeze %dma_wait3A_508 : memref<1x512x32xf32, #tpu.memory_space<hbm>> -> memref<512x32xf32, #tpu.memory_space<hbm>>
    %dma_wait3A_510 = arith.constant 0 : i32
    %dma_wait3A_511 = tpu.memref_slice %arg4[%dma_wait3A_502, %mul3A_2, %dma_wait3A_510] : memref<26x16384x128xf32, #tpu.memory_space<hbm>> -> memref<1x512x32xf32, #tpu.memory_space<hbm>>
    %dma_wait3A_512 = tpu.memref_squeeze %dma_wait3A_511 : memref<1x512x32xf32, #tpu.memory_space<hbm>> -> memref<512x32xf32, #tpu.memory_space<hbm>>
    %dma_wait3A_513 = arith.constant 0 : i32
    %dma_wait3A_514 = arith.constant 0 : i32
    %dma_wait3A_515 = tpu.memref_slice %arg6[%dma_wait3A_501, %dma_wait3A_513, %dma_wait3A_514] : memref<2x512x32xf32, #tpu.memory_space<vmem>> -> memref<1x512x32xf32, #tpu.memory_space<vmem>>
    %dma_wait3A_516 = tpu.memref_squeeze %dma_wait3A_515 : memref<1x512x32xf32, #tpu.memory_space<vmem>> -> memref<512x32xf32, #tpu.memory_space<vmem>>
    tpu.wait_dma2 semaphore(%arg8 : memref<!tpu.dma_semaphore, #tpu.memory_space<semaphore_mem>>) src(%dma_wait3A_516 : memref<512x32xf32, #tpu.memory_space<vmem>>) dst(%dma_wait3A_512 : memref<512x32xf32, #tpu.memory_space<hbm>>)
    %dma_start3A_517 = arith.constant 10 : i32
    %dma_start3A_518 = arith.constant 0 : i32
    %dma_start3A_519 = arith.constant 0 : i32
    %dma_start3A_520 = arith.constant 0 : i32
    %dma_start3A_521 = tpu.memref_slice %arg6[%dma_start3A_518, %dma_start3A_519, %dma_start3A_520] : memref<2x512x32xf32, #tpu.memory_space<vmem>> -> memref<1x512x32xf32, #tpu.memory_space<vmem>>
    %dma_start3A_522 = tpu.memref_squeeze %dma_start3A_521 : memref<1x512x32xf32, #tpu.memory_space<vmem>> -> memref<512x32xf32, #tpu.memory_space<vmem>>
    %dma_start3A_523 = arith.constant 0 : i32
    %dma_start3A_524 = tpu.memref_slice %arg5[%dma_start3A_517, %dma_start3A_523] : memref<26x512xi32, #tpu.memory_space<vmem>> -> memref<1x512xi32, #tpu.memory_space<vmem>>
    %dma_start3A_525 = tpu.memref_squeeze %dma_start3A_524 : memref<1x512xi32, #tpu.memory_space<vmem>> -> memref<512xi32, #tpu.memory_space<vmem>>
    %dma_start3A_526 = arith.constant 0 : i32
    %dma_start3A_527 = arith.constant 0 : i32
    %dma_start3A_528 = tpu.memref_slice %arg3[%dma_start3A_526, %dma_start3A_527] : memref<1000000x32xf32, #tpu.memory_space<hbm>> -> memref<1000000x32xf32, #tpu.memory_space<hbm>>
    tpu.enqueue_indirect_dma source(%dma_start3A_528 : memref<1000000x32xf32, #tpu.memory_space<hbm>>) target(%dma_start3A_522 : memref<512x32xf32, #tpu.memory_space<vmem>>) offsets(%dma_start3A_525 : memref<512xi32, #tpu.memory_space<vmem>>) semaphore(%arg7 : memref<!tpu.dma_semaphore, #tpu.memory_space<semaphore_mem>>)
    %dma_wait3A_529 = arith.constant 9 : i32
    %dma_wait3A_530 = arith.constant 1 : i32
    %dma_wait3A_531 = arith.constant 0 : i32
    %dma_wait3A_532 = arith.constant 0 : i32
    %dma_wait3A_533 = tpu.memref_slice %arg6[%dma_wait3A_530, %dma_wait3A_531, %dma_wait3A_532] : memref<2x512x32xf32, #tpu.memory_space<vmem>> -> memref<1x512x32xf32, #tpu.memory_space<vmem>>
    %dma_wait3A_534 = tpu.memref_squeeze %dma_wait3A_533 : memref<1x512x32xf32, #tpu.memory_space<vmem>> -> memref<512x32xf32, #tpu.memory_space<vmem>>
    %dma_wait3A_535 = arith.constant 0 : i32
    %dma_wait3A_536 = tpu.memref_slice %arg5[%dma_wait3A_529, %dma_wait3A_535] : memref<26x512xi32, #tpu.memory_space<vmem>> -> memref<1x512xi32, #tpu.memory_space<vmem>>
    %dma_wait3A_537 = tpu.memref_squeeze %dma_wait3A_536 : memref<1x512xi32, #tpu.memory_space<vmem>> -> memref<512xi32, #tpu.memory_space<vmem>>
    %dma_wait3A_538 = arith.constant 0 : i32
    %dma_wait3A_539 = arith.constant 0 : i32
    %dma_wait3A_540 = tpu.memref_slice %arg3[%dma_wait3A_538, %dma_wait3A_539] : memref<1000000x32xf32, #tpu.memory_space<hbm>> -> memref<1000000x32xf32, #tpu.memory_space<hbm>>
    tpu.wait_indirect_dma semaphore(%arg7 : memref<!tpu.dma_semaphore, #tpu.memory_space<semaphore_mem>>) src(%dma_wait3A_540 : memref<1000000x32xf32, #tpu.memory_space<hbm>>) dst(%dma_wait3A_534 : memref<512x32xf32, #tpu.memory_space<vmem>>)
    %dma_start3A_541 = arith.constant 1 : i32
    %dma_start3A_542 = arith.constant 9 : i32
    %dma_start3A_543 = arith.constant 0 : i32
    %dma_start3A_544 = arith.constant 0 : i32
    %dma_start3A_545 = tpu.memref_slice %arg6[%dma_start3A_541, %dma_start3A_543, %dma_start3A_544] : memref<2x512x32xf32, #tpu.memory_space<vmem>> -> memref<1x512x32xf32, #tpu.memory_space<vmem>>
    %dma_start3A_546 = tpu.memref_squeeze %dma_start3A_545 : memref<1x512x32xf32, #tpu.memory_space<vmem>> -> memref<512x32xf32, #tpu.memory_space<vmem>>
    %dma_start3A_547 = arith.constant 0 : i32
    %dma_start3A_548 = tpu.memref_slice %arg4[%dma_start3A_542, %mul3A_2, %dma_start3A_547] : memref<26x16384x128xf32, #tpu.memory_space<hbm>> -> memref<1x512x32xf32, #tpu.memory_space<hbm>>
    %dma_start3A_549 = tpu.memref_squeeze %dma_start3A_548 : memref<1x512x32xf32, #tpu.memory_space<hbm>> -> memref<512x32xf32, #tpu.memory_space<hbm>>
    %dma_start3A_550 = arith.constant 0 : i32
    %dma_start3A_551 = tpu.memref_slice %arg4[%dma_start3A_542, %mul3A_2, %dma_start3A_550] : memref<26x16384x128xf32, #tpu.memory_space<hbm>> -> memref<1x512x32xf32, #tpu.memory_space<hbm>>
    %dma_start3A_552 = tpu.memref_squeeze %dma_start3A_551 : memref<1x512x32xf32, #tpu.memory_space<hbm>> -> memref<512x32xf32, #tpu.memory_space<hbm>>
    %dma_start3A_553 = arith.constant 0 : i32
    %dma_start3A_554 = arith.constant 0 : i32
    %dma_start3A_555 = tpu.memref_slice %arg6[%dma_start3A_541, %dma_start3A_553, %dma_start3A_554] : memref<2x512x32xf32, #tpu.memory_space<vmem>> -> memref<1x512x32xf32, #tpu.memory_space<vmem>>
    %dma_start3A_556 = tpu.memref_squeeze %dma_start3A_555 : memref<1x512x32xf32, #tpu.memory_space<vmem>> -> memref<512x32xf32, #tpu.memory_space<vmem>>
    tpu.enqueue_dma source(%dma_start3A_556 : memref<512x32xf32, #tpu.memory_space<vmem>>) target(%dma_start3A_552 : memref<512x32xf32, #tpu.memory_space<hbm>>) target_semaphore(%arg8 : memref<!tpu.dma_semaphore, #tpu.memory_space<semaphore_mem>>)
    %dma_wait3A_557 = arith.constant 1 : i32
    %dma_wait3A_558 = arith.constant 9 : i32
    %dma_wait3A_559 = arith.constant 0 : i32
    %dma_wait3A_560 = arith.constant 0 : i32
    %dma_wait3A_561 = tpu.memref_slice %arg6[%dma_wait3A_557, %dma_wait3A_559, %dma_wait3A_560] : memref<2x512x32xf32, #tpu.memory_space<vmem>> -> memref<1x512x32xf32, #tpu.memory_space<vmem>>
    %dma_wait3A_562 = tpu.memref_squeeze %dma_wait3A_561 : memref<1x512x32xf32, #tpu.memory_space<vmem>> -> memref<512x32xf32, #tpu.memory_space<vmem>>
    %dma_wait3A_563 = arith.constant 0 : i32
    %dma_wait3A_564 = tpu.memref_slice %arg4[%dma_wait3A_558, %mul3A_2, %dma_wait3A_563] : memref<26x16384x128xf32, #tpu.memory_space<hbm>> -> memref<1x512x32xf32, #tpu.memory_space<hbm>>
    %dma_wait3A_565 = tpu.memref_squeeze %dma_wait3A_564 : memref<1x512x32xf32, #tpu.memory_space<hbm>> -> memref<512x32xf32, #tpu.memory_space<hbm>>
    %dma_wait3A_566 = arith.constant 0 : i32
    %dma_wait3A_567 = tpu.memref_slice %arg4[%dma_wait3A_558, %mul3A_2, %dma_wait3A_566] : memref<26x16384x128xf32, #tpu.memory_space<hbm>> -> memref<1x512x32xf32, #tpu.memory_space<hbm>>
    %dma_wait3A_568 = tpu.memref_squeeze %dma_wait3A_567 : memref<1x512x32xf32, #tpu.memory_space<hbm>> -> memref<512x32xf32, #tpu.memory_space<hbm>>
    %dma_wait3A_569 = arith.constant 0 : i32
    %dma_wait3A_570 = arith.constant 0 : i32
    %dma_wait3A_571 = tpu.memref_slice %arg6[%dma_wait3A_557, %dma_wait3A_569, %dma_wait3A_570] : memref<2x512x32xf32, #tpu.memory_space<vmem>> -> memref<1x512x32xf32, #tpu.memory_space<vmem>>
    %dma_wait3A_572 = tpu.memref_squeeze %dma_wait3A_571 : memref<1x512x32xf32, #tpu.memory_space<vmem>> -> memref<512x32xf32, #tpu.memory_space<vmem>>
    tpu.wait_dma2 semaphore(%arg8 : memref<!tpu.dma_semaphore, #tpu.memory_space<semaphore_mem>>) src(%dma_wait3A_572 : memref<512x32xf32, #tpu.memory_space<vmem>>) dst(%dma_wait3A_568 : memref<512x32xf32, #tpu.memory_space<hbm>>)
    %dma_start3A_573 = arith.constant 11 : i32
    %dma_start3A_574 = arith.constant 1 : i32
    %dma_start3A_575 = arith.constant 0 : i32
    %dma_start3A_576 = arith.constant 0 : i32
    %dma_start3A_577 = tpu.memref_slice %arg6[%dma_start3A_574, %dma_start3A_575, %dma_start3A_576] : memref<2x512x32xf32, #tpu.memory_space<vmem>> -> memref<1x512x32xf32, #tpu.memory_space<vmem>>
    %dma_start3A_578 = tpu.memref_squeeze %dma_start3A_577 : memref<1x512x32xf32, #tpu.memory_space<vmem>> -> memref<512x32xf32, #tpu.memory_space<vmem>>
    %dma_start3A_579 = arith.constant 0 : i32
    %dma_start3A_580 = tpu.memref_slice %arg5[%dma_start3A_573, %dma_start3A_579] : memref<26x512xi32, #tpu.memory_space<vmem>> -> memref<1x512xi32, #tpu.memory_space<vmem>>
    %dma_start3A_581 = tpu.memref_squeeze %dma_start3A_580 : memref<1x512xi32, #tpu.memory_space<vmem>> -> memref<512xi32, #tpu.memory_space<vmem>>
    %dma_start3A_582 = arith.constant 0 : i32
    %dma_start3A_583 = arith.constant 0 : i32
    %dma_start3A_584 = tpu.memref_slice %arg3[%dma_start3A_582, %dma_start3A_583] : memref<1000000x32xf32, #tpu.memory_space<hbm>> -> memref<1000000x32xf32, #tpu.memory_space<hbm>>
    tpu.enqueue_indirect_dma source(%dma_start3A_584 : memref<1000000x32xf32, #tpu.memory_space<hbm>>) target(%dma_start3A_578 : memref<512x32xf32, #tpu.memory_space<vmem>>) offsets(%dma_start3A_581 : memref<512xi32, #tpu.memory_space<vmem>>) semaphore(%arg7 : memref<!tpu.dma_semaphore, #tpu.memory_space<semaphore_mem>>)
    %dma_wait3A_585 = arith.constant 10 : i32
    %dma_wait3A_586 = arith.constant 0 : i32
    %dma_wait3A_587 = arith.constant 0 : i32
    %dma_wait3A_588 = arith.constant 0 : i32
    %dma_wait3A_589 = tpu.memref_slice %arg6[%dma_wait3A_586, %dma_wait3A_587, %dma_wait3A_588] : memref<2x512x32xf32, #tpu.memory_space<vmem>> -> memref<1x512x32xf32, #tpu.memory_space<vmem>>
    %dma_wait3A_590 = tpu.memref_squeeze %dma_wait3A_589 : memref<1x512x32xf32, #tpu.memory_space<vmem>> -> memref<512x32xf32, #tpu.memory_space<vmem>>
    %dma_wait3A_591 = arith.constant 0 : i32
    %dma_wait3A_592 = tpu.memref_slice %arg5[%dma_wait3A_585, %dma_wait3A_591] : memref<26x512xi32, #tpu.memory_space<vmem>> -> memref<1x512xi32, #tpu.memory_space<vmem>>
    %dma_wait3A_593 = tpu.memref_squeeze %dma_wait3A_592 : memref<1x512xi32, #tpu.memory_space<vmem>> -> memref<512xi32, #tpu.memory_space<vmem>>
    %dma_wait3A_594 = arith.constant 0 : i32
    %dma_wait3A_595 = arith.constant 0 : i32
    %dma_wait3A_596 = tpu.memref_slice %arg3[%dma_wait3A_594, %dma_wait3A_595] : memref<1000000x32xf32, #tpu.memory_space<hbm>> -> memref<1000000x32xf32, #tpu.memory_space<hbm>>
    tpu.wait_indirect_dma semaphore(%arg7 : memref<!tpu.dma_semaphore, #tpu.memory_space<semaphore_mem>>) src(%dma_wait3A_596 : memref<1000000x32xf32, #tpu.memory_space<hbm>>) dst(%dma_wait3A_590 : memref<512x32xf32, #tpu.memory_space<vmem>>)
    %dma_start3A_597 = arith.constant 0 : i32
    %dma_start3A_598 = arith.constant 10 : i32
    %dma_start3A_599 = arith.constant 0 : i32
    %dma_start3A_600 = arith.constant 0 : i32
    %dma_start3A_601 = tpu.memref_slice %arg6[%dma_start3A_597, %dma_start3A_599, %dma_start3A_600] : memref<2x512x32xf32, #tpu.memory_space<vmem>> -> memref<1x512x32xf32, #tpu.memory_space<vmem>>
    %dma_start3A_602 = tpu.memref_squeeze %dma_start3A_601 : memref<1x512x32xf32, #tpu.memory_space<vmem>> -> memref<512x32xf32, #tpu.memory_space<vmem>>
    %dma_start3A_603 = arith.constant 0 : i32
    %dma_start3A_604 = tpu.memref_slice %arg4[%dma_start3A_598, %mul3A_2, %dma_start3A_603] : memref<26x16384x128xf32, #tpu.memory_space<hbm>> -> memref<1x512x32xf32, #tpu.memory_space<hbm>>
    %dma_start3A_605 = tpu.memref_squeeze %dma_start3A_604 : memref<1x512x32xf32, #tpu.memory_space<hbm>> -> memref<512x32xf32, #tpu.memory_space<hbm>>
    %dma_start3A_606 = arith.constant 0 : i32
    %dma_start3A_607 = tpu.memref_slice %arg4[%dma_start3A_598, %mul3A_2, %dma_start3A_606] : memref<26x16384x128xf32, #tpu.memory_space<hbm>> -> memref<1x512x32xf32, #tpu.memory_space<hbm>>
    %dma_start3A_608 = tpu.memref_squeeze %dma_start3A_607 : memref<1x512x32xf32, #tpu.memory_space<hbm>> -> memref<512x32xf32, #tpu.memory_space<hbm>>
    %dma_start3A_609 = arith.constant 0 : i32
    %dma_start3A_610 = arith.constant 0 : i32
    %dma_start3A_611 = tpu.memref_slice %arg6[%dma_start3A_597, %dma_start3A_609, %dma_start3A_610] : memref<2x512x32xf32, #tpu.memory_space<vmem>> -> memref<1x512x32xf32, #tpu.memory_space<vmem>>
    %dma_start3A_612 = tpu.memref_squeeze %dma_start3A_611 : memref<1x512x32xf32, #tpu.memory_space<vmem>> -> memref<512x32xf32, #tpu.memory_space<vmem>>
    tpu.enqueue_dma source(%dma_start3A_612 : memref<512x32xf32, #tpu.memory_space<vmem>>) target(%dma_start3A_608 : memref<512x32xf32, #tpu.memory_space<hbm>>) target_semaphore(%arg8 : memref<!tpu.dma_semaphore, #tpu.memory_space<semaphore_mem>>)
    %dma_wait3A_613 = arith.constant 0 : i32
    %dma_wait3A_614 = arith.constant 10 : i32
    %dma_wait3A_615 = arith.constant 0 : i32
    %dma_wait3A_616 = arith.constant 0 : i32
    %dma_wait3A_617 = tpu.memref_slice %arg6[%dma_wait3A_613, %dma_wait3A_615, %dma_wait3A_616] : memref<2x512x32xf32, #tpu.memory_space<vmem>> -> memref<1x512x32xf32, #tpu.memory_space<vmem>>
    %dma_wait3A_618 = tpu.memref_squeeze %dma_wait3A_617 : memref<1x512x32xf32, #tpu.memory_space<vmem>> -> memref<512x32xf32, #tpu.memory_space<vmem>>
    %dma_wait3A_619 = arith.constant 0 : i32
    %dma_wait3A_620 = tpu.memref_slice %arg4[%dma_wait3A_614, %mul3A_2, %dma_wait3A_619] : memref<26x16384x128xf32, #tpu.memory_space<hbm>> -> memref<1x512x32xf32, #tpu.memory_space<hbm>>
    %dma_wait3A_621 = tpu.memref_squeeze %dma_wait3A_620 : memref<1x512x32xf32, #tpu.memory_space<hbm>> -> memref<512x32xf32, #tpu.memory_space<hbm>>
    %dma_wait3A_622 = arith.constant 0 : i32
    %dma_wait3A_623 = tpu.memref_slice %arg4[%dma_wait3A_614, %mul3A_2, %dma_wait3A_622] : memref<26x16384x128xf32, #tpu.memory_space<hbm>> -> memref<1x512x32xf32, #tpu.memory_space<hbm>>
    %dma_wait3A_624 = tpu.memref_squeeze %dma_wait3A_623 : memref<1x512x32xf32, #tpu.memory_space<hbm>> -> memref<512x32xf32, #tpu.memory_space<hbm>>
    %dma_wait3A_625 = arith.constant 0 : i32
    %dma_wait3A_626 = arith.constant 0 : i32
    %dma_wait3A_627 = tpu.memref_slice %arg6[%dma_wait3A_613, %dma_wait3A_625, %dma_wait3A_626] : memref<2x512x32xf32, #tpu.memory_space<vmem>> -> memref<1x512x32xf32, #tpu.memory_space<vmem>>
    %dma_wait3A_628 = tpu.memref_squeeze %dma_wait3A_627 : memref<1x512x32xf32, #tpu.memory_space<vmem>> -> memref<512x32xf32, #tpu.memory_space<vmem>>
    tpu.wait_dma2 semaphore(%arg8 : memref<!tpu.dma_semaphore, #tpu.memory_space<semaphore_mem>>) src(%dma_wait3A_628 : memref<512x32xf32, #tpu.memory_space<vmem>>) dst(%dma_wait3A_624 : memref<512x32xf32, #tpu.memory_space<hbm>>)
    %dma_start3A_629 = arith.constant 12 : i32
    %dma_start3A_630 = arith.constant 0 : i32
    %dma_start3A_631 = arith.constant 0 : i32
    %dma_start3A_632 = arith.constant 0 : i32
    %dma_start3A_633 = tpu.memref_slice %arg6[%dma_start3A_630, %dma_start3A_631, %dma_start3A_632] : memref<2x512x32xf32, #tpu.memory_space<vmem>> -> memref<1x512x32xf32, #tpu.memory_space<vmem>>
    %dma_start3A_634 = tpu.memref_squeeze %dma_start3A_633 : memref<1x512x32xf32, #tpu.memory_space<vmem>> -> memref<512x32xf32, #tpu.memory_space<vmem>>
    %dma_start3A_635 = arith.constant 0 : i32
    %dma_start3A_636 = tpu.memref_slice %arg5[%dma_start3A_629, %dma_start3A_635] : memref<26x512xi32, #tpu.memory_space<vmem>> -> memref<1x512xi32, #tpu.memory_space<vmem>>
    %dma_start3A_637 = tpu.memref_squeeze %dma_start3A_636 : memref<1x512xi32, #tpu.memory_space<vmem>> -> memref<512xi32, #tpu.memory_space<vmem>>
    %dma_start3A_638 = arith.constant 0 : i32
    %dma_start3A_639 = arith.constant 0 : i32
    %dma_start3A_640 = tpu.memref_slice %arg3[%dma_start3A_638, %dma_start3A_639] : memref<1000000x32xf32, #tpu.memory_space<hbm>> -> memref<1000000x32xf32, #tpu.memory_space<hbm>>
    tpu.enqueue_indirect_dma source(%dma_start3A_640 : memref<1000000x32xf32, #tpu.memory_space<hbm>>) target(%dma_start3A_634 : memref<512x32xf32, #tpu.memory_space<vmem>>) offsets(%dma_start3A_637 : memref<512xi32, #tpu.memory_space<vmem>>) semaphore(%arg7 : memref<!tpu.dma_semaphore, #tpu.memory_space<semaphore_mem>>)
    %dma_wait3A_641 = arith.constant 11 : i32
    %dma_wait3A_642 = arith.constant 1 : i32
    %dma_wait3A_643 = arith.constant 0 : i32
    %dma_wait3A_644 = arith.constant 0 : i32
    %dma_wait3A_645 = tpu.memref_slice %arg6[%dma_wait3A_642, %dma_wait3A_643, %dma_wait3A_644] : memref<2x512x32xf32, #tpu.memory_space<vmem>> -> memref<1x512x32xf32, #tpu.memory_space<vmem>>
    %dma_wait3A_646 = tpu.memref_squeeze %dma_wait3A_645 : memref<1x512x32xf32, #tpu.memory_space<vmem>> -> memref<512x32xf32, #tpu.memory_space<vmem>>
    %dma_wait3A_647 = arith.constant 0 : i32
    %dma_wait3A_648 = tpu.memref_slice %arg5[%dma_wait3A_641, %dma_wait3A_647] : memref<26x512xi32, #tpu.memory_space<vmem>> -> memref<1x512xi32, #tpu.memory_space<vmem>>
    %dma_wait3A_649 = tpu.memref_squeeze %dma_wait3A_648 : memref<1x512xi32, #tpu.memory_space<vmem>> -> memref<512xi32, #tpu.memory_space<vmem>>
    %dma_wait3A_650 = arith.constant 0 : i32
    %dma_wait3A_651 = arith.constant 0 : i32
    %dma_wait3A_652 = tpu.memref_slice %arg3[%dma_wait3A_650, %dma_wait3A_651] : memref<1000000x32xf32, #tpu.memory_space<hbm>> -> memref<1000000x32xf32, #tpu.memory_space<hbm>>
    tpu.wait_indirect_dma semaphore(%arg7 : memref<!tpu.dma_semaphore, #tpu.memory_space<semaphore_mem>>) src(%dma_wait3A_652 : memref<1000000x32xf32, #tpu.memory_space<hbm>>) dst(%dma_wait3A_646 : memref<512x32xf32, #tpu.memory_space<vmem>>)
    %dma_start3A_653 = arith.constant 1 : i32
    %dma_start3A_654 = arith.constant 11 : i32
    %dma_start3A_655 = arith.constant 0 : i32
    %dma_start3A_656 = arith.constant 0 : i32
    %dma_start3A_657 = tpu.memref_slice %arg6[%dma_start3A_653, %dma_start3A_655, %dma_start3A_656] : memref<2x512x32xf32, #tpu.memory_space<vmem>> -> memref<1x512x32xf32, #tpu.memory_space<vmem>>
    %dma_start3A_658 = tpu.memref_squeeze %dma_start3A_657 : memref<1x512x32xf32, #tpu.memory_space<vmem>> -> memref<512x32xf32, #tpu.memory_space<vmem>>
    %dma_start3A_659 = arith.constant 0 : i32
    %dma_start3A_660 = tpu.memref_slice %arg4[%dma_start3A_654, %mul3A_2, %dma_start3A_659] : memref<26x16384x128xf32, #tpu.memory_space<hbm>> -> memref<1x512x32xf32, #tpu.memory_space<hbm>>
    %dma_start3A_661 = tpu.memref_squeeze %dma_start3A_660 : memref<1x512x32xf32, #tpu.memory_space<hbm>> -> memref<512x32xf32, #tpu.memory_space<hbm>>
    %dma_start3A_662 = arith.constant 0 : i32
    %dma_start3A_663 = tpu.memref_slice %arg4[%dma_start3A_654, %mul3A_2, %dma_start3A_662] : memref<26x16384x128xf32, #tpu.memory_space<hbm>> -> memref<1x512x32xf32, #tpu.memory_space<hbm>>
    %dma_start3A_664 = tpu.memref_squeeze %dma_start3A_663 : memref<1x512x32xf32, #tpu.memory_space<hbm>> -> memref<512x32xf32, #tpu.memory_space<hbm>>
    %dma_start3A_665 = arith.constant 0 : i32
    %dma_start3A_666 = arith.constant 0 : i32
    %dma_start3A_667 = tpu.memref_slice %arg6[%dma_start3A_653, %dma_start3A_665, %dma_start3A_666] : memref<2x512x32xf32, #tpu.memory_space<vmem>> -> memref<1x512x32xf32, #tpu.memory_space<vmem>>
    %dma_start3A_668 = tpu.memref_squeeze %dma_start3A_667 : memref<1x512x32xf32, #tpu.memory_space<vmem>> -> memref<512x32xf32, #tpu.memory_space<vmem>>
    tpu.enqueue_dma source(%dma_start3A_668 : memref<512x32xf32, #tpu.memory_space<vmem>>) target(%dma_start3A_664 : memref<512x32xf32, #tpu.memory_space<hbm>>) target_semaphore(%arg8 : memref<!tpu.dma_semaphore, #tpu.memory_space<semaphore_mem>>)
    %dma_wait3A_669 = arith.constant 1 : i32
    %dma_wait3A_670 = arith.constant 11 : i32
    %dma_wait3A_671 = arith.constant 0 : i32
    %dma_wait3A_672 = arith.constant 0 : i32
    %dma_wait3A_673 = tpu.memref_slice %arg6[%dma_wait3A_669, %dma_wait3A_671, %dma_wait3A_672] : memref<2x512x32xf32, #tpu.memory_space<vmem>> -> memref<1x512x32xf32, #tpu.memory_space<vmem>>
    %dma_wait3A_674 = tpu.memref_squeeze %dma_wait3A_673 : memref<1x512x32xf32, #tpu.memory_space<vmem>> -> memref<512x32xf32, #tpu.memory_space<vmem>>
    %dma_wait3A_675 = arith.constant 0 : i32
    %dma_wait3A_676 = tpu.memref_slice %arg4[%dma_wait3A_670, %mul3A_2, %dma_wait3A_675] : memref<26x16384x128xf32, #tpu.memory_space<hbm>> -> memref<1x512x32xf32, #tpu.memory_space<hbm>>
    %dma_wait3A_677 = tpu.memref_squeeze %dma_wait3A_676 : memref<1x512x32xf32, #tpu.memory_space<hbm>> -> memref<512x32xf32, #tpu.memory_space<hbm>>
    %dma_wait3A_678 = arith.constant 0 : i32
    %dma_wait3A_679 = tpu.memref_slice %arg4[%dma_wait3A_670, %mul3A_2, %dma_wait3A_678] : memref<26x16384x128xf32, #tpu.memory_space<hbm>> -> memref<1x512x32xf32, #tpu.memory_space<hbm>>
    %dma_wait3A_680 = tpu.memref_squeeze %dma_wait3A_679 : memref<1x512x32xf32, #tpu.memory_space<hbm>> -> memref<512x32xf32, #tpu.memory_space<hbm>>
    %dma_wait3A_681 = arith.constant 0 : i32
    %dma_wait3A_682 = arith.constant 0 : i32
    %dma_wait3A_683 = tpu.memref_slice %arg6[%dma_wait3A_669, %dma_wait3A_681, %dma_wait3A_682] : memref<2x512x32xf32, #tpu.memory_space<vmem>> -> memref<1x512x32xf32, #tpu.memory_space<vmem>>
    %dma_wait3A_684 = tpu.memref_squeeze %dma_wait3A_683 : memref<1x512x32xf32, #tpu.memory_space<vmem>> -> memref<512x32xf32, #tpu.memory_space<vmem>>
    tpu.wait_dma2 semaphore(%arg8 : memref<!tpu.dma_semaphore, #tpu.memory_space<semaphore_mem>>) src(%dma_wait3A_684 : memref<512x32xf32, #tpu.memory_space<vmem>>) dst(%dma_wait3A_680 : memref<512x32xf32, #tpu.memory_space<hbm>>)
    %dma_start3A_685 = arith.constant 13 : i32
    %dma_start3A_686 = arith.constant 1 : i32
    %dma_start3A_687 = arith.constant 0 : i32
    %dma_start3A_688 = arith.constant 0 : i32
    %dma_start3A_689 = tpu.memref_slice %arg6[%dma_start3A_686, %dma_start3A_687, %dma_start3A_688] : memref<2x512x32xf32, #tpu.memory_space<vmem>> -> memref<1x512x32xf32, #tpu.memory_space<vmem>>
    %dma_start3A_690 = tpu.memref_squeeze %dma_start3A_689 : memref<1x512x32xf32, #tpu.memory_space<vmem>> -> memref<512x32xf32, #tpu.memory_space<vmem>>
    %dma_start3A_691 = arith.constant 0 : i32
    %dma_start3A_692 = tpu.memref_slice %arg5[%dma_start3A_685, %dma_start3A_691] : memref<26x512xi32, #tpu.memory_space<vmem>> -> memref<1x512xi32, #tpu.memory_space<vmem>>
    %dma_start3A_693 = tpu.memref_squeeze %dma_start3A_692 : memref<1x512xi32, #tpu.memory_space<vmem>> -> memref<512xi32, #tpu.memory_space<vmem>>
    %dma_start3A_694 = arith.constant 0 : i32
    %dma_start3A_695 = arith.constant 0 : i32
    %dma_start3A_696 = tpu.memref_slice %arg3[%dma_start3A_694, %dma_start3A_695] : memref<1000000x32xf32, #tpu.memory_space<hbm>> -> memref<1000000x32xf32, #tpu.memory_space<hbm>>
    tpu.enqueue_indirect_dma source(%dma_start3A_696 : memref<1000000x32xf32, #tpu.memory_space<hbm>>) target(%dma_start3A_690 : memref<512x32xf32, #tpu.memory_space<vmem>>) offsets(%dma_start3A_693 : memref<512xi32, #tpu.memory_space<vmem>>) semaphore(%arg7 : memref<!tpu.dma_semaphore, #tpu.memory_space<semaphore_mem>>)
    %dma_wait3A_697 = arith.constant 12 : i32
    %dma_wait3A_698 = arith.constant 0 : i32
    %dma_wait3A_699 = arith.constant 0 : i32
    %dma_wait3A_700 = arith.constant 0 : i32
    %dma_wait3A_701 = tpu.memref_slice %arg6[%dma_wait3A_698, %dma_wait3A_699, %dma_wait3A_700] : memref<2x512x32xf32, #tpu.memory_space<vmem>> -> memref<1x512x32xf32, #tpu.memory_space<vmem>>
    %dma_wait3A_702 = tpu.memref_squeeze %dma_wait3A_701 : memref<1x512x32xf32, #tpu.memory_space<vmem>> -> memref<512x32xf32, #tpu.memory_space<vmem>>
    %dma_wait3A_703 = arith.constant 0 : i32
    %dma_wait3A_704 = tpu.memref_slice %arg5[%dma_wait3A_697, %dma_wait3A_703] : memref<26x512xi32, #tpu.memory_space<vmem>> -> memref<1x512xi32, #tpu.memory_space<vmem>>
    %dma_wait3A_705 = tpu.memref_squeeze %dma_wait3A_704 : memref<1x512xi32, #tpu.memory_space<vmem>> -> memref<512xi32, #tpu.memory_space<vmem>>
    %dma_wait3A_706 = arith.constant 0 : i32
    %dma_wait3A_707 = arith.constant 0 : i32
    %dma_wait3A_708 = tpu.memref_slice %arg3[%dma_wait3A_706, %dma_wait3A_707] : memref<1000000x32xf32, #tpu.memory_space<hbm>> -> memref<1000000x32xf32, #tpu.memory_space<hbm>>
    tpu.wait_indirect_dma semaphore(%arg7 : memref<!tpu.dma_semaphore, #tpu.memory_space<semaphore_mem>>) src(%dma_wait3A_708 : memref<1000000x32xf32, #tpu.memory_space<hbm>>) dst(%dma_wait3A_702 : memref<512x32xf32, #tpu.memory_space<vmem>>)
    %dma_start3A_709 = arith.constant 0 : i32
    %dma_start3A_710 = arith.constant 12 : i32
    %dma_start3A_711 = arith.constant 0 : i32
    %dma_start3A_712 = arith.constant 0 : i32
    %dma_start3A_713 = tpu.memref_slice %arg6[%dma_start3A_709, %dma_start3A_711, %dma_start3A_712] : memref<2x512x32xf32, #tpu.memory_space<vmem>> -> memref<1x512x32xf32, #tpu.memory_space<vmem>>
    %dma_start3A_714 = tpu.memref_squeeze %dma_start3A_713 : memref<1x512x32xf32, #tpu.memory_space<vmem>> -> memref<512x32xf32, #tpu.memory_space<vmem>>
    %dma_start3A_715 = arith.constant 0 : i32
    %dma_start3A_716 = tpu.memref_slice %arg4[%dma_start3A_710, %mul3A_2, %dma_start3A_715] : memref<26x16384x128xf32, #tpu.memory_space<hbm>> -> memref<1x512x32xf32, #tpu.memory_space<hbm>>
    %dma_start3A_717 = tpu.memref_squeeze %dma_start3A_716 : memref<1x512x32xf32, #tpu.memory_space<hbm>> -> memref<512x32xf32, #tpu.memory_space<hbm>>
    %dma_start3A_718 = arith.constant 0 : i32
    %dma_start3A_719 = tpu.memref_slice %arg4[%dma_start3A_710, %mul3A_2, %dma_start3A_718] : memref<26x16384x128xf32, #tpu.memory_space<hbm>> -> memref<1x512x32xf32, #tpu.memory_space<hbm>>
    %dma_start3A_720 = tpu.memref_squeeze %dma_start3A_719 : memref<1x512x32xf32, #tpu.memory_space<hbm>> -> memref<512x32xf32, #tpu.memory_space<hbm>>
    %dma_start3A_721 = arith.constant 0 : i32
    %dma_start3A_722 = arith.constant 0 : i32
    %dma_start3A_723 = tpu.memref_slice %arg6[%dma_start3A_709, %dma_start3A_721, %dma_start3A_722] : memref<2x512x32xf32, #tpu.memory_space<vmem>> -> memref<1x512x32xf32, #tpu.memory_space<vmem>>
    %dma_start3A_724 = tpu.memref_squeeze %dma_start3A_723 : memref<1x512x32xf32, #tpu.memory_space<vmem>> -> memref<512x32xf32, #tpu.memory_space<vmem>>
    tpu.enqueue_dma source(%dma_start3A_724 : memref<512x32xf32, #tpu.memory_space<vmem>>) target(%dma_start3A_720 : memref<512x32xf32, #tpu.memory_space<hbm>>) target_semaphore(%arg8 : memref<!tpu.dma_semaphore, #tpu.memory_space<semaphore_mem>>)
    %dma_wait3A_725 = arith.constant 0 : i32
    %dma_wait3A_726 = arith.constant 12 : i32
    %dma_wait3A_727 = arith.constant 0 : i32
    %dma_wait3A_728 = arith.constant 0 : i32
    %dma_wait3A_729 = tpu.memref_slice %arg6[%dma_wait3A_725, %dma_wait3A_727, %dma_wait3A_728] : memref<2x512x32xf32, #tpu.memory_space<vmem>> -> memref<1x512x32xf32, #tpu.memory_space<vmem>>
    %dma_wait3A_730 = tpu.memref_squeeze %dma_wait3A_729 : memref<1x512x32xf32, #tpu.memory_space<vmem>> -> memref<512x32xf32, #tpu.memory_space<vmem>>
    %dma_wait3A_731 = arith.constant 0 : i32
    %dma_wait3A_732 = tpu.memref_slice %arg4[%dma_wait3A_726, %mul3A_2, %dma_wait3A_731] : memref<26x16384x128xf32, #tpu.memory_space<hbm>> -> memref<1x512x32xf32, #tpu.memory_space<hbm>>
    %dma_wait3A_733 = tpu.memref_squeeze %dma_wait3A_732 : memref<1x512x32xf32, #tpu.memory_space<hbm>> -> memref<512x32xf32, #tpu.memory_space<hbm>>
    %dma_wait3A_734 = arith.constant 0 : i32
    %dma_wait3A_735 = tpu.memref_slice %arg4[%dma_wait3A_726, %mul3A_2, %dma_wait3A_734] : memref<26x16384x128xf32, #tpu.memory_space<hbm>> -> memref<1x512x32xf32, #tpu.memory_space<hbm>>
    %dma_wait3A_736 = tpu.memref_squeeze %dma_wait3A_735 : memref<1x512x32xf32, #tpu.memory_space<hbm>> -> memref<512x32xf32, #tpu.memory_space<hbm>>
    %dma_wait3A_737 = arith.constant 0 : i32
    %dma_wait3A_738 = arith.constant 0 : i32
    %dma_wait3A_739 = tpu.memref_slice %arg6[%dma_wait3A_725, %dma_wait3A_737, %dma_wait3A_738] : memref<2x512x32xf32, #tpu.memory_space<vmem>> -> memref<1x512x32xf32, #tpu.memory_space<vmem>>
    %dma_wait3A_740 = tpu.memref_squeeze %dma_wait3A_739 : memref<1x512x32xf32, #tpu.memory_space<vmem>> -> memref<512x32xf32, #tpu.memory_space<vmem>>
    tpu.wait_dma2 semaphore(%arg8 : memref<!tpu.dma_semaphore, #tpu.memory_space<semaphore_mem>>) src(%dma_wait3A_740 : memref<512x32xf32, #tpu.memory_space<vmem>>) dst(%dma_wait3A_736 : memref<512x32xf32, #tpu.memory_space<hbm>>)
    %dma_start3A_741 = arith.constant 14 : i32
    %dma_start3A_742 = arith.constant 0 : i32
    %dma_start3A_743 = arith.constant 0 : i32
    %dma_start3A_744 = arith.constant 0 : i32
    %dma_start3A_745 = tpu.memref_slice %arg6[%dma_start3A_742, %dma_start3A_743, %dma_start3A_744] : memref<2x512x32xf32, #tpu.memory_space<vmem>> -> memref<1x512x32xf32, #tpu.memory_space<vmem>>
    %dma_start3A_746 = tpu.memref_squeeze %dma_start3A_745 : memref<1x512x32xf32, #tpu.memory_space<vmem>> -> memref<512x32xf32, #tpu.memory_space<vmem>>
    %dma_start3A_747 = arith.constant 0 : i32
    %dma_start3A_748 = tpu.memref_slice %arg5[%dma_start3A_741, %dma_start3A_747] : memref<26x512xi32, #tpu.memory_space<vmem>> -> memref<1x512xi32, #tpu.memory_space<vmem>>
    %dma_start3A_749 = tpu.memref_squeeze %dma_start3A_748 : memref<1x512xi32, #tpu.memory_space<vmem>> -> memref<512xi32, #tpu.memory_space<vmem>>
    %dma_start3A_750 = arith.constant 0 : i32
    %dma_start3A_751 = arith.constant 0 : i32
    %dma_start3A_752 = tpu.memref_slice %arg3[%dma_start3A_750, %dma_start3A_751] : memref<1000000x32xf32, #tpu.memory_space<hbm>> -> memref<1000000x32xf32, #tpu.memory_space<hbm>>
    tpu.enqueue_indirect_dma source(%dma_start3A_752 : memref<1000000x32xf32, #tpu.memory_space<hbm>>) target(%dma_start3A_746 : memref<512x32xf32, #tpu.memory_space<vmem>>) offsets(%dma_start3A_749 : memref<512xi32, #tpu.memory_space<vmem>>) semaphore(%arg7 : memref<!tpu.dma_semaphore, #tpu.memory_space<semaphore_mem>>)
    %dma_wait3A_753 = arith.constant 13 : i32
    %dma_wait3A_754 = arith.constant 1 : i32
    %dma_wait3A_755 = arith.constant 0 : i32
    %dma_wait3A_756 = arith.constant 0 : i32
    %dma_wait3A_757 = tpu.memref_slice %arg6[%dma_wait3A_754, %dma_wait3A_755, %dma_wait3A_756] : memref<2x512x32xf32, #tpu.memory_space<vmem>> -> memref<1x512x32xf32, #tpu.memory_space<vmem>>
    %dma_wait3A_758 = tpu.memref_squeeze %dma_wait3A_757 : memref<1x512x32xf32, #tpu.memory_space<vmem>> -> memref<512x32xf32, #tpu.memory_space<vmem>>
    %dma_wait3A_759 = arith.constant 0 : i32
    %dma_wait3A_760 = tpu.memref_slice %arg5[%dma_wait3A_753, %dma_wait3A_759] : memref<26x512xi32, #tpu.memory_space<vmem>> -> memref<1x512xi32, #tpu.memory_space<vmem>>
    %dma_wait3A_761 = tpu.memref_squeeze %dma_wait3A_760 : memref<1x512xi32, #tpu.memory_space<vmem>> -> memref<512xi32, #tpu.memory_space<vmem>>
    %dma_wait3A_762 = arith.constant 0 : i32
    %dma_wait3A_763 = arith.constant 0 : i32
    %dma_wait3A_764 = tpu.memref_slice %arg3[%dma_wait3A_762, %dma_wait3A_763] : memref<1000000x32xf32, #tpu.memory_space<hbm>> -> memref<1000000x32xf32, #tpu.memory_space<hbm>>
    tpu.wait_indirect_dma semaphore(%arg7 : memref<!tpu.dma_semaphore, #tpu.memory_space<semaphore_mem>>) src(%dma_wait3A_764 : memref<1000000x32xf32, #tpu.memory_space<hbm>>) dst(%dma_wait3A_758 : memref<512x32xf32, #tpu.memory_space<vmem>>)
    %dma_start3A_765 = arith.constant 1 : i32
    %dma_start3A_766 = arith.constant 13 : i32
    %dma_start3A_767 = arith.constant 0 : i32
    %dma_start3A_768 = arith.constant 0 : i32
    %dma_start3A_769 = tpu.memref_slice %arg6[%dma_start3A_765, %dma_start3A_767, %dma_start3A_768] : memref<2x512x32xf32, #tpu.memory_space<vmem>> -> memref<1x512x32xf32, #tpu.memory_space<vmem>>
    %dma_start3A_770 = tpu.memref_squeeze %dma_start3A_769 : memref<1x512x32xf32, #tpu.memory_space<vmem>> -> memref<512x32xf32, #tpu.memory_space<vmem>>
    %dma_start3A_771 = arith.constant 0 : i32
    %dma_start3A_772 = tpu.memref_slice %arg4[%dma_start3A_766, %mul3A_2, %dma_start3A_771] : memref<26x16384x128xf32, #tpu.memory_space<hbm>> -> memref<1x512x32xf32, #tpu.memory_space<hbm>>
    %dma_start3A_773 = tpu.memref_squeeze %dma_start3A_772 : memref<1x512x32xf32, #tpu.memory_space<hbm>> -> memref<512x32xf32, #tpu.memory_space<hbm>>
    %dma_start3A_774 = arith.constant 0 : i32
    %dma_start3A_775 = tpu.memref_slice %arg4[%dma_start3A_766, %mul3A_2, %dma_start3A_774] : memref<26x16384x128xf32, #tpu.memory_space<hbm>> -> memref<1x512x32xf32, #tpu.memory_space<hbm>>
    %dma_start3A_776 = tpu.memref_squeeze %dma_start3A_775 : memref<1x512x32xf32, #tpu.memory_space<hbm>> -> memref<512x32xf32, #tpu.memory_space<hbm>>
    %dma_start3A_777 = arith.constant 0 : i32
    %dma_start3A_778 = arith.constant 0 : i32
    %dma_start3A_779 = tpu.memref_slice %arg6[%dma_start3A_765, %dma_start3A_777, %dma_start3A_778] : memref<2x512x32xf32, #tpu.memory_space<vmem>> -> memref<1x512x32xf32, #tpu.memory_space<vmem>>
    %dma_start3A_780 = tpu.memref_squeeze %dma_start3A_779 : memref<1x512x32xf32, #tpu.memory_space<vmem>> -> memref<512x32xf32, #tpu.memory_space<vmem>>
    tpu.enqueue_dma source(%dma_start3A_780 : memref<512x32xf32, #tpu.memory_space<vmem>>) target(%dma_start3A_776 : memref<512x32xf32, #tpu.memory_space<hbm>>) target_semaphore(%arg8 : memref<!tpu.dma_semaphore, #tpu.memory_space<semaphore_mem>>)
    %dma_wait3A_781 = arith.constant 1 : i32
    %dma_wait3A_782 = arith.constant 13 : i32
    %dma_wait3A_783 = arith.constant 0 : i32
    %dma_wait3A_784 = arith.constant 0 : i32
    %dma_wait3A_785 = tpu.memref_slice %arg6[%dma_wait3A_781, %dma_wait3A_783, %dma_wait3A_784] : memref<2x512x32xf32, #tpu.memory_space<vmem>> -> memref<1x512x32xf32, #tpu.memory_space<vmem>>
    %dma_wait3A_786 = tpu.memref_squeeze %dma_wait3A_785 : memref<1x512x32xf32, #tpu.memory_space<vmem>> -> memref<512x32xf32, #tpu.memory_space<vmem>>
    %dma_wait3A_787 = arith.constant 0 : i32
    %dma_wait3A_788 = tpu.memref_slice %arg4[%dma_wait3A_782, %mul3A_2, %dma_wait3A_787] : memref<26x16384x128xf32, #tpu.memory_space<hbm>> -> memref<1x512x32xf32, #tpu.memory_space<hbm>>
    %dma_wait3A_789 = tpu.memref_squeeze %dma_wait3A_788 : memref<1x512x32xf32, #tpu.memory_space<hbm>> -> memref<512x32xf32, #tpu.memory_space<hbm>>
    %dma_wait3A_790 = arith.constant 0 : i32
    %dma_wait3A_791 = tpu.memref_slice %arg4[%dma_wait3A_782, %mul3A_2, %dma_wait3A_790] : memref<26x16384x128xf32, #tpu.memory_space<hbm>> -> memref<1x512x32xf32, #tpu.memory_space<hbm>>
    %dma_wait3A_792 = tpu.memref_squeeze %dma_wait3A_791 : memref<1x512x32xf32, #tpu.memory_space<hbm>> -> memref<512x32xf32, #tpu.memory_space<hbm>>
    %dma_wait3A_793 = arith.constant 0 : i32
    %dma_wait3A_794 = arith.constant 0 : i32
    %dma_wait3A_795 = tpu.memref_slice %arg6[%dma_wait3A_781, %dma_wait3A_793, %dma_wait3A_794] : memref<2x512x32xf32, #tpu.memory_space<vmem>> -> memref<1x512x32xf32, #tpu.memory_space<vmem>>
    %dma_wait3A_796 = tpu.memref_squeeze %dma_wait3A_795 : memref<1x512x32xf32, #tpu.memory_space<vmem>> -> memref<512x32xf32, #tpu.memory_space<vmem>>
    tpu.wait_dma2 semaphore(%arg8 : memref<!tpu.dma_semaphore, #tpu.memory_space<semaphore_mem>>) src(%dma_wait3A_796 : memref<512x32xf32, #tpu.memory_space<vmem>>) dst(%dma_wait3A_792 : memref<512x32xf32, #tpu.memory_space<hbm>>)
    %dma_start3A_797 = arith.constant 15 : i32
    %dma_start3A_798 = arith.constant 1 : i32
    %dma_start3A_799 = arith.constant 0 : i32
    %dma_start3A_800 = arith.constant 0 : i32
    %dma_start3A_801 = tpu.memref_slice %arg6[%dma_start3A_798, %dma_start3A_799, %dma_start3A_800] : memref<2x512x32xf32, #tpu.memory_space<vmem>> -> memref<1x512x32xf32, #tpu.memory_space<vmem>>
    %dma_start3A_802 = tpu.memref_squeeze %dma_start3A_801 : memref<1x512x32xf32, #tpu.memory_space<vmem>> -> memref<512x32xf32, #tpu.memory_space<vmem>>
    %dma_start3A_803 = arith.constant 0 : i32
    %dma_start3A_804 = tpu.memref_slice %arg5[%dma_start3A_797, %dma_start3A_803] : memref<26x512xi32, #tpu.memory_space<vmem>> -> memref<1x512xi32, #tpu.memory_space<vmem>>
    %dma_start3A_805 = tpu.memref_squeeze %dma_start3A_804 : memref<1x512xi32, #tpu.memory_space<vmem>> -> memref<512xi32, #tpu.memory_space<vmem>>
    %dma_start3A_806 = arith.constant 0 : i32
    %dma_start3A_807 = arith.constant 0 : i32
    %dma_start3A_808 = tpu.memref_slice %arg3[%dma_start3A_806, %dma_start3A_807] : memref<1000000x32xf32, #tpu.memory_space<hbm>> -> memref<1000000x32xf32, #tpu.memory_space<hbm>>
    tpu.enqueue_indirect_dma source(%dma_start3A_808 : memref<1000000x32xf32, #tpu.memory_space<hbm>>) target(%dma_start3A_802 : memref<512x32xf32, #tpu.memory_space<vmem>>) offsets(%dma_start3A_805 : memref<512xi32, #tpu.memory_space<vmem>>) semaphore(%arg7 : memref<!tpu.dma_semaphore, #tpu.memory_space<semaphore_mem>>)
    %dma_wait3A_809 = arith.constant 14 : i32
    %dma_wait3A_810 = arith.constant 0 : i32
    %dma_wait3A_811 = arith.constant 0 : i32
    %dma_wait3A_812 = arith.constant 0 : i32
    %dma_wait3A_813 = tpu.memref_slice %arg6[%dma_wait3A_810, %dma_wait3A_811, %dma_wait3A_812] : memref<2x512x32xf32, #tpu.memory_space<vmem>> -> memref<1x512x32xf32, #tpu.memory_space<vmem>>
    %dma_wait3A_814 = tpu.memref_squeeze %dma_wait3A_813 : memref<1x512x32xf32, #tpu.memory_space<vmem>> -> memref<512x32xf32, #tpu.memory_space<vmem>>
    %dma_wait3A_815 = arith.constant 0 : i32
    %dma_wait3A_816 = tpu.memref_slice %arg5[%dma_wait3A_809, %dma_wait3A_815] : memref<26x512xi32, #tpu.memory_space<vmem>> -> memref<1x512xi32, #tpu.memory_space<vmem>>
    %dma_wait3A_817 = tpu.memref_squeeze %dma_wait3A_816 : memref<1x512xi32, #tpu.memory_space<vmem>> -> memref<512xi32, #tpu.memory_space<vmem>>
    %dma_wait3A_818 = arith.constant 0 : i32
    %dma_wait3A_819 = arith.constant 0 : i32
    %dma_wait3A_820 = tpu.memref_slice %arg3[%dma_wait3A_818, %dma_wait3A_819] : memref<1000000x32xf32, #tpu.memory_space<hbm>> -> memref<1000000x32xf32, #tpu.memory_space<hbm>>
    tpu.wait_indirect_dma semaphore(%arg7 : memref<!tpu.dma_semaphore, #tpu.memory_space<semaphore_mem>>) src(%dma_wait3A_820 : memref<1000000x32xf32, #tpu.memory_space<hbm>>) dst(%dma_wait3A_814 : memref<512x32xf32, #tpu.memory_space<vmem>>)
    %dma_start3A_821 = arith.constant 0 : i32
    %dma_start3A_822 = arith.constant 14 : i32
    %dma_start3A_823 = arith.constant 0 : i32
    %dma_start3A_824 = arith.constant 0 : i32
    %dma_start3A_825 = tpu.memref_slice %arg6[%dma_start3A_821, %dma_start3A_823, %dma_start3A_824] : memref<2x512x32xf32, #tpu.memory_space<vmem>> -> memref<1x512x32xf32, #tpu.memory_space<vmem>>
    %dma_start3A_826 = tpu.memref_squeeze %dma_start3A_825 : memref<1x512x32xf32, #tpu.memory_space<vmem>> -> memref<512x32xf32, #tpu.memory_space<vmem>>
    %dma_start3A_827 = arith.constant 0 : i32
    %dma_start3A_828 = tpu.memref_slice %arg4[%dma_start3A_822, %mul3A_2, %dma_start3A_827] : memref<26x16384x128xf32, #tpu.memory_space<hbm>> -> memref<1x512x32xf32, #tpu.memory_space<hbm>>
    %dma_start3A_829 = tpu.memref_squeeze %dma_start3A_828 : memref<1x512x32xf32, #tpu.memory_space<hbm>> -> memref<512x32xf32, #tpu.memory_space<hbm>>
    %dma_start3A_830 = arith.constant 0 : i32
    %dma_start3A_831 = tpu.memref_slice %arg4[%dma_start3A_822, %mul3A_2, %dma_start3A_830] : memref<26x16384x128xf32, #tpu.memory_space<hbm>> -> memref<1x512x32xf32, #tpu.memory_space<hbm>>
    %dma_start3A_832 = tpu.memref_squeeze %dma_start3A_831 : memref<1x512x32xf32, #tpu.memory_space<hbm>> -> memref<512x32xf32, #tpu.memory_space<hbm>>
    %dma_start3A_833 = arith.constant 0 : i32
    %dma_start3A_834 = arith.constant 0 : i32
    %dma_start3A_835 = tpu.memref_slice %arg6[%dma_start3A_821, %dma_start3A_833, %dma_start3A_834] : memref<2x512x32xf32, #tpu.memory_space<vmem>> -> memref<1x512x32xf32, #tpu.memory_space<vmem>>
    %dma_start3A_836 = tpu.memref_squeeze %dma_start3A_835 : memref<1x512x32xf32, #tpu.memory_space<vmem>> -> memref<512x32xf32, #tpu.memory_space<vmem>>
    tpu.enqueue_dma source(%dma_start3A_836 : memref<512x32xf32, #tpu.memory_space<vmem>>) target(%dma_start3A_832 : memref<512x32xf32, #tpu.memory_space<hbm>>) target_semaphore(%arg8 : memref<!tpu.dma_semaphore, #tpu.memory_space<semaphore_mem>>)
    %dma_wait3A_837 = arith.constant 0 : i32
    %dma_wait3A_838 = arith.constant 14 : i32
    %dma_wait3A_839 = arith.constant 0 : i32
    %dma_wait3A_840 = arith.constant 0 : i32
    %dma_wait3A_841 = tpu.memref_slice %arg6[%dma_wait3A_837, %dma_wait3A_839, %dma_wait3A_840] : memref<2x512x32xf32, #tpu.memory_space<vmem>> -> memref<1x512x32xf32, #tpu.memory_space<vmem>>
    %dma_wait3A_842 = tpu.memref_squeeze %dma_wait3A_841 : memref<1x512x32xf32, #tpu.memory_space<vmem>> -> memref<512x32xf32, #tpu.memory_space<vmem>>
    %dma_wait3A_843 = arith.constant 0 : i32
    %dma_wait3A_844 = tpu.memref_slice %arg4[%dma_wait3A_838, %mul3A_2, %dma_wait3A_843] : memref<26x16384x128xf32, #tpu.memory_space<hbm>> -> memref<1x512x32xf32, #tpu.memory_space<hbm>>
    %dma_wait3A_845 = tpu.memref_squeeze %dma_wait3A_844 : memref<1x512x32xf32, #tpu.memory_space<hbm>> -> memref<512x32xf32, #tpu.memory_space<hbm>>
    %dma_wait3A_846 = arith.constant 0 : i32
    %dma_wait3A_847 = tpu.memref_slice %arg4[%dma_wait3A_838, %mul3A_2, %dma_wait3A_846] : memref<26x16384x128xf32, #tpu.memory_space<hbm>> -> memref<1x512x32xf32, #tpu.memory_space<hbm>>
    %dma_wait3A_848 = tpu.memref_squeeze %dma_wait3A_847 : memref<1x512x32xf32, #tpu.memory_space<hbm>> -> memref<512x32xf32, #tpu.memory_space<hbm>>
    %dma_wait3A_849 = arith.constant 0 : i32
    %dma_wait3A_850 = arith.constant 0 : i32
    %dma_wait3A_851 = tpu.memref_slice %arg6[%dma_wait3A_837, %dma_wait3A_849, %dma_wait3A_850] : memref<2x512x32xf32, #tpu.memory_space<vmem>> -> memref<1x512x32xf32, #tpu.memory_space<vmem>>
    %dma_wait3A_852 = tpu.memref_squeeze %dma_wait3A_851 : memref<1x512x32xf32, #tpu.memory_space<vmem>> -> memref<512x32xf32, #tpu.memory_space<vmem>>
    tpu.wait_dma2 semaphore(%arg8 : memref<!tpu.dma_semaphore, #tpu.memory_space<semaphore_mem>>) src(%dma_wait3A_852 : memref<512x32xf32, #tpu.memory_space<vmem>>) dst(%dma_wait3A_848 : memref<512x32xf32, #tpu.memory_space<hbm>>)
    %dma_start3A_853 = arith.constant 16 : i32
    %dma_start3A_854 = arith.constant 0 : i32
    %dma_start3A_855 = arith.constant 0 : i32
    %dma_start3A_856 = arith.constant 0 : i32
    %dma_start3A_857 = tpu.memref_slice %arg6[%dma_start3A_854, %dma_start3A_855, %dma_start3A_856] : memref<2x512x32xf32, #tpu.memory_space<vmem>> -> memref<1x512x32xf32, #tpu.memory_space<vmem>>
    %dma_start3A_858 = tpu.memref_squeeze %dma_start3A_857 : memref<1x512x32xf32, #tpu.memory_space<vmem>> -> memref<512x32xf32, #tpu.memory_space<vmem>>
    %dma_start3A_859 = arith.constant 0 : i32
    %dma_start3A_860 = tpu.memref_slice %arg5[%dma_start3A_853, %dma_start3A_859] : memref<26x512xi32, #tpu.memory_space<vmem>> -> memref<1x512xi32, #tpu.memory_space<vmem>>
    %dma_start3A_861 = tpu.memref_squeeze %dma_start3A_860 : memref<1x512xi32, #tpu.memory_space<vmem>> -> memref<512xi32, #tpu.memory_space<vmem>>
    %dma_start3A_862 = arith.constant 0 : i32
    %dma_start3A_863 = arith.constant 0 : i32
    %dma_start3A_864 = tpu.memref_slice %arg3[%dma_start3A_862, %dma_start3A_863] : memref<1000000x32xf32, #tpu.memory_space<hbm>> -> memref<1000000x32xf32, #tpu.memory_space<hbm>>
    tpu.enqueue_indirect_dma source(%dma_start3A_864 : memref<1000000x32xf32, #tpu.memory_space<hbm>>) target(%dma_start3A_858 : memref<512x32xf32, #tpu.memory_space<vmem>>) offsets(%dma_start3A_861 : memref<512xi32, #tpu.memory_space<vmem>>) semaphore(%arg7 : memref<!tpu.dma_semaphore, #tpu.memory_space<semaphore_mem>>)
    %dma_wait3A_865 = arith.constant 15 : i32
    %dma_wait3A_866 = arith.constant 1 : i32
    %dma_wait3A_867 = arith.constant 0 : i32
    %dma_wait3A_868 = arith.constant 0 : i32
    %dma_wait3A_869 = tpu.memref_slice %arg6[%dma_wait3A_866, %dma_wait3A_867, %dma_wait3A_868] : memref<2x512x32xf32, #tpu.memory_space<vmem>> -> memref<1x512x32xf32, #tpu.memory_space<vmem>>
    %dma_wait3A_870 = tpu.memref_squeeze %dma_wait3A_869 : memref<1x512x32xf32, #tpu.memory_space<vmem>> -> memref<512x32xf32, #tpu.memory_space<vmem>>
    %dma_wait3A_871 = arith.constant 0 : i32
    %dma_wait3A_872 = tpu.memref_slice %arg5[%dma_wait3A_865, %dma_wait3A_871] : memref<26x512xi32, #tpu.memory_space<vmem>> -> memref<1x512xi32, #tpu.memory_space<vmem>>
    %dma_wait3A_873 = tpu.memref_squeeze %dma_wait3A_872 : memref<1x512xi32, #tpu.memory_space<vmem>> -> memref<512xi32, #tpu.memory_space<vmem>>
    %dma_wait3A_874 = arith.constant 0 : i32
    %dma_wait3A_875 = arith.constant 0 : i32
    %dma_wait3A_876 = tpu.memref_slice %arg3[%dma_wait3A_874, %dma_wait3A_875] : memref<1000000x32xf32, #tpu.memory_space<hbm>> -> memref<1000000x32xf32, #tpu.memory_space<hbm>>
    tpu.wait_indirect_dma semaphore(%arg7 : memref<!tpu.dma_semaphore, #tpu.memory_space<semaphore_mem>>) src(%dma_wait3A_876 : memref<1000000x32xf32, #tpu.memory_space<hbm>>) dst(%dma_wait3A_870 : memref<512x32xf32, #tpu.memory_space<vmem>>)
    %dma_start3A_877 = arith.constant 1 : i32
    %dma_start3A_878 = arith.constant 15 : i32
    %dma_start3A_879 = arith.constant 0 : i32
    %dma_start3A_880 = arith.constant 0 : i32
    %dma_start3A_881 = tpu.memref_slice %arg6[%dma_start3A_877, %dma_start3A_879, %dma_start3A_880] : memref<2x512x32xf32, #tpu.memory_space<vmem>> -> memref<1x512x32xf32, #tpu.memory_space<vmem>>
    %dma_start3A_882 = tpu.memref_squeeze %dma_start3A_881 : memref<1x512x32xf32, #tpu.memory_space<vmem>> -> memref<512x32xf32, #tpu.memory_space<vmem>>
    %dma_start3A_883 = arith.constant 0 : i32
    %dma_start3A_884 = tpu.memref_slice %arg4[%dma_start3A_878, %mul3A_2, %dma_start3A_883] : memref<26x16384x128xf32, #tpu.memory_space<hbm>> -> memref<1x512x32xf32, #tpu.memory_space<hbm>>
    %dma_start3A_885 = tpu.memref_squeeze %dma_start3A_884 : memref<1x512x32xf32, #tpu.memory_space<hbm>> -> memref<512x32xf32, #tpu.memory_space<hbm>>
    %dma_start3A_886 = arith.constant 0 : i32
    %dma_start3A_887 = tpu.memref_slice %arg4[%dma_start3A_878, %mul3A_2, %dma_start3A_886] : memref<26x16384x128xf32, #tpu.memory_space<hbm>> -> memref<1x512x32xf32, #tpu.memory_space<hbm>>
    %dma_start3A_888 = tpu.memref_squeeze %dma_start3A_887 : memref<1x512x32xf32, #tpu.memory_space<hbm>> -> memref<512x32xf32, #tpu.memory_space<hbm>>
    %dma_start3A_889 = arith.constant 0 : i32
    %dma_start3A_890 = arith.constant 0 : i32
    %dma_start3A_891 = tpu.memref_slice %arg6[%dma_start3A_877, %dma_start3A_889, %dma_start3A_890] : memref<2x512x32xf32, #tpu.memory_space<vmem>> -> memref<1x512x32xf32, #tpu.memory_space<vmem>>
    %dma_start3A_892 = tpu.memref_squeeze %dma_start3A_891 : memref<1x512x32xf32, #tpu.memory_space<vmem>> -> memref<512x32xf32, #tpu.memory_space<vmem>>
    tpu.enqueue_dma source(%dma_start3A_892 : memref<512x32xf32, #tpu.memory_space<vmem>>) target(%dma_start3A_888 : memref<512x32xf32, #tpu.memory_space<hbm>>) target_semaphore(%arg8 : memref<!tpu.dma_semaphore, #tpu.memory_space<semaphore_mem>>)
    %dma_wait3A_893 = arith.constant 1 : i32
    %dma_wait3A_894 = arith.constant 15 : i32
    %dma_wait3A_895 = arith.constant 0 : i32
    %dma_wait3A_896 = arith.constant 0 : i32
    %dma_wait3A_897 = tpu.memref_slice %arg6[%dma_wait3A_893, %dma_wait3A_895, %dma_wait3A_896] : memref<2x512x32xf32, #tpu.memory_space<vmem>> -> memref<1x512x32xf32, #tpu.memory_space<vmem>>
    %dma_wait3A_898 = tpu.memref_squeeze %dma_wait3A_897 : memref<1x512x32xf32, #tpu.memory_space<vmem>> -> memref<512x32xf32, #tpu.memory_space<vmem>>
    %dma_wait3A_899 = arith.constant 0 : i32
    %dma_wait3A_900 = tpu.memref_slice %arg4[%dma_wait3A_894, %mul3A_2, %dma_wait3A_899] : memref<26x16384x128xf32, #tpu.memory_space<hbm>> -> memref<1x512x32xf32, #tpu.memory_space<hbm>>
    %dma_wait3A_901 = tpu.memref_squeeze %dma_wait3A_900 : memref<1x512x32xf32, #tpu.memory_space<hbm>> -> memref<512x32xf32, #tpu.memory_space<hbm>>
    %dma_wait3A_902 = arith.constant 0 : i32
    %dma_wait3A_903 = tpu.memref_slice %arg4[%dma_wait3A_894, %mul3A_2, %dma_wait3A_902] : memref<26x16384x128xf32, #tpu.memory_space<hbm>> -> memref<1x512x32xf32, #tpu.memory_space<hbm>>
    %dma_wait3A_904 = tpu.memref_squeeze %dma_wait3A_903 : memref<1x512x32xf32, #tpu.memory_space<hbm>> -> memref<512x32xf32, #tpu.memory_space<hbm>>
    %dma_wait3A_905 = arith.constant 0 : i32
    %dma_wait3A_906 = arith.constant 0 : i32
    %dma_wait3A_907 = tpu.memref_slice %arg6[%dma_wait3A_893, %dma_wait3A_905, %dma_wait3A_906] : memref<2x512x32xf32, #tpu.memory_space<vmem>> -> memref<1x512x32xf32, #tpu.memory_space<vmem>>
    %dma_wait3A_908 = tpu.memref_squeeze %dma_wait3A_907 : memref<1x512x32xf32, #tpu.memory_space<vmem>> -> memref<512x32xf32, #tpu.memory_space<vmem>>
    tpu.wait_dma2 semaphore(%arg8 : memref<!tpu.dma_semaphore, #tpu.memory_space<semaphore_mem>>) src(%dma_wait3A_908 : memref<512x32xf32, #tpu.memory_space<vmem>>) dst(%dma_wait3A_904 : memref<512x32xf32, #tpu.memory_space<hbm>>)
    %dma_start3A_909 = arith.constant 17 : i32
    %dma_start3A_910 = arith.constant 1 : i32
    %dma_start3A_911 = arith.constant 0 : i32
    %dma_start3A_912 = arith.constant 0 : i32
    %dma_start3A_913 = tpu.memref_slice %arg6[%dma_start3A_910, %dma_start3A_911, %dma_start3A_912] : memref<2x512x32xf32, #tpu.memory_space<vmem>> -> memref<1x512x32xf32, #tpu.memory_space<vmem>>
    %dma_start3A_914 = tpu.memref_squeeze %dma_start3A_913 : memref<1x512x32xf32, #tpu.memory_space<vmem>> -> memref<512x32xf32, #tpu.memory_space<vmem>>
    %dma_start3A_915 = arith.constant 0 : i32
    %dma_start3A_916 = tpu.memref_slice %arg5[%dma_start3A_909, %dma_start3A_915] : memref<26x512xi32, #tpu.memory_space<vmem>> -> memref<1x512xi32, #tpu.memory_space<vmem>>
    %dma_start3A_917 = tpu.memref_squeeze %dma_start3A_916 : memref<1x512xi32, #tpu.memory_space<vmem>> -> memref<512xi32, #tpu.memory_space<vmem>>
    %dma_start3A_918 = arith.constant 0 : i32
    %dma_start3A_919 = arith.constant 0 : i32
    %dma_start3A_920 = tpu.memref_slice %arg3[%dma_start3A_918, %dma_start3A_919] : memref<1000000x32xf32, #tpu.memory_space<hbm>> -> memref<1000000x32xf32, #tpu.memory_space<hbm>>
    tpu.enqueue_indirect_dma source(%dma_start3A_920 : memref<1000000x32xf32, #tpu.memory_space<hbm>>) target(%dma_start3A_914 : memref<512x32xf32, #tpu.memory_space<vmem>>) offsets(%dma_start3A_917 : memref<512xi32, #tpu.memory_space<vmem>>) semaphore(%arg7 : memref<!tpu.dma_semaphore, #tpu.memory_space<semaphore_mem>>)
    %dma_wait3A_921 = arith.constant 16 : i32
    %dma_wait3A_922 = arith.constant 0 : i32
    %dma_wait3A_923 = arith.constant 0 : i32
    %dma_wait3A_924 = arith.constant 0 : i32
    %dma_wait3A_925 = tpu.memref_slice %arg6[%dma_wait3A_922, %dma_wait3A_923, %dma_wait3A_924] : memref<2x512x32xf32, #tpu.memory_space<vmem>> -> memref<1x512x32xf32, #tpu.memory_space<vmem>>
    %dma_wait3A_926 = tpu.memref_squeeze %dma_wait3A_925 : memref<1x512x32xf32, #tpu.memory_space<vmem>> -> memref<512x32xf32, #tpu.memory_space<vmem>>
    %dma_wait3A_927 = arith.constant 0 : i32
    %dma_wait3A_928 = tpu.memref_slice %arg5[%dma_wait3A_921, %dma_wait3A_927] : memref<26x512xi32, #tpu.memory_space<vmem>> -> memref<1x512xi32, #tpu.memory_space<vmem>>
    %dma_wait3A_929 = tpu.memref_squeeze %dma_wait3A_928 : memref<1x512xi32, #tpu.memory_space<vmem>> -> memref<512xi32, #tpu.memory_space<vmem>>
    %dma_wait3A_930 = arith.constant 0 : i32
    %dma_wait3A_931 = arith.constant 0 : i32
    %dma_wait3A_932 = tpu.memref_slice %arg3[%dma_wait3A_930, %dma_wait3A_931] : memref<1000000x32xf32, #tpu.memory_space<hbm>> -> memref<1000000x32xf32, #tpu.memory_space<hbm>>
    tpu.wait_indirect_dma semaphore(%arg7 : memref<!tpu.dma_semaphore, #tpu.memory_space<semaphore_mem>>) src(%dma_wait3A_932 : memref<1000000x32xf32, #tpu.memory_space<hbm>>) dst(%dma_wait3A_926 : memref<512x32xf32, #tpu.memory_space<vmem>>)
    %dma_start3A_933 = arith.constant 0 : i32
    %dma_start3A_934 = arith.constant 16 : i32
    %dma_start3A_935 = arith.constant 0 : i32
    %dma_start3A_936 = arith.constant 0 : i32
    %dma_start3A_937 = tpu.memref_slice %arg6[%dma_start3A_933, %dma_start3A_935, %dma_start3A_936] : memref<2x512x32xf32, #tpu.memory_space<vmem>> -> memref<1x512x32xf32, #tpu.memory_space<vmem>>
    %dma_start3A_938 = tpu.memref_squeeze %dma_start3A_937 : memref<1x512x32xf32, #tpu.memory_space<vmem>> -> memref<512x32xf32, #tpu.memory_space<vmem>>
    %dma_start3A_939 = arith.constant 0 : i32
    %dma_start3A_940 = tpu.memref_slice %arg4[%dma_start3A_934, %mul3A_2, %dma_start3A_939] : memref<26x16384x128xf32, #tpu.memory_space<hbm>> -> memref<1x512x32xf32, #tpu.memory_space<hbm>>
    %dma_start3A_941 = tpu.memref_squeeze %dma_start3A_940 : memref<1x512x32xf32, #tpu.memory_space<hbm>> -> memref<512x32xf32, #tpu.memory_space<hbm>>
    %dma_start3A_942 = arith.constant 0 : i32
    %dma_start3A_943 = tpu.memref_slice %arg4[%dma_start3A_934, %mul3A_2, %dma_start3A_942] : memref<26x16384x128xf32, #tpu.memory_space<hbm>> -> memref<1x512x32xf32, #tpu.memory_space<hbm>>
    %dma_start3A_944 = tpu.memref_squeeze %dma_start3A_943 : memref<1x512x32xf32, #tpu.memory_space<hbm>> -> memref<512x32xf32, #tpu.memory_space<hbm>>
    %dma_start3A_945 = arith.constant 0 : i32
    %dma_start3A_946 = arith.constant 0 : i32
    %dma_start3A_947 = tpu.memref_slice %arg6[%dma_start3A_933, %dma_start3A_945, %dma_start3A_946] : memref<2x512x32xf32, #tpu.memory_space<vmem>> -> memref<1x512x32xf32, #tpu.memory_space<vmem>>
    %dma_start3A_948 = tpu.memref_squeeze %dma_start3A_947 : memref<1x512x32xf32, #tpu.memory_space<vmem>> -> memref<512x32xf32, #tpu.memory_space<vmem>>
    tpu.enqueue_dma source(%dma_start3A_948 : memref<512x32xf32, #tpu.memory_space<vmem>>) target(%dma_start3A_944 : memref<512x32xf32, #tpu.memory_space<hbm>>) target_semaphore(%arg8 : memref<!tpu.dma_semaphore, #tpu.memory_space<semaphore_mem>>)
    %dma_wait3A_949 = arith.constant 0 : i32
    %dma_wait3A_950 = arith.constant 16 : i32
    %dma_wait3A_951 = arith.constant 0 : i32
    %dma_wait3A_952 = arith.constant 0 : i32
    %dma_wait3A_953 = tpu.memref_slice %arg6[%dma_wait3A_949, %dma_wait3A_951, %dma_wait3A_952] : memref<2x512x32xf32, #tpu.memory_space<vmem>> -> memref<1x512x32xf32, #tpu.memory_space<vmem>>
    %dma_wait3A_954 = tpu.memref_squeeze %dma_wait3A_953 : memref<1x512x32xf32, #tpu.memory_space<vmem>> -> memref<512x32xf32, #tpu.memory_space<vmem>>
    %dma_wait3A_955 = arith.constant 0 : i32
    %dma_wait3A_956 = tpu.memref_slice %arg4[%dma_wait3A_950, %mul3A_2, %dma_wait3A_955] : memref<26x16384x128xf32, #tpu.memory_space<hbm>> -> memref<1x512x32xf32, #tpu.memory_space<hbm>>
    %dma_wait3A_957 = tpu.memref_squeeze %dma_wait3A_956 : memref<1x512x32xf32, #tpu.memory_space<hbm>> -> memref<512x32xf32, #tpu.memory_space<hbm>>
    %dma_wait3A_958 = arith.constant 0 : i32
    %dma_wait3A_959 = tpu.memref_slice %arg4[%dma_wait3A_950, %mul3A_2, %dma_wait3A_958] : memref<26x16384x128xf32, #tpu.memory_space<hbm>> -> memref<1x512x32xf32, #tpu.memory_space<hbm>>
    %dma_wait3A_960 = tpu.memref_squeeze %dma_wait3A_959 : memref<1x512x32xf32, #tpu.memory_space<hbm>> -> memref<512x32xf32, #tpu.memory_space<hbm>>
    %dma_wait3A_961 = arith.constant 0 : i32
    %dma_wait3A_962 = arith.constant 0 : i32
    %dma_wait3A_963 = tpu.memref_slice %arg6[%dma_wait3A_949, %dma_wait3A_961, %dma_wait3A_962] : memref<2x512x32xf32, #tpu.memory_space<vmem>> -> memref<1x512x32xf32, #tpu.memory_space<vmem>>
    %dma_wait3A_964 = tpu.memref_squeeze %dma_wait3A_963 : memref<1x512x32xf32, #tpu.memory_space<vmem>> -> memref<512x32xf32, #tpu.memory_space<vmem>>
    tpu.wait_dma2 semaphore(%arg8 : memref<!tpu.dma_semaphore, #tpu.memory_space<semaphore_mem>>) src(%dma_wait3A_964 : memref<512x32xf32, #tpu.memory_space<vmem>>) dst(%dma_wait3A_960 : memref<512x32xf32, #tpu.memory_space<hbm>>)
    %dma_start3A_965 = arith.constant 18 : i32
    %dma_start3A_966 = arith.constant 0 : i32
    %dma_start3A_967 = arith.constant 0 : i32
    %dma_start3A_968 = arith.constant 0 : i32
    %dma_start3A_969 = tpu.memref_slice %arg6[%dma_start3A_966, %dma_start3A_967, %dma_start3A_968] : memref<2x512x32xf32, #tpu.memory_space<vmem>> -> memref<1x512x32xf32, #tpu.memory_space<vmem>>
    %dma_start3A_970 = tpu.memref_squeeze %dma_start3A_969 : memref<1x512x32xf32, #tpu.memory_space<vmem>> -> memref<512x32xf32, #tpu.memory_space<vmem>>
    %dma_start3A_971 = arith.constant 0 : i32
    %dma_start3A_972 = tpu.memref_slice %arg5[%dma_start3A_965, %dma_start3A_971] : memref<26x512xi32, #tpu.memory_space<vmem>> -> memref<1x512xi32, #tpu.memory_space<vmem>>
    %dma_start3A_973 = tpu.memref_squeeze %dma_start3A_972 : memref<1x512xi32, #tpu.memory_space<vmem>> -> memref<512xi32, #tpu.memory_space<vmem>>
    %dma_start3A_974 = arith.constant 0 : i32
    %dma_start3A_975 = arith.constant 0 : i32
    %dma_start3A_976 = tpu.memref_slice %arg3[%dma_start3A_974, %dma_start3A_975] : memref<1000000x32xf32, #tpu.memory_space<hbm>> -> memref<1000000x32xf32, #tpu.memory_space<hbm>>
    tpu.enqueue_indirect_dma source(%dma_start3A_976 : memref<1000000x32xf32, #tpu.memory_space<hbm>>) target(%dma_start3A_970 : memref<512x32xf32, #tpu.memory_space<vmem>>) offsets(%dma_start3A_973 : memref<512xi32, #tpu.memory_space<vmem>>) semaphore(%arg7 : memref<!tpu.dma_semaphore, #tpu.memory_space<semaphore_mem>>)
    %dma_wait3A_977 = arith.constant 17 : i32
    %dma_wait3A_978 = arith.constant 1 : i32
    %dma_wait3A_979 = arith.constant 0 : i32
    %dma_wait3A_980 = arith.constant 0 : i32
    %dma_wait3A_981 = tpu.memref_slice %arg6[%dma_wait3A_978, %dma_wait3A_979, %dma_wait3A_980] : memref<2x512x32xf32, #tpu.memory_space<vmem>> -> memref<1x512x32xf32, #tpu.memory_space<vmem>>
    %dma_wait3A_982 = tpu.memref_squeeze %dma_wait3A_981 : memref<1x512x32xf32, #tpu.memory_space<vmem>> -> memref<512x32xf32, #tpu.memory_space<vmem>>
    %dma_wait3A_983 = arith.constant 0 : i32
    %dma_wait3A_984 = tpu.memref_slice %arg5[%dma_wait3A_977, %dma_wait3A_983] : memref<26x512xi32, #tpu.memory_space<vmem>> -> memref<1x512xi32, #tpu.memory_space<vmem>>
    %dma_wait3A_985 = tpu.memref_squeeze %dma_wait3A_984 : memref<1x512xi32, #tpu.memory_space<vmem>> -> memref<512xi32, #tpu.memory_space<vmem>>
    %dma_wait3A_986 = arith.constant 0 : i32
    %dma_wait3A_987 = arith.constant 0 : i32
    %dma_wait3A_988 = tpu.memref_slice %arg3[%dma_wait3A_986, %dma_wait3A_987] : memref<1000000x32xf32, #tpu.memory_space<hbm>> -> memref<1000000x32xf32, #tpu.memory_space<hbm>>
    tpu.wait_indirect_dma semaphore(%arg7 : memref<!tpu.dma_semaphore, #tpu.memory_space<semaphore_mem>>) src(%dma_wait3A_988 : memref<1000000x32xf32, #tpu.memory_space<hbm>>) dst(%dma_wait3A_982 : memref<512x32xf32, #tpu.memory_space<vmem>>)
    %dma_start3A_989 = arith.constant 1 : i32
    %dma_start3A_990 = arith.constant 17 : i32
    %dma_start3A_991 = arith.constant 0 : i32
    %dma_start3A_992 = arith.constant 0 : i32
    %dma_start3A_993 = tpu.memref_slice %arg6[%dma_start3A_989, %dma_start3A_991, %dma_start3A_992] : memref<2x512x32xf32, #tpu.memory_space<vmem>> -> memref<1x512x32xf32, #tpu.memory_space<vmem>>
    %dma_start3A_994 = tpu.memref_squeeze %dma_start3A_993 : memref<1x512x32xf32, #tpu.memory_space<vmem>> -> memref<512x32xf32, #tpu.memory_space<vmem>>
    %dma_start3A_995 = arith.constant 0 : i32
    %dma_start3A_996 = tpu.memref_slice %arg4[%dma_start3A_990, %mul3A_2, %dma_start3A_995] : memref<26x16384x128xf32, #tpu.memory_space<hbm>> -> memref<1x512x32xf32, #tpu.memory_space<hbm>>
    %dma_start3A_997 = tpu.memref_squeeze %dma_start3A_996 : memref<1x512x32xf32, #tpu.memory_space<hbm>> -> memref<512x32xf32, #tpu.memory_space<hbm>>
    %dma_start3A_998 = arith.constant 0 : i32
    %dma_start3A_999 = tpu.memref_slice %arg4[%dma_start3A_990, %mul3A_2, %dma_start3A_998] : memref<26x16384x128xf32, #tpu.memory_space<hbm>> -> memref<1x512x32xf32, #tpu.memory_space<hbm>>
    %dma_start3A_1000 = tpu.memref_squeeze %dma_start3A_999 : memref<1x512x32xf32, #tpu.memory_space<hbm>> -> memref<512x32xf32, #tpu.memory_space<hbm>>
    %dma_start3A_1001 = arith.constant 0 : i32
    %dma_start3A_1002 = arith.constant 0 : i32
    %dma_start3A_1003 = tpu.memref_slice %arg6[%dma_start3A_989, %dma_start3A_1001, %dma_start3A_1002] : memref<2x512x32xf32, #tpu.memory_space<vmem>> -> memref<1x512x32xf32, #tpu.memory_space<vmem>>
    %dma_start3A_1004 = tpu.memref_squeeze %dma_start3A_1003 : memref<1x512x32xf32, #tpu.memory_space<vmem>> -> memref<512x32xf32, #tpu.memory_space<vmem>>
    tpu.enqueue_dma source(%dma_start3A_1004 : memref<512x32xf32, #tpu.memory_space<vmem>>) target(%dma_start3A_1000 : memref<512x32xf32, #tpu.memory_space<hbm>>) target_semaphore(%arg8 : memref<!tpu.dma_semaphore, #tpu.memory_space<semaphore_mem>>)
    %dma_wait3A_1005 = arith.constant 1 : i32
    %dma_wait3A_1006 = arith.constant 17 : i32
    %dma_wait3A_1007 = arith.constant 0 : i32
    %dma_wait3A_1008 = arith.constant 0 : i32
    %dma_wait3A_1009 = tpu.memref_slice %arg6[%dma_wait3A_1005, %dma_wait3A_1007, %dma_wait3A_1008] : memref<2x512x32xf32, #tpu.memory_space<vmem>> -> memref<1x512x32xf32, #tpu.memory_space<vmem>>
    %dma_wait3A_1010 = tpu.memref_squeeze %dma_wait3A_1009 : memref<1x512x32xf32, #tpu.memory_space<vmem>> -> memref<512x32xf32, #tpu.memory_space<vmem>>
    %dma_wait3A_1011 = arith.constant 0 : i32
    %dma_wait3A_1012 = tpu.memref_slice %arg4[%dma_wait3A_1006, %mul3A_2, %dma_wait3A_1011] : memref<26x16384x128xf32, #tpu.memory_space<hbm>> -> memref<1x512x32xf32, #tpu.memory_space<hbm>>
    %dma_wait3A_1013 = tpu.memref_squeeze %dma_wait3A_1012 : memref<1x512x32xf32, #tpu.memory_space<hbm>> -> memref<512x32xf32, #tpu.memory_space<hbm>>
    %dma_wait3A_1014 = arith.constant 0 : i32
    %dma_wait3A_1015 = tpu.memref_slice %arg4[%dma_wait3A_1006, %mul3A_2, %dma_wait3A_1014] : memref<26x16384x128xf32, #tpu.memory_space<hbm>> -> memref<1x512x32xf32, #tpu.memory_space<hbm>>
    %dma_wait3A_1016 = tpu.memref_squeeze %dma_wait3A_1015 : memref<1x512x32xf32, #tpu.memory_space<hbm>> -> memref<512x32xf32, #tpu.memory_space<hbm>>
    %dma_wait3A_1017 = arith.constant 0 : i32
    %dma_wait3A_1018 = arith.constant 0 : i32
    %dma_wait3A_1019 = tpu.memref_slice %arg6[%dma_wait3A_1005, %dma_wait3A_1017, %dma_wait3A_1018] : memref<2x512x32xf32, #tpu.memory_space<vmem>> -> memref<1x512x32xf32, #tpu.memory_space<vmem>>
    %dma_wait3A_1020 = tpu.memref_squeeze %dma_wait3A_1019 : memref<1x512x32xf32, #tpu.memory_space<vmem>> -> memref<512x32xf32, #tpu.memory_space<vmem>>
    tpu.wait_dma2 semaphore(%arg8 : memref<!tpu.dma_semaphore, #tpu.memory_space<semaphore_mem>>) src(%dma_wait3A_1020 : memref<512x32xf32, #tpu.memory_space<vmem>>) dst(%dma_wait3A_1016 : memref<512x32xf32, #tpu.memory_space<hbm>>)
    %dma_start3A_1021 = arith.constant 19 : i32
    %dma_start3A_1022 = arith.constant 1 : i32
    %dma_start3A_1023 = arith.constant 0 : i32
    %dma_start3A_1024 = arith.constant 0 : i32
    %dma_start3A_1025 = tpu.memref_slice %arg6[%dma_start3A_1022, %dma_start3A_1023, %dma_start3A_1024] : memref<2x512x32xf32, #tpu.memory_space<vmem>> -> memref<1x512x32xf32, #tpu.memory_space<vmem>>
    %dma_start3A_1026 = tpu.memref_squeeze %dma_start3A_1025 : memref<1x512x32xf32, #tpu.memory_space<vmem>> -> memref<512x32xf32, #tpu.memory_space<vmem>>
    %dma_start3A_1027 = arith.constant 0 : i32
    %dma_start3A_1028 = tpu.memref_slice %arg5[%dma_start3A_1021, %dma_start3A_1027] : memref<26x512xi32, #tpu.memory_space<vmem>> -> memref<1x512xi32, #tpu.memory_space<vmem>>
    %dma_start3A_1029 = tpu.memref_squeeze %dma_start3A_1028 : memref<1x512xi32, #tpu.memory_space<vmem>> -> memref<512xi32, #tpu.memory_space<vmem>>
    %dma_start3A_1030 = arith.constant 0 : i32
    %dma_start3A_1031 = arith.constant 0 : i32
    %dma_start3A_1032 = tpu.memref_slice %arg3[%dma_start3A_1030, %dma_start3A_1031] : memref<1000000x32xf32, #tpu.memory_space<hbm>> -> memref<1000000x32xf32, #tpu.memory_space<hbm>>
    tpu.enqueue_indirect_dma source(%dma_start3A_1032 : memref<1000000x32xf32, #tpu.memory_space<hbm>>) target(%dma_start3A_1026 : memref<512x32xf32, #tpu.memory_space<vmem>>) offsets(%dma_start3A_1029 : memref<512xi32, #tpu.memory_space<vmem>>) semaphore(%arg7 : memref<!tpu.dma_semaphore, #tpu.memory_space<semaphore_mem>>)
    %dma_wait3A_1033 = arith.constant 18 : i32
    %dma_wait3A_1034 = arith.constant 0 : i32
    %dma_wait3A_1035 = arith.constant 0 : i32
    %dma_wait3A_1036 = arith.constant 0 : i32
    %dma_wait3A_1037 = tpu.memref_slice %arg6[%dma_wait3A_1034, %dma_wait3A_1035, %dma_wait3A_1036] : memref<2x512x32xf32, #tpu.memory_space<vmem>> -> memref<1x512x32xf32, #tpu.memory_space<vmem>>
    %dma_wait3A_1038 = tpu.memref_squeeze %dma_wait3A_1037 : memref<1x512x32xf32, #tpu.memory_space<vmem>> -> memref<512x32xf32, #tpu.memory_space<vmem>>
    %dma_wait3A_1039 = arith.constant 0 : i32
    %dma_wait3A_1040 = tpu.memref_slice %arg5[%dma_wait3A_1033, %dma_wait3A_1039] : memref<26x512xi32, #tpu.memory_space<vmem>> -> memref<1x512xi32, #tpu.memory_space<vmem>>
    %dma_wait3A_1041 = tpu.memref_squeeze %dma_wait3A_1040 : memref<1x512xi32, #tpu.memory_space<vmem>> -> memref<512xi32, #tpu.memory_space<vmem>>
    %dma_wait3A_1042 = arith.constant 0 : i32
    %dma_wait3A_1043 = arith.constant 0 : i32
    %dma_wait3A_1044 = tpu.memref_slice %arg3[%dma_wait3A_1042, %dma_wait3A_1043] : memref<1000000x32xf32, #tpu.memory_space<hbm>> -> memref<1000000x32xf32, #tpu.memory_space<hbm>>
    tpu.wait_indirect_dma semaphore(%arg7 : memref<!tpu.dma_semaphore, #tpu.memory_space<semaphore_mem>>) src(%dma_wait3A_1044 : memref<1000000x32xf32, #tpu.memory_space<hbm>>) dst(%dma_wait3A_1038 : memref<512x32xf32, #tpu.memory_space<vmem>>)
    %dma_start3A_1045 = arith.constant 0 : i32
    %dma_start3A_1046 = arith.constant 18 : i32
    %dma_start3A_1047 = arith.constant 0 : i32
    %dma_start3A_1048 = arith.constant 0 : i32
    %dma_start3A_1049 = tpu.memref_slice %arg6[%dma_start3A_1045, %dma_start3A_1047, %dma_start3A_1048] : memref<2x512x32xf32, #tpu.memory_space<vmem>> -> memref<1x512x32xf32, #tpu.memory_space<vmem>>
    %dma_start3A_1050 = tpu.memref_squeeze %dma_start3A_1049 : memref<1x512x32xf32, #tpu.memory_space<vmem>> -> memref<512x32xf32, #tpu.memory_space<vmem>>
    %dma_start3A_1051 = arith.constant 0 : i32
    %dma_start3A_1052 = tpu.memref_slice %arg4[%dma_start3A_1046, %mul3A_2, %dma_start3A_1051] : memref<26x16384x128xf32, #tpu.memory_space<hbm>> -> memref<1x512x32xf32, #tpu.memory_space<hbm>>
    %dma_start3A_1053 = tpu.memref_squeeze %dma_start3A_1052 : memref<1x512x32xf32, #tpu.memory_space<hbm>> -> memref<512x32xf32, #tpu.memory_space<hbm>>
    %dma_start3A_1054 = arith.constant 0 : i32
    %dma_start3A_1055 = tpu.memref_slice %arg4[%dma_start3A_1046, %mul3A_2, %dma_start3A_1054] : memref<26x16384x128xf32, #tpu.memory_space<hbm>> -> memref<1x512x32xf32, #tpu.memory_space<hbm>>
    %dma_start3A_1056 = tpu.memref_squeeze %dma_start3A_1055 : memref<1x512x32xf32, #tpu.memory_space<hbm>> -> memref<512x32xf32, #tpu.memory_space<hbm>>
    %dma_start3A_1057 = arith.constant 0 : i32
    %dma_start3A_1058 = arith.constant 0 : i32
    %dma_start3A_1059 = tpu.memref_slice %arg6[%dma_start3A_1045, %dma_start3A_1057, %dma_start3A_1058] : memref<2x512x32xf32, #tpu.memory_space<vmem>> -> memref<1x512x32xf32, #tpu.memory_space<vmem>>
    %dma_start3A_1060 = tpu.memref_squeeze %dma_start3A_1059 : memref<1x512x32xf32, #tpu.memory_space<vmem>> -> memref<512x32xf32, #tpu.memory_space<vmem>>
    tpu.enqueue_dma source(%dma_start3A_1060 : memref<512x32xf32, #tpu.memory_space<vmem>>) target(%dma_start3A_1056 : memref<512x32xf32, #tpu.memory_space<hbm>>) target_semaphore(%arg8 : memref<!tpu.dma_semaphore, #tpu.memory_space<semaphore_mem>>)
    %dma_wait3A_1061 = arith.constant 0 : i32
    %dma_wait3A_1062 = arith.constant 18 : i32
    %dma_wait3A_1063 = arith.constant 0 : i32
    %dma_wait3A_1064 = arith.constant 0 : i32
    %dma_wait3A_1065 = tpu.memref_slice %arg6[%dma_wait3A_1061, %dma_wait3A_1063, %dma_wait3A_1064] : memref<2x512x32xf32, #tpu.memory_space<vmem>> -> memref<1x512x32xf32, #tpu.memory_space<vmem>>
    %dma_wait3A_1066 = tpu.memref_squeeze %dma_wait3A_1065 : memref<1x512x32xf32, #tpu.memory_space<vmem>> -> memref<512x32xf32, #tpu.memory_space<vmem>>
    %dma_wait3A_1067 = arith.constant 0 : i32
    %dma_wait3A_1068 = tpu.memref_slice %arg4[%dma_wait3A_1062, %mul3A_2, %dma_wait3A_1067] : memref<26x16384x128xf32, #tpu.memory_space<hbm>> -> memref<1x512x32xf32, #tpu.memory_space<hbm>>
    %dma_wait3A_1069 = tpu.memref_squeeze %dma_wait3A_1068 : memref<1x512x32xf32, #tpu.memory_space<hbm>> -> memref<512x32xf32, #tpu.memory_space<hbm>>
    %dma_wait3A_1070 = arith.constant 0 : i32
    %dma_wait3A_1071 = tpu.memref_slice %arg4[%dma_wait3A_1062, %mul3A_2, %dma_wait3A_1070] : memref<26x16384x128xf32, #tpu.memory_space<hbm>> -> memref<1x512x32xf32, #tpu.memory_space<hbm>>
    %dma_wait3A_1072 = tpu.memref_squeeze %dma_wait3A_1071 : memref<1x512x32xf32, #tpu.memory_space<hbm>> -> memref<512x32xf32, #tpu.memory_space<hbm>>
    %dma_wait3A_1073 = arith.constant 0 : i32
    %dma_wait3A_1074 = arith.constant 0 : i32
    %dma_wait3A_1075 = tpu.memref_slice %arg6[%dma_wait3A_1061, %dma_wait3A_1073, %dma_wait3A_1074] : memref<2x512x32xf32, #tpu.memory_space<vmem>> -> memref<1x512x32xf32, #tpu.memory_space<vmem>>
    %dma_wait3A_1076 = tpu.memref_squeeze %dma_wait3A_1075 : memref<1x512x32xf32, #tpu.memory_space<vmem>> -> memref<512x32xf32, #tpu.memory_space<vmem>>
    tpu.wait_dma2 semaphore(%arg8 : memref<!tpu.dma_semaphore, #tpu.memory_space<semaphore_mem>>) src(%dma_wait3A_1076 : memref<512x32xf32, #tpu.memory_space<vmem>>) dst(%dma_wait3A_1072 : memref<512x32xf32, #tpu.memory_space<hbm>>)
    %dma_start3A_1077 = arith.constant 20 : i32
    %dma_start3A_1078 = arith.constant 0 : i32
    %dma_start3A_1079 = arith.constant 0 : i32
    %dma_start3A_1080 = arith.constant 0 : i32
    %dma_start3A_1081 = tpu.memref_slice %arg6[%dma_start3A_1078, %dma_start3A_1079, %dma_start3A_1080] : memref<2x512x32xf32, #tpu.memory_space<vmem>> -> memref<1x512x32xf32, #tpu.memory_space<vmem>>
    %dma_start3A_1082 = tpu.memref_squeeze %dma_start3A_1081 : memref<1x512x32xf32, #tpu.memory_space<vmem>> -> memref<512x32xf32, #tpu.memory_space<vmem>>
    %dma_start3A_1083 = arith.constant 0 : i32
    %dma_start3A_1084 = tpu.memref_slice %arg5[%dma_start3A_1077, %dma_start3A_1083] : memref<26x512xi32, #tpu.memory_space<vmem>> -> memref<1x512xi32, #tpu.memory_space<vmem>>
    %dma_start3A_1085 = tpu.memref_squeeze %dma_start3A_1084 : memref<1x512xi32, #tpu.memory_space<vmem>> -> memref<512xi32, #tpu.memory_space<vmem>>
    %dma_start3A_1086 = arith.constant 0 : i32
    %dma_start3A_1087 = arith.constant 0 : i32
    %dma_start3A_1088 = tpu.memref_slice %arg3[%dma_start3A_1086, %dma_start3A_1087] : memref<1000000x32xf32, #tpu.memory_space<hbm>> -> memref<1000000x32xf32, #tpu.memory_space<hbm>>
    tpu.enqueue_indirect_dma source(%dma_start3A_1088 : memref<1000000x32xf32, #tpu.memory_space<hbm>>) target(%dma_start3A_1082 : memref<512x32xf32, #tpu.memory_space<vmem>>) offsets(%dma_start3A_1085 : memref<512xi32, #tpu.memory_space<vmem>>) semaphore(%arg7 : memref<!tpu.dma_semaphore, #tpu.memory_space<semaphore_mem>>)
    %dma_wait3A_1089 = arith.constant 19 : i32
    %dma_wait3A_1090 = arith.constant 1 : i32
    %dma_wait3A_1091 = arith.constant 0 : i32
    %dma_wait3A_1092 = arith.constant 0 : i32
    %dma_wait3A_1093 = tpu.memref_slice %arg6[%dma_wait3A_1090, %dma_wait3A_1091, %dma_wait3A_1092] : memref<2x512x32xf32, #tpu.memory_space<vmem>> -> memref<1x512x32xf32, #tpu.memory_space<vmem>>
    %dma_wait3A_1094 = tpu.memref_squeeze %dma_wait3A_1093 : memref<1x512x32xf32, #tpu.memory_space<vmem>> -> memref<512x32xf32, #tpu.memory_space<vmem>>
    %dma_wait3A_1095 = arith.constant 0 : i32
    %dma_wait3A_1096 = tpu.memref_slice %arg5[%dma_wait3A_1089, %dma_wait3A_1095] : memref<26x512xi32, #tpu.memory_space<vmem>> -> memref<1x512xi32, #tpu.memory_space<vmem>>
    %dma_wait3A_1097 = tpu.memref_squeeze %dma_wait3A_1096 : memref<1x512xi32, #tpu.memory_space<vmem>> -> memref<512xi32, #tpu.memory_space<vmem>>
    %dma_wait3A_1098 = arith.constant 0 : i32
    %dma_wait3A_1099 = arith.constant 0 : i32
    %dma_wait3A_1100 = tpu.memref_slice %arg3[%dma_wait3A_1098, %dma_wait3A_1099] : memref<1000000x32xf32, #tpu.memory_space<hbm>> -> memref<1000000x32xf32, #tpu.memory_space<hbm>>
    tpu.wait_indirect_dma semaphore(%arg7 : memref<!tpu.dma_semaphore, #tpu.memory_space<semaphore_mem>>) src(%dma_wait3A_1100 : memref<1000000x32xf32, #tpu.memory_space<hbm>>) dst(%dma_wait3A_1094 : memref<512x32xf32, #tpu.memory_space<vmem>>)
    %dma_start3A_1101 = arith.constant 1 : i32
    %dma_start3A_1102 = arith.constant 19 : i32
    %dma_start3A_1103 = arith.constant 0 : i32
    %dma_start3A_1104 = arith.constant 0 : i32
    %dma_start3A_1105 = tpu.memref_slice %arg6[%dma_start3A_1101, %dma_start3A_1103, %dma_start3A_1104] : memref<2x512x32xf32, #tpu.memory_space<vmem>> -> memref<1x512x32xf32, #tpu.memory_space<vmem>>
    %dma_start3A_1106 = tpu.memref_squeeze %dma_start3A_1105 : memref<1x512x32xf32, #tpu.memory_space<vmem>> -> memref<512x32xf32, #tpu.memory_space<vmem>>
    %dma_start3A_1107 = arith.constant 0 : i32
    %dma_start3A_1108 = tpu.memref_slice %arg4[%dma_start3A_1102, %mul3A_2, %dma_start3A_1107] : memref<26x16384x128xf32, #tpu.memory_space<hbm>> -> memref<1x512x32xf32, #tpu.memory_space<hbm>>
    %dma_start3A_1109 = tpu.memref_squeeze %dma_start3A_1108 : memref<1x512x32xf32, #tpu.memory_space<hbm>> -> memref<512x32xf32, #tpu.memory_space<hbm>>
    %dma_start3A_1110 = arith.constant 0 : i32
    %dma_start3A_1111 = tpu.memref_slice %arg4[%dma_start3A_1102, %mul3A_2, %dma_start3A_1110] : memref<26x16384x128xf32, #tpu.memory_space<hbm>> -> memref<1x512x32xf32, #tpu.memory_space<hbm>>
    %dma_start3A_1112 = tpu.memref_squeeze %dma_start3A_1111 : memref<1x512x32xf32, #tpu.memory_space<hbm>> -> memref<512x32xf32, #tpu.memory_space<hbm>>
    %dma_start3A_1113 = arith.constant 0 : i32
    %dma_start3A_1114 = arith.constant 0 : i32
    %dma_start3A_1115 = tpu.memref_slice %arg6[%dma_start3A_1101, %dma_start3A_1113, %dma_start3A_1114] : memref<2x512x32xf32, #tpu.memory_space<vmem>> -> memref<1x512x32xf32, #tpu.memory_space<vmem>>
    %dma_start3A_1116 = tpu.memref_squeeze %dma_start3A_1115 : memref<1x512x32xf32, #tpu.memory_space<vmem>> -> memref<512x32xf32, #tpu.memory_space<vmem>>
    tpu.enqueue_dma source(%dma_start3A_1116 : memref<512x32xf32, #tpu.memory_space<vmem>>) target(%dma_start3A_1112 : memref<512x32xf32, #tpu.memory_space<hbm>>) target_semaphore(%arg8 : memref<!tpu.dma_semaphore, #tpu.memory_space<semaphore_mem>>)
    %dma_wait3A_1117 = arith.constant 1 : i32
    %dma_wait3A_1118 = arith.constant 19 : i32
    %dma_wait3A_1119 = arith.constant 0 : i32
    %dma_wait3A_1120 = arith.constant 0 : i32
    %dma_wait3A_1121 = tpu.memref_slice %arg6[%dma_wait3A_1117, %dma_wait3A_1119, %dma_wait3A_1120] : memref<2x512x32xf32, #tpu.memory_space<vmem>> -> memref<1x512x32xf32, #tpu.memory_space<vmem>>
    %dma_wait3A_1122 = tpu.memref_squeeze %dma_wait3A_1121 : memref<1x512x32xf32, #tpu.memory_space<vmem>> -> memref<512x32xf32, #tpu.memory_space<vmem>>
    %dma_wait3A_1123 = arith.constant 0 : i32
    %dma_wait3A_1124 = tpu.memref_slice %arg4[%dma_wait3A_1118, %mul3A_2, %dma_wait3A_1123] : memref<26x16384x128xf32, #tpu.memory_space<hbm>> -> memref<1x512x32xf32, #tpu.memory_space<hbm>>
    %dma_wait3A_1125 = tpu.memref_squeeze %dma_wait3A_1124 : memref<1x512x32xf32, #tpu.memory_space<hbm>> -> memref<512x32xf32, #tpu.memory_space<hbm>>
    %dma_wait3A_1126 = arith.constant 0 : i32
    %dma_wait3A_1127 = tpu.memref_slice %arg4[%dma_wait3A_1118, %mul3A_2, %dma_wait3A_1126] : memref<26x16384x128xf32, #tpu.memory_space<hbm>> -> memref<1x512x32xf32, #tpu.memory_space<hbm>>
    %dma_wait3A_1128 = tpu.memref_squeeze %dma_wait3A_1127 : memref<1x512x32xf32, #tpu.memory_space<hbm>> -> memref<512x32xf32, #tpu.memory_space<hbm>>
    %dma_wait3A_1129 = arith.constant 0 : i32
    %dma_wait3A_1130 = arith.constant 0 : i32
    %dma_wait3A_1131 = tpu.memref_slice %arg6[%dma_wait3A_1117, %dma_wait3A_1129, %dma_wait3A_1130] : memref<2x512x32xf32, #tpu.memory_space<vmem>> -> memref<1x512x32xf32, #tpu.memory_space<vmem>>
    %dma_wait3A_1132 = tpu.memref_squeeze %dma_wait3A_1131 : memref<1x512x32xf32, #tpu.memory_space<vmem>> -> memref<512x32xf32, #tpu.memory_space<vmem>>
    tpu.wait_dma2 semaphore(%arg8 : memref<!tpu.dma_semaphore, #tpu.memory_space<semaphore_mem>>) src(%dma_wait3A_1132 : memref<512x32xf32, #tpu.memory_space<vmem>>) dst(%dma_wait3A_1128 : memref<512x32xf32, #tpu.memory_space<hbm>>)
    %dma_start3A_1133 = arith.constant 21 : i32
    %dma_start3A_1134 = arith.constant 1 : i32
    %dma_start3A_1135 = arith.constant 0 : i32
    %dma_start3A_1136 = arith.constant 0 : i32
    %dma_start3A_1137 = tpu.memref_slice %arg6[%dma_start3A_1134, %dma_start3A_1135, %dma_start3A_1136] : memref<2x512x32xf32, #tpu.memory_space<vmem>> -> memref<1x512x32xf32, #tpu.memory_space<vmem>>
    %dma_start3A_1138 = tpu.memref_squeeze %dma_start3A_1137 : memref<1x512x32xf32, #tpu.memory_space<vmem>> -> memref<512x32xf32, #tpu.memory_space<vmem>>
    %dma_start3A_1139 = arith.constant 0 : i32
    %dma_start3A_1140 = tpu.memref_slice %arg5[%dma_start3A_1133, %dma_start3A_1139] : memref<26x512xi32, #tpu.memory_space<vmem>> -> memref<1x512xi32, #tpu.memory_space<vmem>>
    %dma_start3A_1141 = tpu.memref_squeeze %dma_start3A_1140 : memref<1x512xi32, #tpu.memory_space<vmem>> -> memref<512xi32, #tpu.memory_space<vmem>>
    %dma_start3A_1142 = arith.constant 0 : i32
    %dma_start3A_1143 = arith.constant 0 : i32
    %dma_start3A_1144 = tpu.memref_slice %arg3[%dma_start3A_1142, %dma_start3A_1143] : memref<1000000x32xf32, #tpu.memory_space<hbm>> -> memref<1000000x32xf32, #tpu.memory_space<hbm>>
    tpu.enqueue_indirect_dma source(%dma_start3A_1144 : memref<1000000x32xf32, #tpu.memory_space<hbm>>) target(%dma_start3A_1138 : memref<512x32xf32, #tpu.memory_space<vmem>>) offsets(%dma_start3A_1141 : memref<512xi32, #tpu.memory_space<vmem>>) semaphore(%arg7 : memref<!tpu.dma_semaphore, #tpu.memory_space<semaphore_mem>>)
    %dma_wait3A_1145 = arith.constant 20 : i32
    %dma_wait3A_1146 = arith.constant 0 : i32
    %dma_wait3A_1147 = arith.constant 0 : i32
    %dma_wait3A_1148 = arith.constant 0 : i32
    %dma_wait3A_1149 = tpu.memref_slice %arg6[%dma_wait3A_1146, %dma_wait3A_1147, %dma_wait3A_1148] : memref<2x512x32xf32, #tpu.memory_space<vmem>> -> memref<1x512x32xf32, #tpu.memory_space<vmem>>
    %dma_wait3A_1150 = tpu.memref_squeeze %dma_wait3A_1149 : memref<1x512x32xf32, #tpu.memory_space<vmem>> -> memref<512x32xf32, #tpu.memory_space<vmem>>
    %dma_wait3A_1151 = arith.constant 0 : i32
    %dma_wait3A_1152 = tpu.memref_slice %arg5[%dma_wait3A_1145, %dma_wait3A_1151] : memref<26x512xi32, #tpu.memory_space<vmem>> -> memref<1x512xi32, #tpu.memory_space<vmem>>
    %dma_wait3A_1153 = tpu.memref_squeeze %dma_wait3A_1152 : memref<1x512xi32, #tpu.memory_space<vmem>> -> memref<512xi32, #tpu.memory_space<vmem>>
    %dma_wait3A_1154 = arith.constant 0 : i32
    %dma_wait3A_1155 = arith.constant 0 : i32
    %dma_wait3A_1156 = tpu.memref_slice %arg3[%dma_wait3A_1154, %dma_wait3A_1155] : memref<1000000x32xf32, #tpu.memory_space<hbm>> -> memref<1000000x32xf32, #tpu.memory_space<hbm>>
    tpu.wait_indirect_dma semaphore(%arg7 : memref<!tpu.dma_semaphore, #tpu.memory_space<semaphore_mem>>) src(%dma_wait3A_1156 : memref<1000000x32xf32, #tpu.memory_space<hbm>>) dst(%dma_wait3A_1150 : memref<512x32xf32, #tpu.memory_space<vmem>>)
    %dma_start3A_1157 = arith.constant 0 : i32
    %dma_start3A_1158 = arith.constant 20 : i32
    %dma_start3A_1159 = arith.constant 0 : i32
    %dma_start3A_1160 = arith.constant 0 : i32
    %dma_start3A_1161 = tpu.memref_slice %arg6[%dma_start3A_1157, %dma_start3A_1159, %dma_start3A_1160] : memref<2x512x32xf32, #tpu.memory_space<vmem>> -> memref<1x512x32xf32, #tpu.memory_space<vmem>>
    %dma_start3A_1162 = tpu.memref_squeeze %dma_start3A_1161 : memref<1x512x32xf32, #tpu.memory_space<vmem>> -> memref<512x32xf32, #tpu.memory_space<vmem>>
    %dma_start3A_1163 = arith.constant 0 : i32
    %dma_start3A_1164 = tpu.memref_slice %arg4[%dma_start3A_1158, %mul3A_2, %dma_start3A_1163] : memref<26x16384x128xf32, #tpu.memory_space<hbm>> -> memref<1x512x32xf32, #tpu.memory_space<hbm>>
    %dma_start3A_1165 = tpu.memref_squeeze %dma_start3A_1164 : memref<1x512x32xf32, #tpu.memory_space<hbm>> -> memref<512x32xf32, #tpu.memory_space<hbm>>
    %dma_start3A_1166 = arith.constant 0 : i32
    %dma_start3A_1167 = tpu.memref_slice %arg4[%dma_start3A_1158, %mul3A_2, %dma_start3A_1166] : memref<26x16384x128xf32, #tpu.memory_space<hbm>> -> memref<1x512x32xf32, #tpu.memory_space<hbm>>
    %dma_start3A_1168 = tpu.memref_squeeze %dma_start3A_1167 : memref<1x512x32xf32, #tpu.memory_space<hbm>> -> memref<512x32xf32, #tpu.memory_space<hbm>>
    %dma_start3A_1169 = arith.constant 0 : i32
    %dma_start3A_1170 = arith.constant 0 : i32
    %dma_start3A_1171 = tpu.memref_slice %arg6[%dma_start3A_1157, %dma_start3A_1169, %dma_start3A_1170] : memref<2x512x32xf32, #tpu.memory_space<vmem>> -> memref<1x512x32xf32, #tpu.memory_space<vmem>>
    %dma_start3A_1172 = tpu.memref_squeeze %dma_start3A_1171 : memref<1x512x32xf32, #tpu.memory_space<vmem>> -> memref<512x32xf32, #tpu.memory_space<vmem>>
    tpu.enqueue_dma source(%dma_start3A_1172 : memref<512x32xf32, #tpu.memory_space<vmem>>) target(%dma_start3A_1168 : memref<512x32xf32, #tpu.memory_space<hbm>>) target_semaphore(%arg8 : memref<!tpu.dma_semaphore, #tpu.memory_space<semaphore_mem>>)
    %dma_wait3A_1173 = arith.constant 0 : i32
    %dma_wait3A_1174 = arith.constant 20 : i32
    %dma_wait3A_1175 = arith.constant 0 : i32
    %dma_wait3A_1176 = arith.constant 0 : i32
    %dma_wait3A_1177 = tpu.memref_slice %arg6[%dma_wait3A_1173, %dma_wait3A_1175, %dma_wait3A_1176] : memref<2x512x32xf32, #tpu.memory_space<vmem>> -> memref<1x512x32xf32, #tpu.memory_space<vmem>>
    %dma_wait3A_1178 = tpu.memref_squeeze %dma_wait3A_1177 : memref<1x512x32xf32, #tpu.memory_space<vmem>> -> memref<512x32xf32, #tpu.memory_space<vmem>>
    %dma_wait3A_1179 = arith.constant 0 : i32
    %dma_wait3A_1180 = tpu.memref_slice %arg4[%dma_wait3A_1174, %mul3A_2, %dma_wait3A_1179] : memref<26x16384x128xf32, #tpu.memory_space<hbm>> -> memref<1x512x32xf32, #tpu.memory_space<hbm>>
    %dma_wait3A_1181 = tpu.memref_squeeze %dma_wait3A_1180 : memref<1x512x32xf32, #tpu.memory_space<hbm>> -> memref<512x32xf32, #tpu.memory_space<hbm>>
    %dma_wait3A_1182 = arith.constant 0 : i32
    %dma_wait3A_1183 = tpu.memref_slice %arg4[%dma_wait3A_1174, %mul3A_2, %dma_wait3A_1182] : memref<26x16384x128xf32, #tpu.memory_space<hbm>> -> memref<1x512x32xf32, #tpu.memory_space<hbm>>
    %dma_wait3A_1184 = tpu.memref_squeeze %dma_wait3A_1183 : memref<1x512x32xf32, #tpu.memory_space<hbm>> -> memref<512x32xf32, #tpu.memory_space<hbm>>
    %dma_wait3A_1185 = arith.constant 0 : i32
    %dma_wait3A_1186 = arith.constant 0 : i32
    %dma_wait3A_1187 = tpu.memref_slice %arg6[%dma_wait3A_1173, %dma_wait3A_1185, %dma_wait3A_1186] : memref<2x512x32xf32, #tpu.memory_space<vmem>> -> memref<1x512x32xf32, #tpu.memory_space<vmem>>
    %dma_wait3A_1188 = tpu.memref_squeeze %dma_wait3A_1187 : memref<1x512x32xf32, #tpu.memory_space<vmem>> -> memref<512x32xf32, #tpu.memory_space<vmem>>
    tpu.wait_dma2 semaphore(%arg8 : memref<!tpu.dma_semaphore, #tpu.memory_space<semaphore_mem>>) src(%dma_wait3A_1188 : memref<512x32xf32, #tpu.memory_space<vmem>>) dst(%dma_wait3A_1184 : memref<512x32xf32, #tpu.memory_space<hbm>>)
    %dma_start3A_1189 = arith.constant 22 : i32
    %dma_start3A_1190 = arith.constant 0 : i32
    %dma_start3A_1191 = arith.constant 0 : i32
    %dma_start3A_1192 = arith.constant 0 : i32
    %dma_start3A_1193 = tpu.memref_slice %arg6[%dma_start3A_1190, %dma_start3A_1191, %dma_start3A_1192] : memref<2x512x32xf32, #tpu.memory_space<vmem>> -> memref<1x512x32xf32, #tpu.memory_space<vmem>>
    %dma_start3A_1194 = tpu.memref_squeeze %dma_start3A_1193 : memref<1x512x32xf32, #tpu.memory_space<vmem>> -> memref<512x32xf32, #tpu.memory_space<vmem>>
    %dma_start3A_1195 = arith.constant 0 : i32
    %dma_start3A_1196 = tpu.memref_slice %arg5[%dma_start3A_1189, %dma_start3A_1195] : memref<26x512xi32, #tpu.memory_space<vmem>> -> memref<1x512xi32, #tpu.memory_space<vmem>>
    %dma_start3A_1197 = tpu.memref_squeeze %dma_start3A_1196 : memref<1x512xi32, #tpu.memory_space<vmem>> -> memref<512xi32, #tpu.memory_space<vmem>>
    %dma_start3A_1198 = arith.constant 0 : i32
    %dma_start3A_1199 = arith.constant 0 : i32
    %dma_start3A_1200 = tpu.memref_slice %arg3[%dma_start3A_1198, %dma_start3A_1199] : memref<1000000x32xf32, #tpu.memory_space<hbm>> -> memref<1000000x32xf32, #tpu.memory_space<hbm>>
    tpu.enqueue_indirect_dma source(%dma_start3A_1200 : memref<1000000x32xf32, #tpu.memory_space<hbm>>) target(%dma_start3A_1194 : memref<512x32xf32, #tpu.memory_space<vmem>>) offsets(%dma_start3A_1197 : memref<512xi32, #tpu.memory_space<vmem>>) semaphore(%arg7 : memref<!tpu.dma_semaphore, #tpu.memory_space<semaphore_mem>>)
    %dma_wait3A_1201 = arith.constant 21 : i32
    %dma_wait3A_1202 = arith.constant 1 : i32
    %dma_wait3A_1203 = arith.constant 0 : i32
    %dma_wait3A_1204 = arith.constant 0 : i32
    %dma_wait3A_1205 = tpu.memref_slice %arg6[%dma_wait3A_1202, %dma_wait3A_1203, %dma_wait3A_1204] : memref<2x512x32xf32, #tpu.memory_space<vmem>> -> memref<1x512x32xf32, #tpu.memory_space<vmem>>
    %dma_wait3A_1206 = tpu.memref_squeeze %dma_wait3A_1205 : memref<1x512x32xf32, #tpu.memory_space<vmem>> -> memref<512x32xf32, #tpu.memory_space<vmem>>
    %dma_wait3A_1207 = arith.constant 0 : i32
    %dma_wait3A_1208 = tpu.memref_slice %arg5[%dma_wait3A_1201, %dma_wait3A_1207] : memref<26x512xi32, #tpu.memory_space<vmem>> -> memref<1x512xi32, #tpu.memory_space<vmem>>
    %dma_wait3A_1209 = tpu.memref_squeeze %dma_wait3A_1208 : memref<1x512xi32, #tpu.memory_space<vmem>> -> memref<512xi32, #tpu.memory_space<vmem>>
    %dma_wait3A_1210 = arith.constant 0 : i32
    %dma_wait3A_1211 = arith.constant 0 : i32
    %dma_wait3A_1212 = tpu.memref_slice %arg3[%dma_wait3A_1210, %dma_wait3A_1211] : memref<1000000x32xf32, #tpu.memory_space<hbm>> -> memref<1000000x32xf32, #tpu.memory_space<hbm>>
    tpu.wait_indirect_dma semaphore(%arg7 : memref<!tpu.dma_semaphore, #tpu.memory_space<semaphore_mem>>) src(%dma_wait3A_1212 : memref<1000000x32xf32, #tpu.memory_space<hbm>>) dst(%dma_wait3A_1206 : memref<512x32xf32, #tpu.memory_space<vmem>>)
    %dma_start3A_1213 = arith.constant 1 : i32
    %dma_start3A_1214 = arith.constant 21 : i32
    %dma_start3A_1215 = arith.constant 0 : i32
    %dma_start3A_1216 = arith.constant 0 : i32
    %dma_start3A_1217 = tpu.memref_slice %arg6[%dma_start3A_1213, %dma_start3A_1215, %dma_start3A_1216] : memref<2x512x32xf32, #tpu.memory_space<vmem>> -> memref<1x512x32xf32, #tpu.memory_space<vmem>>
    %dma_start3A_1218 = tpu.memref_squeeze %dma_start3A_1217 : memref<1x512x32xf32, #tpu.memory_space<vmem>> -> memref<512x32xf32, #tpu.memory_space<vmem>>
    %dma_start3A_1219 = arith.constant 0 : i32
    %dma_start3A_1220 = tpu.memref_slice %arg4[%dma_start3A_1214, %mul3A_2, %dma_start3A_1219] : memref<26x16384x128xf32, #tpu.memory_space<hbm>> -> memref<1x512x32xf32, #tpu.memory_space<hbm>>
    %dma_start3A_1221 = tpu.memref_squeeze %dma_start3A_1220 : memref<1x512x32xf32, #tpu.memory_space<hbm>> -> memref<512x32xf32, #tpu.memory_space<hbm>>
    %dma_start3A_1222 = arith.constant 0 : i32
    %dma_start3A_1223 = tpu.memref_slice %arg4[%dma_start3A_1214, %mul3A_2, %dma_start3A_1222] : memref<26x16384x128xf32, #tpu.memory_space<hbm>> -> memref<1x512x32xf32, #tpu.memory_space<hbm>>
    %dma_start3A_1224 = tpu.memref_squeeze %dma_start3A_1223 : memref<1x512x32xf32, #tpu.memory_space<hbm>> -> memref<512x32xf32, #tpu.memory_space<hbm>>
    %dma_start3A_1225 = arith.constant 0 : i32
    %dma_start3A_1226 = arith.constant 0 : i32
    %dma_start3A_1227 = tpu.memref_slice %arg6[%dma_start3A_1213, %dma_start3A_1225, %dma_start3A_1226] : memref<2x512x32xf32, #tpu.memory_space<vmem>> -> memref<1x512x32xf32, #tpu.memory_space<vmem>>
    %dma_start3A_1228 = tpu.memref_squeeze %dma_start3A_1227 : memref<1x512x32xf32, #tpu.memory_space<vmem>> -> memref<512x32xf32, #tpu.memory_space<vmem>>
    tpu.enqueue_dma source(%dma_start3A_1228 : memref<512x32xf32, #tpu.memory_space<vmem>>) target(%dma_start3A_1224 : memref<512x32xf32, #tpu.memory_space<hbm>>) target_semaphore(%arg8 : memref<!tpu.dma_semaphore, #tpu.memory_space<semaphore_mem>>)
    %dma_wait3A_1229 = arith.constant 1 : i32
    %dma_wait3A_1230 = arith.constant 21 : i32
    %dma_wait3A_1231 = arith.constant 0 : i32
    %dma_wait3A_1232 = arith.constant 0 : i32
    %dma_wait3A_1233 = tpu.memref_slice %arg6[%dma_wait3A_1229, %dma_wait3A_1231, %dma_wait3A_1232] : memref<2x512x32xf32, #tpu.memory_space<vmem>> -> memref<1x512x32xf32, #tpu.memory_space<vmem>>
    %dma_wait3A_1234 = tpu.memref_squeeze %dma_wait3A_1233 : memref<1x512x32xf32, #tpu.memory_space<vmem>> -> memref<512x32xf32, #tpu.memory_space<vmem>>
    %dma_wait3A_1235 = arith.constant 0 : i32
    %dma_wait3A_1236 = tpu.memref_slice %arg4[%dma_wait3A_1230, %mul3A_2, %dma_wait3A_1235] : memref<26x16384x128xf32, #tpu.memory_space<hbm>> -> memref<1x512x32xf32, #tpu.memory_space<hbm>>
    %dma_wait3A_1237 = tpu.memref_squeeze %dma_wait3A_1236 : memref<1x512x32xf32, #tpu.memory_space<hbm>> -> memref<512x32xf32, #tpu.memory_space<hbm>>
    %dma_wait3A_1238 = arith.constant 0 : i32
    %dma_wait3A_1239 = tpu.memref_slice %arg4[%dma_wait3A_1230, %mul3A_2, %dma_wait3A_1238] : memref<26x16384x128xf32, #tpu.memory_space<hbm>> -> memref<1x512x32xf32, #tpu.memory_space<hbm>>
    %dma_wait3A_1240 = tpu.memref_squeeze %dma_wait3A_1239 : memref<1x512x32xf32, #tpu.memory_space<hbm>> -> memref<512x32xf32, #tpu.memory_space<hbm>>
    %dma_wait3A_1241 = arith.constant 0 : i32
    %dma_wait3A_1242 = arith.constant 0 : i32
    %dma_wait3A_1243 = tpu.memref_slice %arg6[%dma_wait3A_1229, %dma_wait3A_1241, %dma_wait3A_1242] : memref<2x512x32xf32, #tpu.memory_space<vmem>> -> memref<1x512x32xf32, #tpu.memory_space<vmem>>
    %dma_wait3A_1244 = tpu.memref_squeeze %dma_wait3A_1243 : memref<1x512x32xf32, #tpu.memory_space<vmem>> -> memref<512x32xf32, #tpu.memory_space<vmem>>
    tpu.wait_dma2 semaphore(%arg8 : memref<!tpu.dma_semaphore, #tpu.memory_space<semaphore_mem>>) src(%dma_wait3A_1244 : memref<512x32xf32, #tpu.memory_space<vmem>>) dst(%dma_wait3A_1240 : memref<512x32xf32, #tpu.memory_space<hbm>>)
    %dma_start3A_1245 = arith.constant 23 : i32
    %dma_start3A_1246 = arith.constant 1 : i32
    %dma_start3A_1247 = arith.constant 0 : i32
    %dma_start3A_1248 = arith.constant 0 : i32
    %dma_start3A_1249 = tpu.memref_slice %arg6[%dma_start3A_1246, %dma_start3A_1247, %dma_start3A_1248] : memref<2x512x32xf32, #tpu.memory_space<vmem>> -> memref<1x512x32xf32, #tpu.memory_space<vmem>>
    %dma_start3A_1250 = tpu.memref_squeeze %dma_start3A_1249 : memref<1x512x32xf32, #tpu.memory_space<vmem>> -> memref<512x32xf32, #tpu.memory_space<vmem>>
    %dma_start3A_1251 = arith.constant 0 : i32
    %dma_start3A_1252 = tpu.memref_slice %arg5[%dma_start3A_1245, %dma_start3A_1251] : memref<26x512xi32, #tpu.memory_space<vmem>> -> memref<1x512xi32, #tpu.memory_space<vmem>>
    %dma_start3A_1253 = tpu.memref_squeeze %dma_start3A_1252 : memref<1x512xi32, #tpu.memory_space<vmem>> -> memref<512xi32, #tpu.memory_space<vmem>>
    %dma_start3A_1254 = arith.constant 0 : i32
    %dma_start3A_1255 = arith.constant 0 : i32
    %dma_start3A_1256 = tpu.memref_slice %arg3[%dma_start3A_1254, %dma_start3A_1255] : memref<1000000x32xf32, #tpu.memory_space<hbm>> -> memref<1000000x32xf32, #tpu.memory_space<hbm>>
    tpu.enqueue_indirect_dma source(%dma_start3A_1256 : memref<1000000x32xf32, #tpu.memory_space<hbm>>) target(%dma_start3A_1250 : memref<512x32xf32, #tpu.memory_space<vmem>>) offsets(%dma_start3A_1253 : memref<512xi32, #tpu.memory_space<vmem>>) semaphore(%arg7 : memref<!tpu.dma_semaphore, #tpu.memory_space<semaphore_mem>>)
    %dma_wait3A_1257 = arith.constant 22 : i32
    %dma_wait3A_1258 = arith.constant 0 : i32
    %dma_wait3A_1259 = arith.constant 0 : i32
    %dma_wait3A_1260 = arith.constant 0 : i32
    %dma_wait3A_1261 = tpu.memref_slice %arg6[%dma_wait3A_1258, %dma_wait3A_1259, %dma_wait3A_1260] : memref<2x512x32xf32, #tpu.memory_space<vmem>> -> memref<1x512x32xf32, #tpu.memory_space<vmem>>
    %dma_wait3A_1262 = tpu.memref_squeeze %dma_wait3A_1261 : memref<1x512x32xf32, #tpu.memory_space<vmem>> -> memref<512x32xf32, #tpu.memory_space<vmem>>
    %dma_wait3A_1263 = arith.constant 0 : i32
    %dma_wait3A_1264 = tpu.memref_slice %arg5[%dma_wait3A_1257, %dma_wait3A_1263] : memref<26x512xi32, #tpu.memory_space<vmem>> -> memref<1x512xi32, #tpu.memory_space<vmem>>
    %dma_wait3A_1265 = tpu.memref_squeeze %dma_wait3A_1264 : memref<1x512xi32, #tpu.memory_space<vmem>> -> memref<512xi32, #tpu.memory_space<vmem>>
    %dma_wait3A_1266 = arith.constant 0 : i32
    %dma_wait3A_1267 = arith.constant 0 : i32
    %dma_wait3A_1268 = tpu.memref_slice %arg3[%dma_wait3A_1266, %dma_wait3A_1267] : memref<1000000x32xf32, #tpu.memory_space<hbm>> -> memref<1000000x32xf32, #tpu.memory_space<hbm>>
    tpu.wait_indirect_dma semaphore(%arg7 : memref<!tpu.dma_semaphore, #tpu.memory_space<semaphore_mem>>) src(%dma_wait3A_1268 : memref<1000000x32xf32, #tpu.memory_space<hbm>>) dst(%dma_wait3A_1262 : memref<512x32xf32, #tpu.memory_space<vmem>>)
    %dma_start3A_1269 = arith.constant 0 : i32
    %dma_start3A_1270 = arith.constant 22 : i32
    %dma_start3A_1271 = arith.constant 0 : i32
    %dma_start3A_1272 = arith.constant 0 : i32
    %dma_start3A_1273 = tpu.memref_slice %arg6[%dma_start3A_1269, %dma_start3A_1271, %dma_start3A_1272] : memref<2x512x32xf32, #tpu.memory_space<vmem>> -> memref<1x512x32xf32, #tpu.memory_space<vmem>>
    %dma_start3A_1274 = tpu.memref_squeeze %dma_start3A_1273 : memref<1x512x32xf32, #tpu.memory_space<vmem>> -> memref<512x32xf32, #tpu.memory_space<vmem>>
    %dma_start3A_1275 = arith.constant 0 : i32
    %dma_start3A_1276 = tpu.memref_slice %arg4[%dma_start3A_1270, %mul3A_2, %dma_start3A_1275] : memref<26x16384x128xf32, #tpu.memory_space<hbm>> -> memref<1x512x32xf32, #tpu.memory_space<hbm>>
    %dma_start3A_1277 = tpu.memref_squeeze %dma_start3A_1276 : memref<1x512x32xf32, #tpu.memory_space<hbm>> -> memref<512x32xf32, #tpu.memory_space<hbm>>
    %dma_start3A_1278 = arith.constant 0 : i32
    %dma_start3A_1279 = tpu.memref_slice %arg4[%dma_start3A_1270, %mul3A_2, %dma_start3A_1278] : memref<26x16384x128xf32, #tpu.memory_space<hbm>> -> memref<1x512x32xf32, #tpu.memory_space<hbm>>
    %dma_start3A_1280 = tpu.memref_squeeze %dma_start3A_1279 : memref<1x512x32xf32, #tpu.memory_space<hbm>> -> memref<512x32xf32, #tpu.memory_space<hbm>>
    %dma_start3A_1281 = arith.constant 0 : i32
    %dma_start3A_1282 = arith.constant 0 : i32
    %dma_start3A_1283 = tpu.memref_slice %arg6[%dma_start3A_1269, %dma_start3A_1281, %dma_start3A_1282] : memref<2x512x32xf32, #tpu.memory_space<vmem>> -> memref<1x512x32xf32, #tpu.memory_space<vmem>>
    %dma_start3A_1284 = tpu.memref_squeeze %dma_start3A_1283 : memref<1x512x32xf32, #tpu.memory_space<vmem>> -> memref<512x32xf32, #tpu.memory_space<vmem>>
    tpu.enqueue_dma source(%dma_start3A_1284 : memref<512x32xf32, #tpu.memory_space<vmem>>) target(%dma_start3A_1280 : memref<512x32xf32, #tpu.memory_space<hbm>>) target_semaphore(%arg8 : memref<!tpu.dma_semaphore, #tpu.memory_space<semaphore_mem>>)
    %dma_wait3A_1285 = arith.constant 0 : i32
    %dma_wait3A_1286 = arith.constant 22 : i32
    %dma_wait3A_1287 = arith.constant 0 : i32
    %dma_wait3A_1288 = arith.constant 0 : i32
    %dma_wait3A_1289 = tpu.memref_slice %arg6[%dma_wait3A_1285, %dma_wait3A_1287, %dma_wait3A_1288] : memref<2x512x32xf32, #tpu.memory_space<vmem>> -> memref<1x512x32xf32, #tpu.memory_space<vmem>>
    %dma_wait3A_1290 = tpu.memref_squeeze %dma_wait3A_1289 : memref<1x512x32xf32, #tpu.memory_space<vmem>> -> memref<512x32xf32, #tpu.memory_space<vmem>>
    %dma_wait3A_1291 = arith.constant 0 : i32
    %dma_wait3A_1292 = tpu.memref_slice %arg4[%dma_wait3A_1286, %mul3A_2, %dma_wait3A_1291] : memref<26x16384x128xf32, #tpu.memory_space<hbm>> -> memref<1x512x32xf32, #tpu.memory_space<hbm>>
    %dma_wait3A_1293 = tpu.memref_squeeze %dma_wait3A_1292 : memref<1x512x32xf32, #tpu.memory_space<hbm>> -> memref<512x32xf32, #tpu.memory_space<hbm>>
    %dma_wait3A_1294 = arith.constant 0 : i32
    %dma_wait3A_1295 = tpu.memref_slice %arg4[%dma_wait3A_1286, %mul3A_2, %dma_wait3A_1294] : memref<26x16384x128xf32, #tpu.memory_space<hbm>> -> memref<1x512x32xf32, #tpu.memory_space<hbm>>
    %dma_wait3A_1296 = tpu.memref_squeeze %dma_wait3A_1295 : memref<1x512x32xf32, #tpu.memory_space<hbm>> -> memref<512x32xf32, #tpu.memory_space<hbm>>
    %dma_wait3A_1297 = arith.constant 0 : i32
    %dma_wait3A_1298 = arith.constant 0 : i32
    %dma_wait3A_1299 = tpu.memref_slice %arg6[%dma_wait3A_1285, %dma_wait3A_1297, %dma_wait3A_1298] : memref<2x512x32xf32, #tpu.memory_space<vmem>> -> memref<1x512x32xf32, #tpu.memory_space<vmem>>
    %dma_wait3A_1300 = tpu.memref_squeeze %dma_wait3A_1299 : memref<1x512x32xf32, #tpu.memory_space<vmem>> -> memref<512x32xf32, #tpu.memory_space<vmem>>
    tpu.wait_dma2 semaphore(%arg8 : memref<!tpu.dma_semaphore, #tpu.memory_space<semaphore_mem>>) src(%dma_wait3A_1300 : memref<512x32xf32, #tpu.memory_space<vmem>>) dst(%dma_wait3A_1296 : memref<512x32xf32, #tpu.memory_space<hbm>>)
    %dma_start3A_1301 = arith.constant 24 : i32
    %dma_start3A_1302 = arith.constant 0 : i32
    %dma_start3A_1303 = arith.constant 0 : i32
    %dma_start3A_1304 = arith.constant 0 : i32
    %dma_start3A_1305 = tpu.memref_slice %arg6[%dma_start3A_1302, %dma_start3A_1303, %dma_start3A_1304] : memref<2x512x32xf32, #tpu.memory_space<vmem>> -> memref<1x512x32xf32, #tpu.memory_space<vmem>>
    %dma_start3A_1306 = tpu.memref_squeeze %dma_start3A_1305 : memref<1x512x32xf32, #tpu.memory_space<vmem>> -> memref<512x32xf32, #tpu.memory_space<vmem>>
    %dma_start3A_1307 = arith.constant 0 : i32
    %dma_start3A_1308 = tpu.memref_slice %arg5[%dma_start3A_1301, %dma_start3A_1307] : memref<26x512xi32, #tpu.memory_space<vmem>> -> memref<1x512xi32, #tpu.memory_space<vmem>>
    %dma_start3A_1309 = tpu.memref_squeeze %dma_start3A_1308 : memref<1x512xi32, #tpu.memory_space<vmem>> -> memref<512xi32, #tpu.memory_space<vmem>>
    %dma_start3A_1310 = arith.constant 0 : i32
    %dma_start3A_1311 = arith.constant 0 : i32
    %dma_start3A_1312 = tpu.memref_slice %arg3[%dma_start3A_1310, %dma_start3A_1311] : memref<1000000x32xf32, #tpu.memory_space<hbm>> -> memref<1000000x32xf32, #tpu.memory_space<hbm>>
    tpu.enqueue_indirect_dma source(%dma_start3A_1312 : memref<1000000x32xf32, #tpu.memory_space<hbm>>) target(%dma_start3A_1306 : memref<512x32xf32, #tpu.memory_space<vmem>>) offsets(%dma_start3A_1309 : memref<512xi32, #tpu.memory_space<vmem>>) semaphore(%arg7 : memref<!tpu.dma_semaphore, #tpu.memory_space<semaphore_mem>>)
    %dma_wait3A_1313 = arith.constant 23 : i32
    %dma_wait3A_1314 = arith.constant 1 : i32
    %dma_wait3A_1315 = arith.constant 0 : i32
    %dma_wait3A_1316 = arith.constant 0 : i32
    %dma_wait3A_1317 = tpu.memref_slice %arg6[%dma_wait3A_1314, %dma_wait3A_1315, %dma_wait3A_1316] : memref<2x512x32xf32, #tpu.memory_space<vmem>> -> memref<1x512x32xf32, #tpu.memory_space<vmem>>
    %dma_wait3A_1318 = tpu.memref_squeeze %dma_wait3A_1317 : memref<1x512x32xf32, #tpu.memory_space<vmem>> -> memref<512x32xf32, #tpu.memory_space<vmem>>
    %dma_wait3A_1319 = arith.constant 0 : i32
    %dma_wait3A_1320 = tpu.memref_slice %arg5[%dma_wait3A_1313, %dma_wait3A_1319] : memref<26x512xi32, #tpu.memory_space<vmem>> -> memref<1x512xi32, #tpu.memory_space<vmem>>
    %dma_wait3A_1321 = tpu.memref_squeeze %dma_wait3A_1320 : memref<1x512xi32, #tpu.memory_space<vmem>> -> memref<512xi32, #tpu.memory_space<vmem>>
    %dma_wait3A_1322 = arith.constant 0 : i32
    %dma_wait3A_1323 = arith.constant 0 : i32
    %dma_wait3A_1324 = tpu.memref_slice %arg3[%dma_wait3A_1322, %dma_wait3A_1323] : memref<1000000x32xf32, #tpu.memory_space<hbm>> -> memref<1000000x32xf32, #tpu.memory_space<hbm>>
    tpu.wait_indirect_dma semaphore(%arg7 : memref<!tpu.dma_semaphore, #tpu.memory_space<semaphore_mem>>) src(%dma_wait3A_1324 : memref<1000000x32xf32, #tpu.memory_space<hbm>>) dst(%dma_wait3A_1318 : memref<512x32xf32, #tpu.memory_space<vmem>>)
    %dma_start3A_1325 = arith.constant 1 : i32
    %dma_start3A_1326 = arith.constant 23 : i32
    %dma_start3A_1327 = arith.constant 0 : i32
    %dma_start3A_1328 = arith.constant 0 : i32
    %dma_start3A_1329 = tpu.memref_slice %arg6[%dma_start3A_1325, %dma_start3A_1327, %dma_start3A_1328] : memref<2x512x32xf32, #tpu.memory_space<vmem>> -> memref<1x512x32xf32, #tpu.memory_space<vmem>>
    %dma_start3A_1330 = tpu.memref_squeeze %dma_start3A_1329 : memref<1x512x32xf32, #tpu.memory_space<vmem>> -> memref<512x32xf32, #tpu.memory_space<vmem>>
    %dma_start3A_1331 = arith.constant 0 : i32
    %dma_start3A_1332 = tpu.memref_slice %arg4[%dma_start3A_1326, %mul3A_2, %dma_start3A_1331] : memref<26x16384x128xf32, #tpu.memory_space<hbm>> -> memref<1x512x32xf32, #tpu.memory_space<hbm>>
    %dma_start3A_1333 = tpu.memref_squeeze %dma_start3A_1332 : memref<1x512x32xf32, #tpu.memory_space<hbm>> -> memref<512x32xf32, #tpu.memory_space<hbm>>
    %dma_start3A_1334 = arith.constant 0 : i32
    %dma_start3A_1335 = tpu.memref_slice %arg4[%dma_start3A_1326, %mul3A_2, %dma_start3A_1334] : memref<26x16384x128xf32, #tpu.memory_space<hbm>> -> memref<1x512x32xf32, #tpu.memory_space<hbm>>
    %dma_start3A_1336 = tpu.memref_squeeze %dma_start3A_1335 : memref<1x512x32xf32, #tpu.memory_space<hbm>> -> memref<512x32xf32, #tpu.memory_space<hbm>>
    %dma_start3A_1337 = arith.constant 0 : i32
    %dma_start3A_1338 = arith.constant 0 : i32
    %dma_start3A_1339 = tpu.memref_slice %arg6[%dma_start3A_1325, %dma_start3A_1337, %dma_start3A_1338] : memref<2x512x32xf32, #tpu.memory_space<vmem>> -> memref<1x512x32xf32, #tpu.memory_space<vmem>>
    %dma_start3A_1340 = tpu.memref_squeeze %dma_start3A_1339 : memref<1x512x32xf32, #tpu.memory_space<vmem>> -> memref<512x32xf32, #tpu.memory_space<vmem>>
    tpu.enqueue_dma source(%dma_start3A_1340 : memref<512x32xf32, #tpu.memory_space<vmem>>) target(%dma_start3A_1336 : memref<512x32xf32, #tpu.memory_space<hbm>>) target_semaphore(%arg8 : memref<!tpu.dma_semaphore, #tpu.memory_space<semaphore_mem>>)
    %dma_wait3A_1341 = arith.constant 1 : i32
    %dma_wait3A_1342 = arith.constant 23 : i32
    %dma_wait3A_1343 = arith.constant 0 : i32
    %dma_wait3A_1344 = arith.constant 0 : i32
    %dma_wait3A_1345 = tpu.memref_slice %arg6[%dma_wait3A_1341, %dma_wait3A_1343, %dma_wait3A_1344] : memref<2x512x32xf32, #tpu.memory_space<vmem>> -> memref<1x512x32xf32, #tpu.memory_space<vmem>>
    %dma_wait3A_1346 = tpu.memref_squeeze %dma_wait3A_1345 : memref<1x512x32xf32, #tpu.memory_space<vmem>> -> memref<512x32xf32, #tpu.memory_space<vmem>>
    %dma_wait3A_1347 = arith.constant 0 : i32
    %dma_wait3A_1348 = tpu.memref_slice %arg4[%dma_wait3A_1342, %mul3A_2, %dma_wait3A_1347] : memref<26x16384x128xf32, #tpu.memory_space<hbm>> -> memref<1x512x32xf32, #tpu.memory_space<hbm>>
    %dma_wait3A_1349 = tpu.memref_squeeze %dma_wait3A_1348 : memref<1x512x32xf32, #tpu.memory_space<hbm>> -> memref<512x32xf32, #tpu.memory_space<hbm>>
    %dma_wait3A_1350 = arith.constant 0 : i32
    %dma_wait3A_1351 = tpu.memref_slice %arg4[%dma_wait3A_1342, %mul3A_2, %dma_wait3A_1350] : memref<26x16384x128xf32, #tpu.memory_space<hbm>> -> memref<1x512x32xf32, #tpu.memory_space<hbm>>
    %dma_wait3A_1352 = tpu.memref_squeeze %dma_wait3A_1351 : memref<1x512x32xf32, #tpu.memory_space<hbm>> -> memref<512x32xf32, #tpu.memory_space<hbm>>
    %dma_wait3A_1353 = arith.constant 0 : i32
    %dma_wait3A_1354 = arith.constant 0 : i32
    %dma_wait3A_1355 = tpu.memref_slice %arg6[%dma_wait3A_1341, %dma_wait3A_1353, %dma_wait3A_1354] : memref<2x512x32xf32, #tpu.memory_space<vmem>> -> memref<1x512x32xf32, #tpu.memory_space<vmem>>
    %dma_wait3A_1356 = tpu.memref_squeeze %dma_wait3A_1355 : memref<1x512x32xf32, #tpu.memory_space<vmem>> -> memref<512x32xf32, #tpu.memory_space<vmem>>
    tpu.wait_dma2 semaphore(%arg8 : memref<!tpu.dma_semaphore, #tpu.memory_space<semaphore_mem>>) src(%dma_wait3A_1356 : memref<512x32xf32, #tpu.memory_space<vmem>>) dst(%dma_wait3A_1352 : memref<512x32xf32, #tpu.memory_space<hbm>>)
    %dma_start3A_1357 = arith.constant 25 : i32
    %dma_start3A_1358 = arith.constant 1 : i32
    %dma_start3A_1359 = arith.constant 0 : i32
    %dma_start3A_1360 = arith.constant 0 : i32
    %dma_start3A_1361 = tpu.memref_slice %arg6[%dma_start3A_1358, %dma_start3A_1359, %dma_start3A_1360] : memref<2x512x32xf32, #tpu.memory_space<vmem>> -> memref<1x512x32xf32, #tpu.memory_space<vmem>>
    %dma_start3A_1362 = tpu.memref_squeeze %dma_start3A_1361 : memref<1x512x32xf32, #tpu.memory_space<vmem>> -> memref<512x32xf32, #tpu.memory_space<vmem>>
    %dma_start3A_1363 = arith.constant 0 : i32
    %dma_start3A_1364 = tpu.memref_slice %arg5[%dma_start3A_1357, %dma_start3A_1363] : memref<26x512xi32, #tpu.memory_space<vmem>> -> memref<1x512xi32, #tpu.memory_space<vmem>>
    %dma_start3A_1365 = tpu.memref_squeeze %dma_start3A_1364 : memref<1x512xi32, #tpu.memory_space<vmem>> -> memref<512xi32, #tpu.memory_space<vmem>>
    %dma_start3A_1366 = arith.constant 0 : i32
    %dma_start3A_1367 = arith.constant 0 : i32
    %dma_start3A_1368 = tpu.memref_slice %arg3[%dma_start3A_1366, %dma_start3A_1367] : memref<1000000x32xf32, #tpu.memory_space<hbm>> -> memref<1000000x32xf32, #tpu.memory_space<hbm>>
    tpu.enqueue_indirect_dma source(%dma_start3A_1368 : memref<1000000x32xf32, #tpu.memory_space<hbm>>) target(%dma_start3A_1362 : memref<512x32xf32, #tpu.memory_space<vmem>>) offsets(%dma_start3A_1365 : memref<512xi32, #tpu.memory_space<vmem>>) semaphore(%arg7 : memref<!tpu.dma_semaphore, #tpu.memory_space<semaphore_mem>>)
    %dma_wait3A_1369 = arith.constant 24 : i32
    %dma_wait3A_1370 = arith.constant 0 : i32
    %dma_wait3A_1371 = arith.constant 0 : i32
    %dma_wait3A_1372 = arith.constant 0 : i32
    %dma_wait3A_1373 = tpu.memref_slice %arg6[%dma_wait3A_1370, %dma_wait3A_1371, %dma_wait3A_1372] : memref<2x512x32xf32, #tpu.memory_space<vmem>> -> memref<1x512x32xf32, #tpu.memory_space<vmem>>
    %dma_wait3A_1374 = tpu.memref_squeeze %dma_wait3A_1373 : memref<1x512x32xf32, #tpu.memory_space<vmem>> -> memref<512x32xf32, #tpu.memory_space<vmem>>
    %dma_wait3A_1375 = arith.constant 0 : i32
    %dma_wait3A_1376 = tpu.memref_slice %arg5[%dma_wait3A_1369, %dma_wait3A_1375] : memref<26x512xi32, #tpu.memory_space<vmem>> -> memref<1x512xi32, #tpu.memory_space<vmem>>
    %dma_wait3A_1377 = tpu.memref_squeeze %dma_wait3A_1376 : memref<1x512xi32, #tpu.memory_space<vmem>> -> memref<512xi32, #tpu.memory_space<vmem>>
    %dma_wait3A_1378 = arith.constant 0 : i32
    %dma_wait3A_1379 = arith.constant 0 : i32
    %dma_wait3A_1380 = tpu.memref_slice %arg3[%dma_wait3A_1378, %dma_wait3A_1379] : memref<1000000x32xf32, #tpu.memory_space<hbm>> -> memref<1000000x32xf32, #tpu.memory_space<hbm>>
    tpu.wait_indirect_dma semaphore(%arg7 : memref<!tpu.dma_semaphore, #tpu.memory_space<semaphore_mem>>) src(%dma_wait3A_1380 : memref<1000000x32xf32, #tpu.memory_space<hbm>>) dst(%dma_wait3A_1374 : memref<512x32xf32, #tpu.memory_space<vmem>>)
    %dma_start3A_1381 = arith.constant 0 : i32
    %dma_start3A_1382 = arith.constant 24 : i32
    %dma_start3A_1383 = arith.constant 0 : i32
    %dma_start3A_1384 = arith.constant 0 : i32
    %dma_start3A_1385 = tpu.memref_slice %arg6[%dma_start3A_1381, %dma_start3A_1383, %dma_start3A_1384] : memref<2x512x32xf32, #tpu.memory_space<vmem>> -> memref<1x512x32xf32, #tpu.memory_space<vmem>>
    %dma_start3A_1386 = tpu.memref_squeeze %dma_start3A_1385 : memref<1x512x32xf32, #tpu.memory_space<vmem>> -> memref<512x32xf32, #tpu.memory_space<vmem>>
    %dma_start3A_1387 = arith.constant 0 : i32
    %dma_start3A_1388 = tpu.memref_slice %arg4[%dma_start3A_1382, %mul3A_2, %dma_start3A_1387] : memref<26x16384x128xf32, #tpu.memory_space<hbm>> -> memref<1x512x32xf32, #tpu.memory_space<hbm>>
    %dma_start3A_1389 = tpu.memref_squeeze %dma_start3A_1388 : memref<1x512x32xf32, #tpu.memory_space<hbm>> -> memref<512x32xf32, #tpu.memory_space<hbm>>
    %dma_start3A_1390 = arith.constant 0 : i32
    %dma_start3A_1391 = tpu.memref_slice %arg4[%dma_start3A_1382, %mul3A_2, %dma_start3A_1390] : memref<26x16384x128xf32, #tpu.memory_space<hbm>> -> memref<1x512x32xf32, #tpu.memory_space<hbm>>
    %dma_start3A_1392 = tpu.memref_squeeze %dma_start3A_1391 : memref<1x512x32xf32, #tpu.memory_space<hbm>> -> memref<512x32xf32, #tpu.memory_space<hbm>>
    %dma_start3A_1393 = arith.constant 0 : i32
    %dma_start3A_1394 = arith.constant 0 : i32
    %dma_start3A_1395 = tpu.memref_slice %arg6[%dma_start3A_1381, %dma_start3A_1393, %dma_start3A_1394] : memref<2x512x32xf32, #tpu.memory_space<vmem>> -> memref<1x512x32xf32, #tpu.memory_space<vmem>>
    %dma_start3A_1396 = tpu.memref_squeeze %dma_start3A_1395 : memref<1x512x32xf32, #tpu.memory_space<vmem>> -> memref<512x32xf32, #tpu.memory_space<vmem>>
    tpu.enqueue_dma source(%dma_start3A_1396 : memref<512x32xf32, #tpu.memory_space<vmem>>) target(%dma_start3A_1392 : memref<512x32xf32, #tpu.memory_space<hbm>>) target_semaphore(%arg8 : memref<!tpu.dma_semaphore, #tpu.memory_space<semaphore_mem>>)
    %dma_wait3A_1397 = arith.constant 25 : i32
    %dma_wait3A_1398 = arith.constant 1 : i32
    %dma_wait3A_1399 = arith.constant 0 : i32
    %dma_wait3A_1400 = arith.constant 0 : i32
    %dma_wait3A_1401 = tpu.memref_slice %arg6[%dma_wait3A_1398, %dma_wait3A_1399, %dma_wait3A_1400] : memref<2x512x32xf32, #tpu.memory_space<vmem>> -> memref<1x512x32xf32, #tpu.memory_space<vmem>>
    %dma_wait3A_1402 = tpu.memref_squeeze %dma_wait3A_1401 : memref<1x512x32xf32, #tpu.memory_space<vmem>> -> memref<512x32xf32, #tpu.memory_space<vmem>>
    %dma_wait3A_1403 = arith.constant 0 : i32
    %dma_wait3A_1404 = tpu.memref_slice %arg5[%dma_wait3A_1397, %dma_wait3A_1403] : memref<26x512xi32, #tpu.memory_space<vmem>> -> memref<1x512xi32, #tpu.memory_space<vmem>>
    %dma_wait3A_1405 = tpu.memref_squeeze %dma_wait3A_1404 : memref<1x512xi32, #tpu.memory_space<vmem>> -> memref<512xi32, #tpu.memory_space<vmem>>
    %dma_wait3A_1406 = arith.constant 0 : i32
    %dma_wait3A_1407 = arith.constant 0 : i32
    %dma_wait3A_1408 = tpu.memref_slice %arg3[%dma_wait3A_1406, %dma_wait3A_1407] : memref<1000000x32xf32, #tpu.memory_space<hbm>> -> memref<1000000x32xf32, #tpu.memory_space<hbm>>
    tpu.wait_indirect_dma semaphore(%arg7 : memref<!tpu.dma_semaphore, #tpu.memory_space<semaphore_mem>>) src(%dma_wait3A_1408 : memref<1000000x32xf32, #tpu.memory_space<hbm>>) dst(%dma_wait3A_1402 : memref<512x32xf32, #tpu.memory_space<vmem>>)
    %dma_start3A_1409 = arith.constant 1 : i32
    %dma_start3A_1410 = arith.constant 25 : i32
    %dma_start3A_1411 = arith.constant 0 : i32
    %dma_start3A_1412 = arith.constant 0 : i32
    %dma_start3A_1413 = tpu.memref_slice %arg6[%dma_start3A_1409, %dma_start3A_1411, %dma_start3A_1412] : memref<2x512x32xf32, #tpu.memory_space<vmem>> -> memref<1x512x32xf32, #tpu.memory_space<vmem>>
    %dma_start3A_1414 = tpu.memref_squeeze %dma_start3A_1413 : memref<1x512x32xf32, #tpu.memory_space<vmem>> -> memref<512x32xf32, #tpu.memory_space<vmem>>
    %dma_start3A_1415 = arith.constant 0 : i32
    %dma_start3A_1416 = tpu.memref_slice %arg4[%dma_start3A_1410, %mul3A_2, %dma_start3A_1415] : memref<26x16384x128xf32, #tpu.memory_space<hbm>> -> memref<1x512x32xf32, #tpu.memory_space<hbm>>
    %dma_start3A_1417 = tpu.memref_squeeze %dma_start3A_1416 : memref<1x512x32xf32, #tpu.memory_space<hbm>> -> memref<512x32xf32, #tpu.memory_space<hbm>>
    %dma_start3A_1418 = arith.constant 0 : i32
    %dma_start3A_1419 = tpu.memref_slice %arg4[%dma_start3A_1410, %mul3A_2, %dma_start3A_1418] : memref<26x16384x128xf32, #tpu.memory_space<hbm>> -> memref<1x512x32xf32, #tpu.memory_space<hbm>>
    %dma_start3A_1420 = tpu.memref_squeeze %dma_start3A_1419 : memref<1x512x32xf32, #tpu.memory_space<hbm>> -> memref<512x32xf32, #tpu.memory_space<hbm>>
    %dma_start3A_1421 = arith.constant 0 : i32
    %dma_start3A_1422 = arith.constant 0 : i32
    %dma_start3A_1423 = tpu.memref_slice %arg6[%dma_start3A_1409, %dma_start3A_1421, %dma_start3A_1422] : memref<2x512x32xf32, #tpu.memory_space<vmem>> -> memref<1x512x32xf32, #tpu.memory_space<vmem>>
    %dma_start3A_1424 = tpu.memref_squeeze %dma_start3A_1423 : memref<1x512x32xf32, #tpu.memory_space<vmem>> -> memref<512x32xf32, #tpu.memory_space<vmem>>
    tpu.enqueue_dma source(%dma_start3A_1424 : memref<512x32xf32, #tpu.memory_space<vmem>>) target(%dma_start3A_1420 : memref<512x32xf32, #tpu.memory_space<hbm>>) target_semaphore(%arg8 : memref<!tpu.dma_semaphore, #tpu.memory_space<semaphore_mem>>)
    %dma_wait3A_1425 = arith.constant 0 : i32
    %dma_wait3A_1426 = arith.constant 24 : i32
    %dma_wait3A_1427 = arith.constant 0 : i32
    %dma_wait3A_1428 = arith.constant 0 : i32
    %dma_wait3A_1429 = tpu.memref_slice %arg6[%dma_wait3A_1425, %dma_wait3A_1427, %dma_wait3A_1428] : memref<2x512x32xf32, #tpu.memory_space<vmem>> -> memref<1x512x32xf32, #tpu.memory_space<vmem>>
    %dma_wait3A_1430 = tpu.memref_squeeze %dma_wait3A_1429 : memref<1x512x32xf32, #tpu.memory_space<vmem>> -> memref<512x32xf32, #tpu.memory_space<vmem>>
    %dma_wait3A_1431 = arith.constant 0 : i32
    %dma_wait3A_1432 = tpu.memref_slice %arg4[%dma_wait3A_1426, %mul3A_2, %dma_wait3A_1431] : memref<26x16384x128xf32, #tpu.memory_space<hbm>> -> memref<1x512x32xf32, #tpu.memory_space<hbm>>
    %dma_wait3A_1433 = tpu.memref_squeeze %dma_wait3A_1432 : memref<1x512x32xf32, #tpu.memory_space<hbm>> -> memref<512x32xf32, #tpu.memory_space<hbm>>
    %dma_wait3A_1434 = arith.constant 0 : i32
    %dma_wait3A_1435 = tpu.memref_slice %arg4[%dma_wait3A_1426, %mul3A_2, %dma_wait3A_1434] : memref<26x16384x128xf32, #tpu.memory_space<hbm>> -> memref<1x512x32xf32, #tpu.memory_space<hbm>>
    %dma_wait3A_1436 = tpu.memref_squeeze %dma_wait3A_1435 : memref<1x512x32xf32, #tpu.memory_space<hbm>> -> memref<512x32xf32, #tpu.memory_space<hbm>>
    %dma_wait3A_1437 = arith.constant 0 : i32
    %dma_wait3A_1438 = arith.constant 0 : i32
    %dma_wait3A_1439 = tpu.memref_slice %arg6[%dma_wait3A_1425, %dma_wait3A_1437, %dma_wait3A_1438] : memref<2x512x32xf32, #tpu.memory_space<vmem>> -> memref<1x512x32xf32, #tpu.memory_space<vmem>>
    %dma_wait3A_1440 = tpu.memref_squeeze %dma_wait3A_1439 : memref<1x512x32xf32, #tpu.memory_space<vmem>> -> memref<512x32xf32, #tpu.memory_space<vmem>>
    tpu.wait_dma2 semaphore(%arg8 : memref<!tpu.dma_semaphore, #tpu.memory_space<semaphore_mem>>) src(%dma_wait3A_1440 : memref<512x32xf32, #tpu.memory_space<vmem>>) dst(%dma_wait3A_1436 : memref<512x32xf32, #tpu.memory_space<hbm>>)
    %dma_wait3A_1441 = arith.constant 1 : i32
    %dma_wait3A_1442 = arith.constant 25 : i32
    %dma_wait3A_1443 = arith.constant 0 : i32
    %dma_wait3A_1444 = arith.constant 0 : i32
    %dma_wait3A_1445 = tpu.memref_slice %arg6[%dma_wait3A_1441, %dma_wait3A_1443, %dma_wait3A_1444] : memref<2x512x32xf32, #tpu.memory_space<vmem>> -> memref<1x512x32xf32, #tpu.memory_space<vmem>>
    %dma_wait3A_1446 = tpu.memref_squeeze %dma_wait3A_1445 : memref<1x512x32xf32, #tpu.memory_space<vmem>> -> memref<512x32xf32, #tpu.memory_space<vmem>>
    %dma_wait3A_1447 = arith.constant 0 : i32
    %dma_wait3A_1448 = tpu.memref_slice %arg4[%dma_wait3A_1442, %mul3A_2, %dma_wait3A_1447] : memref<26x16384x128xf32, #tpu.memory_space<hbm>> -> memref<1x512x32xf32, #tpu.memory_space<hbm>>
    %dma_wait3A_1449 = tpu.memref_squeeze %dma_wait3A_1448 : memref<1x512x32xf32, #tpu.memory_space<hbm>> -> memref<512x32xf32, #tpu.memory_space<hbm>>
    %dma_wait3A_1450 = arith.constant 0 : i32
    %dma_wait3A_1451 = tpu.memref_slice %arg4[%dma_wait3A_1442, %mul3A_2, %dma_wait3A_1450] : memref<26x16384x128xf32, #tpu.memory_space<hbm>> -> memref<1x512x32xf32, #tpu.memory_space<hbm>>
    %dma_wait3A_1452 = tpu.memref_squeeze %dma_wait3A_1451 : memref<1x512x32xf32, #tpu.memory_space<hbm>> -> memref<512x32xf32, #tpu.memory_space<hbm>>
    %dma_wait3A_1453 = arith.constant 0 : i32
    %dma_wait3A_1454 = arith.constant 0 : i32
    %dma_wait3A_1455 = tpu.memref_slice %arg6[%dma_wait3A_1441, %dma_wait3A_1453, %dma_wait3A_1454] : memref<2x512x32xf32, #tpu.memory_space<vmem>> -> memref<1x512x32xf32, #tpu.memory_space<vmem>>
    %dma_wait3A_1456 = tpu.memref_squeeze %dma_wait3A_1455 : memref<1x512x32xf32, #tpu.memory_space<vmem>> -> memref<512x32xf32, #tpu.memory_space<vmem>>
    tpu.wait_dma2 semaphore(%arg8 : memref<!tpu.dma_semaphore, #tpu.memory_space<semaphore_mem>>) src(%dma_wait3A_1456 : memref<512x32xf32, #tpu.memory_space<vmem>>) dst(%dma_wait3A_1452 : memref<512x32xf32, #tpu.memory_space<hbm>>)
    return
  }
}

</mosaic_0001>

<sc_bundles>
// kernel: kernel.3.cloned.1.call-start
scs
__scs_entry_jumppad:
0x0: {  	(pc) =	sbr.rel $0x88, $3  }
0x1: {  	(tag) =	ssettag $0x0;
	lr =	simm.s32 $0x1  }
0x2: {  	[smem:$0x3F9F] =	sst lr;
	_ =	strace $0xD0000000  }
0x3: {  	_ = 	snop  }
0x4: {  	_ = 	snop  }
0x5: {  	_ = 	snop  }
0x6: {  	_ = 	snop  }
0x7: {  	_ = 	snop  }
__scs_overlays_trampoline_lowered:
0x8: {  	[smem:$0x3FAE] =	sst s0  }
0x9: {  	[smem:$0x3FAF] =	sst s1  }
0xa: {  	[smem:$0x3FB0] =	sst s2  }
0xb: {  	[smem:$0x3FB1] =	sst s3  }
0xc: {  	[smem:$0x3FB2] =	sst s4  }
0xd: {  	[smem:$0x3FB3] =	sst s5  }
0xe: {  	[smem:$0x3FB4] =	sst s6  }
0xf: {  	[smem:$0x3FB5] =	sst s7  }
0x10: {  	[smem:$0x3FB6] =	sst s8  }
0x11: {  	[smem:$0x3FB7] =	sst s9;
	s0 =	simm.s32 @!p0 $0x0  }
0x12: {  	s1 =	sld [smem:$0x3F9D];
	s0 =	simm.s32 @p0 $0x1  }
0x13: {  	[smem:$0x3FB8] =	sst s0;
	s0 =	simm.s32 @!p1 $0x0  }
0x14: {  	s2 =	sld [smem:$0x3F9C];
	s0 =	simm.s32 @p1 $0x1  }
0x15: {  	[smem:$0x3FB9] =	sst s0;
	s0 =	simm.s32 @!p2 $0x0  }
0x16: {  	s3 =	sld [smem:$0x3FDB];
	s0 =	simm.s32 @p2 $0x1  }
0x17: {  	s4 =	simm.s32 $0x1BF5;
	[smem:$0x3FBB] =	sst s0  }
0x18: {  	s0 =	sld [smem:$0x3F9E];
	_ =	swait.ge [sflag:s4], $0x0  }
0x19: {  	s7 =	sld [smem:$0x3F9F]  }
0x1a: {  	s8 =	sadd.s32 $0xFFFFE003, lr  }
0x1b: {  	s9 =	sadd.s32 $0xFFFFFEF7, lr;
	s5 =	simm.s32 $0xFFFFFFFF;
	p2 =	slt.u32 s8, $0xFFFFF086  }
0x1c: {  	p1 =	slt.u32 s9, $0xF7A;
	s5 =	simm.s32 @!p2 $0x0  }
0x1d: {  	s5 =	simm.s32 @p1 $0x1;
	p0 =	seq.s32 s7, s2  }
0x1e: {  	s7 =	smul.u32 @!p0 $0xF7A, s2;
	p2 =	seq.s32 @!p0 s5, $0x0  }
0x1f: {  	s9 =	smul.u32 $0xF7A, s1;
	s8 =	simm.s32 @!p0 $0x1BF5;
	p2 =	por !p2, p0  }
0x20: {  	[sflag:s8] =	ssyncset.s32 @!p0 $0xFFFFF086;
	s6 =	sadd.s32 @!p0 s3, s7;
	s7 =	simm.s32 @!p0 $0x108  }
0x21: {  	s3 =	sadd.s32 s3, s9;
	s6 =	sadd.s32 @!p0 $0x88, s6;
	s7 =	simm.s32 @p2 $0x1082  }
0x22: {  	[simem:s7], [sflag:s8] =	dma.local @!p0 [hbm:s6], $0xF7A  }
0x23: {  	s9 =	sor.u32 $0xD0000000, s2;
	s6 =	simm.s32 $0x108;
	_ =	swait.ge @!p0 [sflag:s8], $0x0  }
0x24: {  	s3 =	sadd.s32 $0x88, s3;
	s6 =	simm.s32 @!p1 $0x1082;
	[sflag:s4] =	ssyncset.s32 $0xFFFFF086  }
0x25: {  	[simem:s6], [sflag:s4] =	dma.local [hbm:s3], $0xF7A  }
0x26: {  	[smem:$0x3F9F] =	sst s1;
	(tag) =	ssettag s2;
	_ =	strace s9  }
0x27: {  	s1 =	sld [smem:$0x3FAF]  }
0x28: {  	s2 =	sld [smem:$0x3FB0]  }
0x29: {  	s4 =	sld [smem:$0x3FB2]  }
0x2a: {  	p0 =	seq.s32 s5, $0x0;
	s5 =	sld [smem:$0x3FB3]  }
0x2b: {  	s6 =	sld [smem:$0x3FB4]  }
0x2c: {  	s7 =	sld [smem:$0x3FB5]  }
0x2d: {  	s3 =	simm.s32 $0x108;
	s8 =	sld [smem:$0x3FB6]  }
0x2e: {  	s3 =	simm.s32 @!p0 $0x1082;
	s9 =	sld [smem:$0x3FB7]  }
0x2f: {  	lr =	sadd.s32 s0, s3;
	s0 =	sld [smem:$0x3FAE]  }
0x30: {  	s3 =	sld [smem:$0x3FB1]  }
0x31: {  	[smem:$0x3FBA] =	sst s10  }
0x32: {  	s10 =	sld [smem:$0x3FB8];
	_ =	sdelay $0x3  }
0x33: {  	p0 =	seq.s32 s10, $0x1;
	s10 =	sld [smem:$0x3FBA];
	_ =	sdelay $0x3  }
0x34: {  	[smem:$0x3FBA] =	sst s10  }
0x35: {  	s10 =	sld [smem:$0x3FB9];
	_ =	sdelay $0x3  }
0x36: {  	p1 =	seq.s32 s10, $0x1;
	s10 =	sld [smem:$0x3FBA];
	_ =	sdelay $0x3  }
0x37: {  	[smem:$0x3FBA] =	sst s10  }
0x38: {  	s10 =	sld [smem:$0x3FBB]  }
0x39: {  	_ = 	snop;
	(pc) =	sbr.ind lr, $3  }
0x3a: {  	_ = 	snop  }
0x3b: {  	_ = 	snop  }
0x3c: {  	p2 =	seq.s32 s10, $0x1;
	s10 =	sld [smem:$0x3FBA]  }
0x3d: {  	_ =	shalt  }
0x3e: {  	_ =	shalt  }
0x3f: {  	_ =	shalt  }
0x40: {  	_ =	shalt  }
0x41: {  	_ =	shalt  }
0x42: {  	_ =	shalt  }
0x43: {  	_ =	shalt  }
0x44: {  	_ =	shalt  }
0x45: {  	_ =	shalt  }
0x46: {  	_ =	shalt  }
0x47: {  	_ =	shalt  }
0x48: {  	_ =	shalt  }
0x49: {  	_ =	shalt  }
0x4a: {  	_ =	shalt  }
0x4b: {  	_ =	shalt  }
0x4c: {  	_ =	shalt  }
0x4d: {  	_ =	shalt  }
0x4e: {  	_ =	shalt  }
0x4f: {  	_ =	shalt  }
0x50: {  	_ =	shalt  }
0x51: {  	_ =	shalt  }
0x52: {  	_ =	shalt  }
0x53: {  	_ =	shalt  }
0x54: {  	_ =	shalt  }
0x55: {  	_ =	shalt  }
0x56: {  	_ =	shalt  }
0x57: {  	_ =	shalt  }
0x58: {  	_ =	shalt  }
0x59: {  	_ =	shalt  }
0x5a: {  	_ =	shalt  }
0x5b: {  	_ =	shalt  }
0x5c: {  	_ =	shalt  }
0x5d: {  	_ =	shalt  }
0x5e: {  	_ =	shalt  }
0x5f: {  	_ =	shalt  }
0x60: {  	_ =	shalt  }
0x61: {  	_ =	shalt  }
0x62: {  	_ =	shalt  }
0x63: {  	_ =	shalt  }
0x64: {  	_ =	shalt  }
0x65: {  	_ =	shalt  }
0x66: {  	_ =	shalt  }
0x67: {  	_ =	shalt  }
0x68: {  	_ =	shalt  }
0x69: {  	_ =	shalt  }
0x6a: {  	_ =	shalt  }
0x6b: {  	_ =	shalt  }
0x6c: {  	_ =	shalt  }
0x6d: {  	_ =	shalt  }
0x6e: {  	_ =	shalt  }
0x6f: {  	_ =	shalt  }
0x70: {  	_ =	shalt  }
0x71: {  	_ =	shalt  }
0x72: {  	_ =	shalt  }
0x73: {  	_ =	shalt  }
0x74: {  	_ =	shalt  }
0x75: {  	_ =	shalt  }
0x76: {  	_ =	shalt  }
0x77: {  	_ =	shalt  }
0x78: {  	_ =	shalt  }
0x79: {  	_ =	shalt  }
0x7a: {  	_ =	shalt  }
0x7b: {  	_ =	shalt  }
0x7c: {  	_ =	shalt  }
0x7d: {  	_ =	shalt  }
0x7e: {  	_ =	shalt  }
0x7f: {  	_ =	shalt  }
0x80: {  	_ =	shalt  }
0x81: {  	_ =	shalt  }
0x82: {  	_ =	shalt  }
0x83: {  	_ =	shalt  }
0x84: {  	_ =	shalt  }
0x85: {  	_ =	shalt  }
0x86: {  	_ =	shalt  }
0x87: {  	_ =	shalt  }
.Lfunc_end0:
.L_simem_size_0:
called_computation.1_lowered:
.L_overlay_start_0:
0x88: {  	s2 =	sld [smem:$0x3FD9]  }
0x89: {  	s3 =	sld [smem:$0x3FFE];
	_ =	sdelay $0x1  }
0x8a: {  	s1 =	srdreg.scid  }
0x8b: {  	s0 =	sand.u32 $0x1, s1  }
0x8c: {  	s17 =	sshll.u32 s0, $0xA;
	s2 =	sadd.s32 s3, s2  }
0x8d: {  	s2 =	sadd.s32 s2, s17  }
0x8e: {  	[smem:$0x3FC6] =	sst s2  }
0x8f: {  	_ = 	snop  }
0x90: {  	s2 =	sld [smem:$0x3FD0];
	(tm) =	ssettm $0x1  }
0x91: {  	s18 =	sld [smem:$0x3FFB];
	_ =	sdelay $0x3  }
0x92: {  	_ =	strace s18  }
0x93: {  	s3 =	sld [smem:$0x3FFC];
	_ =	sdelay $0x3  }
0x94: {  	_ =	strace s3  }
0x95: {  	s3 =	sld [smem:$0x3FFD];
	_ =	sdelay $0x3  }
0x96: {  	_ =	strace s3  }
0x97: {  	_ =	strace $0x8FFFFFFF  }
0x98: {  	s19 =	sld [smem:$0x3FDB];
	_ =	sdelay $0x1  }
0x99: {  	s4 =	simm.s32 $_scs_section_size  }
0x9a: {  	s5 =	simm.s32 $_size__tile_overlayer_lowered;
	s6 =	simm.s32 $_tile_overlayer_lowered  }
0x9b: {  	s22 =	simm.s32 $0x1BFF;
	s21 =	sshll.u32 s6, $0x1;
	s3 =	sadd.s32 s4, s19  }
0x9c: {  	s7 =	simm.s32 $0x0;
	s20 =	sshll.u32 s5, $0x1;
	s5 =	sadd.s32 s21, s3  }
0x9d: {  	[timem:s7], [sflag:s22] =	dma.local [hbm:s5], s20  }
0x9e: {  	_ =	swait.ge [sflag:s22], s20  }
0x9f: {  	s4 =	ssub.s32 $0x0, s20;
	[sflag:s22] =	ssyncset.done $0x0  }
0xa0: {  	[sflag:s22] =	ssyncadd.s32 s4;
	_ =	sdelay $0x1  }
0xa1: {  	s23 =	simm.s32 $0x1B8B  }
0xa2: {  	_ =	swait.ge [sflag:s23], $0x1  }
0xa3: {  	[sflag:s23] =	ssyncset.done $0x0  }
0xa4: {  	s25 =	simm.s32 $0x1B8E;
	s24 =	sld [smem:$0x3FFE];
	[sflag:s23] =	ssyncadd.s32 $0xFFFFFFFF  }
0xa5: {  	s26 =	simm.s32 $execute0_lowered;
	[smem:$0x3FD2] =	sst s25  }
0xa6: {  	s5 =	sshll.u32 s26, $0x1;
	_ =	strace $0x80000046;
	[dreg:$0x1] =	wrdreg $0xFFFFFFFF  }
0xa7: {  	s28 =	simm.s32 $_size_execute0_lowered;
	s3 =	sadd.s32 s3, s5;
	[dreg:$0x0] =	wrdreg $0x0  }
0xa8: {  	s5 =	sshll.u32 s28, $0x1;
	[dreg:$0x2] =	wrdreg s3  }
0xa9: {  	[dreg:$0x3] =	wrdreg s5  }
0xaa: {  	[dreg:$0x4] =	wrdreg $0xC0  }
0xab: {  	_ =	task [dreg:s7], $0x5FFFF  }
0xac: {  	[dreg:$0x1] =	wrdreg $0xFFFFFFFF  }
0xad: {  	[dreg:$0x0] =	wrdreg $0x60  }
0xae: {  	[dreg:$0x2] =	wrdreg s2  }
0xaf: {  	[dreg:$0x3] =	wrdreg s24  }
0xb0: {  	[dreg:$0x4] =	wrdreg $0x9  }
0xb1: {  	_ =	task.clear_ibuf [dreg:s7], $0x5FFFF;
	_ =	strace $0x90000046  }
0xb2: {  	s29 =	simm.s32 $0x9;
	_ =	strace $0x80000048  }
0xb3: {  	_ =	swait.ge [sflag:s29], $0x1  }
0xb4: {  	[sflag:s29] =	ssyncadd.s32 $0xFFFFFFFF  }
0xb5: {  	_ =	strace $0x90000048  }
0xb6: {  	_ =	sfence  }
0xb7: {  	s30 =	sld [smem:$0x0];
	_ =	sdelay $0x2  }
0xb8: {  	s31 =	sshll.u32 s1, $0xD;
	s1 =	sshrl.u32 s1, $0x2  }
0xb9: {  	s3 =	sand.u32 $0x4000, s31;
	s1 =	sadd.s32 s1, s30  }
0xba: {  	s0 =	sor.u32 s3, s0;
	s1 =	sshll.u32 s1, $0x11  }
0xbb: {  	s0 =	sor.u32 s1, s0  }
0xbc: {  	s0 =	sadd.s32 $0x8F2B, s0  }
0xbd: {  	[sflag:s0] =	ssyncadd.remote.s32 $0x1  }
0xbe: {  	_ =	sfence.sel $0xFFFF  }
0xbf: {  	[dreg:$0x0] =	wrdreg $0xFFFFFFFF;
	(pc) =	sbr.abs _section_cstart, $3  }
0xc0: {  	[dreg:$0x1] =	wrdreg $0xFFFFFFFF  }
0xc1: {  	_ =	task.clear_ibuf [dreg:s7], $0x2FFFF;
	_ =	strace $0x9FFFFFFF  }
0xc2: {  	(tm) =	ssettm $0x7FFFFFFF  }
0xc3: {  	_ =	shalt  }
tec
execute0_lowered:
.L_overlay_start_1:
0x0: {  	(tag) =	ssettag $0x1  }
0x1: {  	s0 =	srdreg.scid  }
0x2: {  	s10 =	stileid.u32;
	s0 =	sand.u32 $0x1, s0  }
0x3: {  	s1 =	rddreg [dreg:$0x0];
	s3 =	sshll.u32 s10, $0xA;
	s4 =	sshll.u32 s0, $0x9  }
0x4: {  	s2 =	rddreg [dreg:$0x1];
	s3 =	sor.u32 s4, s3  }
0x5: {  	s25 =	simm.s32 $0x0;
	s4 =	sshll.u32 s3, $0x4;
	s3 =	sshrl.u32 s3, $0x3  }
0x6: {  	[smem:$0x7FF] =	sst s25;
	s4 =	sadd.s32 s4, s2;
	s1 =	sadd.s32 s1, s3  }
0x7: {  	_ =	strace $0x80000047;
	[dreg:$0x3] =	wrdreg s1;
	s14 =	sadd.s32 $0xA00, s4  }
0x8: {  	s15 =	sadd.s32 $0x40A00, s4;
	[dreg:$0x4] =	wrdreg s14  }
0x9: {  	s16 =	sadd.s32 $0x80A00, s4;
	[dreg:$0x5] =	wrdreg s15  }
0xa: {  	s17 =	sadd.s32 $0xC0A00, s4;
	[dreg:$0x6] =	wrdreg s16  }
0xb: {  	s18 =	sadd.s32 $0x100A00, s4;
	[dreg:$0x7] =	wrdreg s17  }
0xc: {  	s19 =	sadd.s32 $0x140A00, s4;
	[dreg:$0x8] =	wrdreg s18  }
0xd: {  	s20 =	sadd.s32 $0x180A00, s4;
	[dreg:$0x9] =	wrdreg s19  }
0xe: {  	s21 =	sadd.s32 $0x1C0A00, s4;
	[dreg:$0xa] =	wrdreg s20  }
0xf: {  	s22 =	sadd.s32 $0x200A00, s4;
	[dreg:$0xb] =	wrdreg s21  }
0x10: {  	s23 =	sadd.s32 $0x240A00, s4;
	[dreg:$0xc] =	wrdreg s22  }
0x11: {  	s24 =	sadd.s32 $0x280A00, s4;
	[dreg:$0xd] =	wrdreg s23  }
0x12: {  	s26 =	sadd.s32 $0x2C0A00, s4;
	[dreg:$0xe] =	wrdreg s24  }
0x13: {  	s3 =	sadd.s32 $0x300A00, s4;
	[dreg:$0xf] =	wrdreg s26  }
0x14: {  	s31 =	simm.s32 $0x3;
	s5 =	sadd.s32 $0x340A00, s4;
	[dreg:$0x10] =	wrdreg s3  }
0x15: {  	s30 =	simm.s32 $0x1000;
	s6 =	sadd.s32 $0x380A00, s4;
	[dreg:$0x11] =	wrdreg s5  }
0x16: {  	s29 =	simm.s32 $0x1200;
	s7 =	sadd.s32 $0x3C0A00, s4;
	[dreg:$0x12] =	wrdreg s6  }
0x17: {  	s28 =	simm.s32 $0x1400;
	s8 =	sadd.s32 $0x400A00, s4;
	[dreg:$0x13] =	wrdreg s7  }
0x18: {  	p0 =	por $0x0, $0x0;
	s9 =	sadd.s32 $0x440A00, s4;
	[dreg:$0x14] =	wrdreg s8  }
0x19: {  	s0 =	ssub.s32 $0x2, s0;
	s11 =	sadd.s32 $0x480A00, s4;
	[dreg:$0x15] =	wrdreg s9  }
0x1a: {  	s2 =	sadd.s32 $0xF42E00, s2;
	s12 =	sadd.s32 $0x4C0A00, s4;
	[dreg:$0x16] =	wrdreg s11  }
0x1b: {  	s13 =	sadd.s32 $0x500A00, s4;
	[dreg:$0x17] =	wrdreg s12;
	s14 =	sadd.s32 $0x540A00, s4  }
0x1c: {  	[dreg:$0x18] =	wrdreg s13;
	s15 =	sadd.s32 $0x580A00, s4;
	s16 =	sadd.s32 $0x5C0A00, s4  }
0x1d: {  	s17 =	sshrl.u32 s0, $0x1;
	s18 =	sadd.s32 $0x600A00, s4;
	[dreg:$0x19] =	wrdreg s14  }
0x1e: {  	s19 =	sadd.s32 $0x640A00, s4;
	s20 =	simm.s32 $0x4000;
	[dreg:$0x1a] =	wrdreg s15  }
0x1f: {  	s8 =	simm.s32 $0x200;
	s5 =	simm.s32 $0x3400;
	[dreg:$0x1b] =	wrdreg s16  }
0x20: {  	s3 =	simm.s32 $0x7400;
	s21 =	simm.s32 $0x400;
	[dreg:$0x1c] =	wrdreg s18  }
0x21: {  	s4 =	simm.s32 $0x1;
	s22 =	simm.s32 $0x600;
	[dreg:$0x1d] =	wrdreg s19  }
0x22: {  	s6 =	simm.s32 $0x20;
	s23 =	simm.s32 $0x800;
	[dreg:$0x1e] =	wrdreg s20  }
0x23: {  	s9 =	simm.s32 $0x80;
	s24 =	simm.s32 $0xA00;
	[dreg:$0x1f] =	wrdreg s21  }
0x24: {  	s7 =	simm.s32 $0x2;
	s26 =	simm.s32 $0xC00;
	[smem:$0x7FA] =	sst s22  }
0x25: {  	s13 =	simm.s32 $0x2E00;
	s0 =	ssub.s32 s0, s17;
	[smem:$0x7FB] =	sst s23  }
0x26: {  	s12 =	simm.s32 $0x3000;
	[smem:$0x7FC] =	sst s24;
	s0 =	smax.u32 s0, $0x1  }
0x27: {  	s11 =	simm.s32 $0x3200;
	[smem:$0x7FD] =	sst s26;
	p1 =	sne.s32 s0, $0x1  }
.Ltmp0:
0x28: {  	s26 =	simm.s32 $0x1600;
	s24 =	simm.s32 $0x1800;
	(pc) =	sbr.rel @!p1 .LBB2_1-.Ltmp0, $4  }
0x29: {  	s23 =	simm.s32 $0x1A00;
	s22 =	simm.s32 $0x1C00;
	s21 =	simm.s32 $0x1E00  }
0x2a: {  	s20 =	simm.s32 $0x2000;
	s19 =	simm.s32 $0x2200;
	s18 =	simm.s32 $0x2400  }
0x2b: {  	s17 =	simm.s32 $0x2600;
	s16 =	simm.s32 $0x2800;
	s15 =	simm.s32 $0x2A00  }
0x2c: {  	s14 =	simm.s32 $0x2C00;
	s1 =	sadd.s32 $0xFFFFFFFF, s0;
	s0 =	rddreg [dreg:$0x3]  }
0x2d: {  	s10 =	smov.u32 s1;
	s1 =	rddreg [dreg:$0x1e]  }
0x2e: {  	[tilespmem:s25], [sflag:$0x3] =	stream.strided.gather [hbm4b:s0+s8], $0x3400, s1, s8, $0x38;
	[tilespmem:$0xB400] =	vst v63  }
0x2f: {  	_ =	swait.ge [sflag:s31], $0x3400  }
0x30: {  	[sflag:s31] =	ssyncset.done $0x0  }
0x31: {  	[sflag:s31] =	ssyncadd.s32 $0xFFFFCC00  }
0x32: {  	[tilespmem:s5], [sflag:$0x1] =	stream.indirect.gather [hbm4b:s2+s8], $0x20, s25, s8, $0xb8;
	[tilespmem:$0xB400] =	vst v63  }
0x33: {  	_ = 	snop  }
0x34: {  	[tilespmem:s3], [sflag:$0x1] =	stream.indirect.gather [hbm4b:s2+s8], $0x20, s8, s8, $0xb8;
	[tilespmem:$0xB400] =	vst v63  }
0x35: {  	_ =	swait.ge [sflag:s4], $0x4000  }
0x36: {  	[sflag:s4] =	ssyncset.done $0x0  }
0x37: {  	s1 =	rddreg [dreg:$0x4];
	[sflag:s4] =	ssyncadd.s32 $0xFFFFC000  }
0x38: {  	[hbm4b:s1+s6] =	stream.strided.scatter [tilespmem:s5], [sflag:$0x2], $0x4000, s9, s6, $0x38;
	[tilespmem:$0xB400] =	vst v63  }
0x39: {  	_ =	swait.ge [sflag:s7], $0x4000  }
0x3a: {  	[sflag:s7] =	ssyncset.done $0x0  }
0x3b: {  	s1 =	rddreg [dreg:$0x1f];
	[sflag:s7] =	ssyncadd.s32 $0xFFFFC000  }
0x3c: {  	[tilespmem:s5], [sflag:$0x1] =	stream.indirect.gather [hbm4b:s2+s8], $0x20, s1, s8, $0xb8;
	[tilespmem:$0xB400] =	vst v63  }
0x3d: {  	_ =	swait.ge [sflag:s4], $0x4000  }
0x3e: {  	[sflag:s4] =	ssyncset.done $0x0  }
0x3f: {  	s1 =	rddreg [dreg:$0x5];
	[sflag:s4] =	ssyncadd.s32 $0xFFFFC000  }
0x40: {  	[hbm4b:s1+s6] =	stream.strided.scatter [tilespmem:s3], [sflag:$0x2], $0x4000, s9, s6, $0x38;
	[tilespmem:$0xB400] =	vst v63  }
0x41: {  	_ =	swait.ge [sflag:s7], $0x4000  }
0x42: {  	s1 =	sld [smem:$0x7FA]  }
0x43: {  	[sflag:s7] =	ssyncset.done $0x0  }
0x44: {  	[sflag:s7] =	ssyncadd.s32 $0xFFFFC000  }
0x45: {  	[tilespmem:s3], [sflag:$0x1] =	stream.indirect.gather [hbm4b:s2+s8], $0x20, s1, s8, $0xb8;
	[tilespmem:$0xB400] =	vst v63  }
0x46: {  	_ =	swait.ge [sflag:s4], $0x4000  }
0x47: {  	[sflag:s4] =	ssyncset.done $0x0  }
0x48: {  	s1 =	rddreg [dreg:$0x6];
	[sflag:s4] =	ssyncadd.s32 $0xFFFFC000  }
0x49: {  	[hbm4b:s1+s6] =	stream.strided.scatter [tilespmem:s5], [sflag:$0x2], $0x4000, s9, s6, $0x38;
	[tilespmem:$0xB400] =	vst v63  }
0x4a: {  	_ =	swait.ge [sflag:s7], $0x4000  }
0x4b: {  	s1 =	sld [smem:$0x7FB]  }
0x4c: {  	[sflag:s7] =	ssyncset.done $0x0  }
0x4d: {  	[sflag:s7] =	ssyncadd.s32 $0xFFFFC000  }
0x4e: {  	[tilespmem:s5], [sflag:$0x1] =	stream.indirect.gather [hbm4b:s2+s8], $0x20, s1, s8, $0xb8;
	[tilespmem:$0xB400] =	vst v63  }
0x4f: {  	_ =	swait.ge [sflag:s4], $0x4000  }
0x50: {  	[sflag:s4] =	ssyncset.done $0x0  }
0x51: {  	s1 =	rddreg [dreg:$0x7];
	[sflag:s4] =	ssyncadd.s32 $0xFFFFC000  }
0x52: {  	[hbm4b:s1+s6] =	stream.strided.scatter [tilespmem:s3], [sflag:$0x2], $0x4000, s9, s6, $0x38;
	[tilespmem:$0xB400] =	vst v63  }
0x53: {  	_ =	swait.ge [sflag:s7], $0x4000  }
0x54: {  	s1 =	sld [smem:$0x7FC]  }
0x55: {  	[sflag:s7] =	ssyncset.done $0x0  }
0x56: {  	[sflag:s7] =	ssyncadd.s32 $0xFFFFC000  }
0x57: {  	[tilespmem:s3], [sflag:$0x1] =	stream.indirect.gather [hbm4b:s2+s8], $0x20, s1, s8, $0xb8;
	[tilespmem:$0xB400] =	vst v63  }
0x58: {  	_ =	swait.ge [sflag:s4], $0x4000  }
0x59: {  	[sflag:s4] =	ssyncset.done $0x0  }
0x5a: {  	s1 =	rddreg [dreg:$0x8];
	[sflag:s4] =	ssyncadd.s32 $0xFFFFC000  }
0x5b: {  	[hbm4b:s1+s6] =	stream.strided.scatter [tilespmem:s5], [sflag:$0x2], $0x4000, s9, s6, $0x38;
	[tilespmem:$0xB400] =	vst v63  }
0x5c: {  	_ =	swait.ge [sflag:s7], $0x4000  }
0x5d: {  	s1 =	sld [smem:$0x7FD]  }
0x5e: {  	[sflag:s7] =	ssyncset.done $0x0  }
0x5f: {  	[sflag:s7] =	ssyncadd.s32 $0xFFFFC000  }
0x60: {  	[tilespmem:s5], [sflag:$0x1] =	stream.indirect.gather [hbm4b:s2+s8], $0x20, s1, s8, $0xb8;
	[tilespmem:$0xB400] =	vst v63  }
0x61: {  	_ =	swait.ge [sflag:s4], $0x4000  }
0x62: {  	[sflag:s4] =	ssyncset.done $0x0  }
0x63: {  	s1 =	rddreg [dreg:$0x9];
	[sflag:s4] =	ssyncadd.s32 $0xFFFFC000  }
0x64: {  	[hbm4b:s1+s6] =	stream.strided.scatter [tilespmem:s3], [sflag:$0x2], $0x4000, s9, s6, $0x38;
	[tilespmem:$0xB400] =	vst v63  }
0x65: {  	_ =	swait.ge [sflag:s7], $0x4000  }
0x66: {  	[sflag:s7] =	ssyncset.done $0x0  }
0x67: {  	s1 =	simm.s32 $0xE00;
	[sflag:s7] =	ssyncadd.s32 $0xFFFFC000  }
0x68: {  	[tilespmem:s3], [sflag:$0x1] =	stream.indirect.gather [hbm4b:s2+s8], $0x20, s1, s8, $0xb8;
	[tilespmem:$0xB400] =	vst v63  }
0x69: {  	_ =	swait.ge [sflag:s4], $0x4000  }
0x6a: {  	[sflag:s4] =	ssyncset.done $0x0  }
0x6b: {  	s1 =	rddreg [dreg:$0xa];
	[sflag:s4] =	ssyncadd.s32 $0xFFFFC000  }
0x6c: {  	[hbm4b:s1+s6] =	stream.strided.scatter [tilespmem:s5], [sflag:$0x2], $0x4000, s9, s6, $0x38;
	[tilespmem:$0xB400] =	vst v63  }
0x6d: {  	_ =	swait.ge [sflag:s7], $0x4000  }
0x6e: {  	[sflag:s7] =	ssyncset.done $0x0  }
0x6f: {  	[sflag:s7] =	ssyncadd.s32 $0xFFFFC000  }
0x70: {  	[tilespmem:s5], [sflag:$0x1] =	stream.indirect.gather [hbm4b:s2+s8], $0x20, s30, s8, $0xb8;
	[tilespmem:$0xB400] =	vst v63  }
0x71: {  	_ =	swait.ge [sflag:s4], $0x4000  }
0x72: {  	[sflag:s4] =	ssyncset.done $0x0  }
0x73: {  	s1 =	rddreg [dreg:$0xb];
	[sflag:s4] =	ssyncadd.s32 $0xFFFFC000  }
0x74: {  	[hbm4b:s1+s6] =	stream.strided.scatter [tilespmem:s3], [sflag:$0x2], $0x4000, s9, s6, $0x38;
	[tilespmem:$0xB400] =	vst v63  }
0x75: {  	_ =	swait.ge [sflag:s7], $0x4000  }
0x76: {  	[sflag:s7] =	ssyncset.done $0x0  }
0x77: {  	[sflag:s7] =	ssyncadd.s32 $0xFFFFC000  }
0x78: {  	[tilespmem:s3], [sflag:$0x1] =	stream.indirect.gather [hbm4b:s2+s8], $0x20, s29, s8, $0xb8;
	[tilespmem:$0xB400] =	vst v63  }
0x79: {  	_ =	swait.ge [sflag:s4], $0x4000  }
0x7a: {  	[sflag:s4] =	ssyncset.done $0x0  }
0x7b: {  	s1 =	rddreg [dreg:$0xc];
	[sflag:s4] =	ssyncadd.s32 $0xFFFFC000  }
0x7c: {  	[hbm4b:s1+s6] =	stream.strided.scatter [tilespmem:s5], [sflag:$0x2], $0x4000, s9, s6, $0x38;
	[tilespmem:$0xB400] =	vst v63  }
0x7d: {  	_ =	swait.ge [sflag:s7], $0x4000  }
0x7e: {  	[sflag:s7] =	ssyncset.done $0x0  }
0x7f: {  	[sflag:s7] =	ssyncadd.s32 $0xFFFFC000  }
0x80: {  	[tilespmem:s5], [sflag:$0x1] =	stream.indirect.gather [hbm4b:s2+s8], $0x20, s28, s8, $0xb8;
	[tilespmem:$0xB400] =	vst v63  }
0x81: {  	_ =	swait.ge [sflag:s4], $0x4000  }
0x82: {  	[sflag:s4] =	ssyncset.done $0x0  }
0x83: {  	s1 =	rddreg [dreg:$0xd];
	[sflag:s4] =	ssyncadd.s32 $0xFFFFC000  }
0x84: {  	[hbm4b:s1+s6] =	stream.strided.scatter [tilespmem:s3], [sflag:$0x2], $0x4000, s9, s6, $0x38;
	[tilespmem:$0xB400] =	vst v63  }
0x85: {  	_ =	swait.ge [sflag:s7], $0x4000  }
0x86: {  	[sflag:s7] =	ssyncset.done $0x0  }
0x87: {  	[sflag:s7] =	ssyncadd.s32 $0xFFFFC000  }
0x88: {  	[tilespmem:s3], [sflag:$0x1] =	stream.indirect.gather [hbm4b:s2+s8], $0x20, s26, s8, $0xb8;
	[tilespmem:$0xB400] =	vst v63  }
0x89: {  	_ =	swait.ge [sflag:s4], $0x4000  }
0x8a: {  	[sflag:s4] =	ssyncset.done $0x0  }
0x8b: {  	s1 =	rddreg [dreg:$0xe];
	[sflag:s4] =	ssyncadd.s32 $0xFFFFC000  }
0x8c: {  	[hbm4b:s1+s6] =	stream.strided.scatter [tilespmem:s5], [sflag:$0x2], $0x4000, s9, s6, $0x38;
	[tilespmem:$0xB400] =	vst v63  }
0x8d: {  	_ =	swait.ge [sflag:s7], $0x4000  }
0x8e: {  	[sflag:s7] =	ssyncset.done $0x0  }
0x8f: {  	[sflag:s7] =	ssyncadd.s32 $0xFFFFC000  }
0x90: {  	[tilespmem:s5], [sflag:$0x1] =	stream.indirect.gather [hbm4b:s2+s8], $0x20, s24, s8, $0xb8;
	[tilespmem:$0xB400] =	vst v63  }
0x91: {  	_ =	swait.ge [sflag:s4], $0x4000  }
0x92: {  	[sflag:s4] =	ssyncset.done $0x0  }
0x93: {  	s1 =	rddreg [dreg:$0xf];
	[sflag:s4] =	ssyncadd.s32 $0xFFFFC000  }
0x94: {  	[hbm4b:s1+s6] =	stream.strided.scatter [tilespmem:s3], [sflag:$0x2], $0x4000, s9, s6, $0x38;
	[tilespmem:$0xB400] =	vst v63  }
0x95: {  	_ =	swait.ge [sflag:s7], $0x4000  }
0x96: {  	[sflag:s7] =	ssyncset.done $0x0  }
0x97: {  	[sflag:s7] =	ssyncadd.s32 $0xFFFFC000  }
0x98: {  	[tilespmem:s3], [sflag:$0x1] =	stream.indirect.gather [hbm4b:s2+s8], $0x20, s23, s8, $0xb8;
	[tilespmem:$0xB400] =	vst v63  }
0x99: {  	_ =	swait.ge [sflag:s4], $0x4000  }
0x9a: {  	[sflag:s4] =	ssyncset.done $0x0  }
0x9b: {  	s1 =	rddreg [dreg:$0x10];
	[sflag:s4] =	ssyncadd.s32 $0xFFFFC000  }
0x9c: {  	[hbm4b:s1+s6] =	stream.strided.scatter [tilespmem:s5], [sflag:$0x2], $0x4000, s9, s6, $0x38;
	[tilespmem:$0xB400] =	vst v63  }
0x9d: {  	_ =	swait.ge [sflag:s7], $0x4000  }
0x9e: {  	[sflag:s7] =	ssyncset.done $0x0  }
0x9f: {  	[sflag:s7] =	ssyncadd.s32 $0xFFFFC000  }
0xa0: {  	[tilespmem:s5], [sflag:$0x1] =	stream.indirect.gather [hbm4b:s2+s8], $0x20, s22, s8, $0xb8;
	[tilespmem:$0xB400] =	vst v63  }
0xa1: {  	_ =	swait.ge [sflag:s4], $0x4000  }
0xa2: {  	[sflag:s4] =	ssyncset.done $0x0  }
0xa3: {  	s1 =	rddreg [dreg:$0x11];
	[sflag:s4] =	ssyncadd.s32 $0xFFFFC000  }
0xa4: {  	[hbm4b:s1+s6] =	stream.strided.scatter [tilespmem:s3], [sflag:$0x2], $0x4000, s9, s6, $0x38;
	[tilespmem:$0xB400] =	vst v63  }
0xa5: {  	_ =	swait.ge [sflag:s7], $0x4000  }
0xa6: {  	[sflag:s7] =	ssyncset.done $0x0  }
0xa7: {  	[sflag:s7] =	ssyncadd.s32 $0xFFFFC000  }
0xa8: {  	[tilespmem:s3], [sflag:$0x1] =	stream.indirect.gather [hbm4b:s2+s8], $0x20, s21, s8, $0xb8;
	[tilespmem:$0xB400] =	vst v63  }
0xa9: {  	_ =	swait.ge [sflag:s4], $0x4000  }
0xaa: {  	[sflag:s4] =	ssyncset.done $0x0  }
0xab: {  	s1 =	rddreg [dreg:$0x12];
	[sflag:s4] =	ssyncadd.s32 $0xFFFFC000  }
0xac: {  	[hbm4b:s1+s6] =	stream.strided.scatter [tilespmem:s5], [sflag:$0x2], $0x4000, s9, s6, $0x38;
	[tilespmem:$0xB400] =	vst v63  }
0xad: {  	_ =	swait.ge [sflag:s7], $0x4000  }
0xae: {  	[sflag:s7] =	ssyncset.done $0x0  }
0xaf: {  	[sflag:s7] =	ssyncadd.s32 $0xFFFFC000  }
0xb0: {  	[tilespmem:s5], [sflag:$0x1] =	stream.indirect.gather [hbm4b:s2+s8], $0x20, s20, s8, $0xb8;
	[tilespmem:$0xB400] =	vst v63  }
0xb1: {  	_ =	swait.ge [sflag:s4], $0x4000  }
0xb2: {  	[sflag:s4] =	ssyncset.done $0x0  }
0xb3: {  	s1 =	rddreg [dreg:$0x13];
	[sflag:s4] =	ssyncadd.s32 $0xFFFFC000  }
0xb4: {  	[hbm4b:s1+s6] =	stream.strided.scatter [tilespmem:s3], [sflag:$0x2], $0x4000, s9, s6, $0x38;
	[tilespmem:$0xB400] =	vst v63  }
0xb5: {  	_ =	swait.ge [sflag:s7], $0x4000  }
0xb6: {  	[sflag:s7] =	ssyncset.done $0x0  }
0xb7: {  	[sflag:s7] =	ssyncadd.s32 $0xFFFFC000  }
0xb8: {  	[tilespmem:s3], [sflag:$0x1] =	stream.indirect.gather [hbm4b:s2+s8], $0x20, s19, s8, $0xb8;
	[tilespmem:$0xB400] =	vst v63  }
0xb9: {  	_ =	swait.ge [sflag:s4], $0x4000  }
0xba: {  	[sflag:s4] =	ssyncset.done $0x0  }
0xbb: {  	s1 =	rddreg [dreg:$0x14];
	[sflag:s4] =	ssyncadd.s32 $0xFFFFC000  }
0xbc: {  	[hbm4b:s1+s6] =	stream.strided.scatter [tilespmem:s5], [sflag:$0x2], $0x4000, s9, s6, $0x38;
	[tilespmem:$0xB400] =	vst v63  }
0xbd: {  	_ =	swait.ge [sflag:s7], $0x4000  }
0xbe: {  	[sflag:s7] =	ssyncset.done $0x0  }
0xbf: {  	[sflag:s7] =	ssyncadd.s32 $0xFFFFC000  }
0xc0: {  	[tilespmem:s5], [sflag:$0x1] =	stream.indirect.gather [hbm4b:s2+s8], $0x20, s18, s8, $0xb8;
	[tilespmem:$0xB400] =	vst v63  }
0xc1: {  	_ =	swait.ge [sflag:s4], $0x4000  }
0xc2: {  	[sflag:s4] =	ssyncset.done $0x0  }
0xc3: {  	s1 =	rddreg [dreg:$0x15];
	[sflag:s4] =	ssyncadd.s32 $0xFFFFC000  }
0xc4: {  	[hbm4b:s1+s6] =	stream.strided.scatter [tilespmem:s3], [sflag:$0x2], $0x4000, s9, s6, $0x38;
	[tilespmem:$0xB400] =	vst v63  }
0xc5: {  	_ =	swait.ge [sflag:s7], $0x4000  }
0xc6: {  	[sflag:s7] =	ssyncset.done $0x0  }
0xc7: {  	[sflag:s7] =	ssyncadd.s32 $0xFFFFC000  }
0xc8: {  	[tilespmem:s3], [sflag:$0x1] =	stream.indirect.gather [hbm4b:s2+s8], $0x20, s17, s8, $0xb8;
	[tilespmem:$0xB400] =	vst v63  }
0xc9: {  	_ =	swait.ge [sflag:s4], $0x4000  }
0xca: {  	[sflag:s4] =	ssyncset.done $0x0  }
0xcb: {  	s1 =	rddreg [dreg:$0x16];
	[sflag:s4] =	ssyncadd.s32 $0xFFFFC000  }
0xcc: {  	[hbm4b:s1+s6] =	stream.strided.scatter [tilespmem:s5], [sflag:$0x2], $0x4000, s9, s6, $0x38;
	[tilespmem:$0xB400] =	vst v63  }
0xcd: {  	_ =	swait.ge [sflag:s7], $0x4000  }
0xce: {  	[sflag:s7] =	ssyncset.done $0x0  }
0xcf: {  	[sflag:s7] =	ssyncadd.s32 $0xFFFFC000  }
0xd0: {  	[tilespmem:s5], [sflag:$0x1] =	stream.indirect.gather [hbm4b:s2+s8], $0x20, s16, s8, $0xb8;
	[tilespmem:$0xB400] =	vst v63  }
0xd1: {  	_ =	swait.ge [sflag:s4], $0x4000  }
0xd2: {  	[sflag:s4] =	ssyncset.done $0x0  }
0xd3: {  	s1 =	rddreg [dreg:$0x17];
	[sflag:s4] =	ssyncadd.s32 $0xFFFFC000  }
0xd4: {  	[hbm4b:s1+s6] =	stream.strided.scatter [tilespmem:s3], [sflag:$0x2], $0x4000, s9, s6, $0x38;
	[tilespmem:$0xB400] =	vst v63  }
0xd5: {  	_ =	swait.ge [sflag:s7], $0x4000  }
0xd6: {  	[sflag:s7] =	ssyncset.done $0x0  }
0xd7: {  	[sflag:s7] =	ssyncadd.s32 $0xFFFFC000  }
0xd8: {  	[tilespmem:s3], [sflag:$0x1] =	stream.indirect.gather [hbm4b:s2+s8], $0x20, s15, s8, $0xb8;
	[tilespmem:$0xB400] =	vst v63  }
0xd9: {  	_ =	swait.ge [sflag:s4], $0x4000  }
0xda: {  	[sflag:s4] =	ssyncset.done $0x0  }
0xdb: {  	s1 =	rddreg [dreg:$0x18];
	[sflag:s4] =	ssyncadd.s32 $0xFFFFC000  }
0xdc: {  	[hbm4b:s1+s6] =	stream.strided.scatter [tilespmem:s5], [sflag:$0x2], $0x4000, s9, s6, $0x38;
	[tilespmem:$0xB400] =	vst v63  }
0xdd: {  	_ =	swait.ge [sflag:s7], $0x4000  }
0xde: {  	[sflag:s7] =	ssyncset.done $0x0  }
0xdf: {  	[sflag:s7] =	ssyncadd.s32 $0xFFFFC000  }
0xe0: {  	[tilespmem:s5], [sflag:$0x1] =	stream.indirect.gather [hbm4b:s2+s8], $0x20, s14, s8, $0xb8;
	[tilespmem:$0xB400] =	vst v63  }
0xe1: {  	_ =	swait.ge [sflag:s4], $0x4000  }
0xe2: {  	[sflag:s4] =	ssyncset.done $0x0  }
0xe3: {  	s1 =	rddreg [dreg:$0x19];
	[sflag:s4] =	ssyncadd.s32 $0xFFFFC000  }
0xe4: {  	[hbm4b:s1+s6] =	stream.strided.scatter [tilespmem:s3], [sflag:$0x2], $0x4000, s9, s6, $0x38;
	[tilespmem:$0xB400] =	vst v63  }
0xe5: {  	_ =	swait.ge [sflag:s7], $0x4000  }
0xe6: {  	[sflag:s7] =	ssyncset.done $0x0  }
0xe7: {  	[sflag:s7] =	ssyncadd.s32 $0xFFFFC000  }
0xe8: {  	[tilespmem:s3], [sflag:$0x1] =	stream.indirect.gather [hbm4b:s2+s8], $0x20, s13, s8, $0xb8;
	[tilespmem:$0xB400] =	vst v63  }
0xe9: {  	_ =	swait.ge [sflag:s4], $0x4000  }
0xea: {  	[sflag:s4] =	ssyncset.done $0x0  }
0xeb: {  	s1 =	rddreg [dreg:$0x1a];
	[sflag:s4] =	ssyncadd.s32 $0xFFFFC000  }
0xec: {  	[hbm4b:s1+s6] =	stream.strided.scatter [tilespmem:s5], [sflag:$0x2], $0x4000, s9, s6, $0x38;
	[tilespmem:$0xB400] =	vst v63  }
0xed: {  	_ =	swait.ge [sflag:s7], $0x4000  }
0xee: {  	[sflag:s7] =	ssyncset.done $0x0  }
0xef: {  	[sflag:s7] =	ssyncadd.s32 $0xFFFFC000  }
0xf0: {  	[tilespmem:s5], [sflag:$0x1] =	stream.indirect.gather [hbm4b:s2+s8], $0x20, s12, s8, $0xb8;
	[tilespmem:$0xB400] =	vst v63  }
0xf1: {  	_ =	swait.ge [sflag:s4], $0x4000  }
0xf2: {  	[sflag:s4] =	ssyncset.done $0x0  }
0xf3: {  	s1 =	rddreg [dreg:$0x1b];
	[sflag:s4] =	ssyncadd.s32 $0xFFFFC000  }
0xf4: {  	[hbm4b:s1+s6] =	stream.strided.scatter [tilespmem:s3], [sflag:$0x2], $0x4000, s9, s6, $0x38;
	[tilespmem:$0xB400] =	vst v63  }
0xf5: {  	_ =	swait.ge [sflag:s7], $0x4000  }
0xf6: {  	[sflag:s7] =	ssyncset.done $0x0  }
0xf7: {  	[sflag:s7] =	ssyncadd.s32 $0xFFFFC000  }
0xf8: {  	[tilespmem:s3], [sflag:$0x1] =	stream.indirect.gather [hbm4b:s2+s8], $0x20, s11, s8, $0xb8;
	[tilespmem:$0xB400] =	vst v63  }
0xf9: {  	_ =	swait.ge [sflag:s4], $0x4000  }
0xfa: {  	[sflag:s4] =	ssyncset.done $0x0  }
0xfb: {  	s1 =	rddreg [dreg:$0x1c];
	[sflag:s4] =	ssyncadd.s32 $0xFFFFC000  }
0xfc: {  	[hbm4b:s1+s6] =	stream.strided.scatter [tilespmem:s5], [sflag:$0x2], $0x4000, s9, s6, $0x38;
	[tilespmem:$0xB400] =	vst v63  }
0xfd: {  	_ =	swait.ge [sflag:s4], $0x4000  }
0xfe: {  	[sflag:s4] =	ssyncset.done $0x0  }
0xff: {  	p1 =	sne.s32 s10, $0x1;
	s1 =	rddreg [dreg:$0x1d];
	[sflag:s4] =	ssyncadd.s32 $0xFFFFC000  }
0x100: {  	[hbm4b:s1+s6] =	stream.strided.scatter [tilespmem:s3], [sflag:$0x2], $0x4000, s9, s6, $0x38;
	[tilespmem:$0xB400] =	vst v63  }
.Ltmp1:
0x101: {  	_ =	swait.ge [sflag:s7], $0x4000;
	(pc) =	sbr.rel @!p1 .LBB2_3-.Ltmp1, $4  }
0x102: {  	[sflag:s7] =	ssyncset.done $0x0  }
0x103: {  	[sflag:s7] =	ssyncadd.s32 $0xFFFFC000  }
0x104: {  	p0 =	por $0x1, $0x1;
	_ =	swait.ge [sflag:s7], $0x4000  }
0x105: {  	s1 =	sadd.s32 $0xFFFFFFFF, s10;
	s0 =	rddreg [dreg:$0x3];
	[sflag:s7] =	ssyncset.done $0x0  }
.LBB2_4:
0x106: {  	s10 =	rddreg [dreg:$0x1e];
	[sflag:s7] =	ssyncadd.s32 $0xFFFFC000  }
0x107: {  	[tilespmem:s25], [sflag:$0x3] =	stream.strided.gather [hbm4b:s0+s8], $0x3400, s10, s8, $0x38;
	[tilespmem:$0xB400] =	vst v63  }
0x108: {  	_ =	swait.ge [sflag:s31], $0x3400  }
0x109: {  	[sflag:s31] =	ssyncset.done $0x0  }
0x10a: {  	[sflag:s31] =	ssyncadd.s32 $0xFFFFCC00  }
0x10b: {  	[tilespmem:s5], [sflag:$0x1] =	stream.indirect.gather [hbm4b:s2+s8], $0x20, s25, s8, $0xb8;
	[tilespmem:$0xB400] =	vst v63  }
0x10c: {  	_ = 	snop  }
0x10d: {  	[tilespmem:s3], [sflag:$0x1] =	stream.indirect.gather [hbm4b:s2+s8], $0x20, s8, s8, $0xb8;
	[tilespmem:$0xB400] =	vst v63  }
0x10e: {  	_ =	swait.ge [sflag:s4], $0x4000  }
0x10f: {  	[sflag:s4] =	ssyncset.done $0x0  }
0x110: {  	s10 =	rddreg [dreg:$0x4];
	[sflag:s4] =	ssyncadd.s32 $0xFFFFC000  }
0x111: {  	[hbm4b:s10+s6] =	stream.strided.scatter [tilespmem:s5], [sflag:$0x2], $0x4000, s9, s6, $0x38;
	[tilespmem:$0xB400] =	vst v63  }
0x112: {  	_ =	swait.ge [sflag:s7], $0x4000  }
0x113: {  	[sflag:s7] =	ssyncset.done $0x0  }
0x114: {  	s10 =	rddreg [dreg:$0x1f];
	[sflag:s7] =	ssyncadd.s32 $0xFFFFC000  }
0x115: {  	[tilespmem:s5], [sflag:$0x1] =	stream.indirect.gather [hbm4b:s2+s8], $0x20, s10, s8, $0xb8;
	[tilespmem:$0xB400] =	vst v63  }
0x116: {  	_ =	swait.ge [sflag:s4], $0x4000  }
0x117: {  	[sflag:s4] =	ssyncset.done $0x0  }
0x118: {  	s10 =	rddreg [dreg:$0x5];
	[sflag:s4] =	ssyncadd.s32 $0xFFFFC000  }
0x119: {  	[hbm4b:s10+s6] =	stream.strided.scatter [tilespmem:s3], [sflag:$0x2], $0x4000, s9, s6, $0x38;
	[tilespmem:$0xB400] =	vst v63  }
0x11a: {  	_ =	swait.ge [sflag:s7], $0x4000  }
0x11b: {  	s10 =	sld [smem:$0x7FA]  }
0x11c: {  	[sflag:s7] =	ssyncset.done $0x0  }
0x11d: {  	[sflag:s7] =	ssyncadd.s32 $0xFFFFC000  }
0x11e: {  	[tilespmem:s3], [sflag:$0x1] =	stream.indirect.gather [hbm4b:s2+s8], $0x20, s10, s8, $0xb8;
	[tilespmem:$0xB400] =	vst v63  }
0x11f: {  	_ =	swait.ge [sflag:s4], $0x4000  }
0x120: {  	[sflag:s4] =	ssyncset.done $0x0  }
0x121: {  	s10 =	rddreg [dreg:$0x6];
	[sflag:s4] =	ssyncadd.s32 $0xFFFFC000  }
0x122: {  	[hbm4b:s10+s6] =	stream.strided.scatter [tilespmem:s5], [sflag:$0x2], $0x4000, s9, s6, $0x38;
	[tilespmem:$0xB400] =	vst v63  }
0x123: {  	_ =	swait.ge [sflag:s7], $0x4000  }
0x124: {  	s10 =	sld [smem:$0x7FB]  }
0x125: {  	[sflag:s7] =	ssyncset.done $0x0  }
0x126: {  	[sflag:s7] =	ssyncadd.s32 $0xFFFFC000  }
0x127: {  	[tilespmem:s5], [sflag:$0x1] =	stream.indirect.gather [hbm4b:s2+s8], $0x20, s10, s8, $0xb8;
	[tilespmem:$0xB400] =	vst v63  }
0x128: {  	_ =	swait.ge [sflag:s4], $0x4000  }
0x129: {  	[sflag:s4] =	ssyncset.done $0x0  }
0x12a: {  	s10 =	rddreg [dreg:$0x7];
	[sflag:s4] =	ssyncadd.s32 $0xFFFFC000  }
0x12b: {  	[hbm4b:s10+s6] =	stream.strided.scatter [tilespmem:s3], [sflag:$0x2], $0x4000, s9, s6, $0x38;
	[tilespmem:$0xB400] =	vst v63  }
0x12c: {  	_ =	swait.ge [sflag:s7], $0x4000  }
0x12d: {  	s10 =	sld [smem:$0x7FC]  }
0x12e: {  	[sflag:s7] =	ssyncset.done $0x0  }
0x12f: {  	[sflag:s7] =	ssyncadd.s32 $0xFFFFC000  }
0x130: {  	[tilespmem:s3], [sflag:$0x1] =	stream.indirect.gather [hbm4b:s2+s8], $0x20, s10, s8, $0xb8;
	[tilespmem:$0xB400] =	vst v63  }
0x131: {  	_ =	swait.ge [sflag:s4], $0x4000  }
0x132: {  	[sflag:s4] =	ssyncset.done $0x0  }
0x133: {  	s10 =	rddreg [dreg:$0x8];
	[sflag:s4] =	ssyncadd.s32 $0xFFFFC000  }
0x134: {  	[hbm4b:s10+s6] =	stream.strided.scatter [tilespmem:s5], [sflag:$0x2], $0x4000, s9, s6, $0x38;
	[tilespmem:$0xB400] =	vst v63  }
0x135: {  	_ =	swait.ge [sflag:s7], $0x4000  }
0x136: {  	s10 =	sld [smem:$0x7FD]  }
0x137: {  	[sflag:s7] =	ssyncset.done $0x0  }
0x138: {  	[sflag:s7] =	ssyncadd.s32 $0xFFFFC000  }
0x139: {  	[tilespmem:s5], [sflag:$0x1] =	stream.indirect.gather [hbm4b:s2+s8], $0x20, s10, s8, $0xb8;
	[tilespmem:$0xB400] =	vst v63  }
0x13a: {  	_ =	swait.ge [sflag:s4], $0x4000  }
0x13b: {  	[sflag:s4] =	ssyncset.done $0x0  }
0x13c: {  	s10 =	rddreg [dreg:$0x9];
	[sflag:s4] =	ssyncadd.s32 $0xFFFFC000  }
0x13d: {  	[hbm4b:s10+s6] =	stream.strided.scatter [tilespmem:s3], [sflag:$0x2], $0x4000, s9, s6, $0x38;
	[tilespmem:$0xB400] =	vst v63  }
0x13e: {  	_ =	swait.ge [sflag:s7], $0x4000  }
0x13f: {  	[sflag:s7] =	ssyncset.done $0x0  }
0x140: {  	s10 =	simm.s32 $0xE00;
	[sflag:s7] =	ssyncadd.s32 $0xFFFFC000  }
0x141: {  	[tilespmem:s3], [sflag:$0x1] =	stream.indirect.gather [hbm4b:s2+s8], $0x20, s10, s8, $0xb8;
	[tilespmem:$0xB400] =	vst v63  }
0x142: {  	_ =	swait.ge [sflag:s4], $0x4000  }
0x143: {  	[sflag:s4] =	ssyncset.done $0x0  }
0x144: {  	s10 =	rddreg [dreg:$0xa];
	[sflag:s4] =	ssyncadd.s32 $0xFFFFC000  }
0x145: {  	[hbm4b:s10+s6] =	stream.strided.scatter [tilespmem:s5], [sflag:$0x2], $0x4000, s9, s6, $0x38;
	[tilespmem:$0xB400] =	vst v63  }
0x146: {  	_ =	swait.ge [sflag:s7], $0x4000  }
0x147: {  	[sflag:s7] =	ssyncset.done $0x0  }
0x148: {  	[sflag:s7] =	ssyncadd.s32 $0xFFFFC000  }
0x149: {  	[tilespmem:s5], [sflag:$0x1] =	stream.indirect.gather [hbm4b:s2+s8], $0x20, s30, s8, $0xb8;
	[tilespmem:$0xB400] =	vst v63  }
0x14a: {  	_ =	swait.ge [sflag:s4], $0x4000  }
0x14b: {  	[sflag:s4] =	ssyncset.done $0x0  }
0x14c: {  	s10 =	rddreg [dreg:$0xb];
	[sflag:s4] =	ssyncadd.s32 $0xFFFFC000  }
0x14d: {  	[hbm4b:s10+s6] =	stream.strided.scatter [tilespmem:s3], [sflag:$0x2], $0x4000, s9, s6, $0x38;
	[tilespmem:$0xB400] =	vst v63  }
0x14e: {  	_ =	swait.ge [sflag:s7], $0x4000  }
0x14f: {  	[sflag:s7] =	ssyncset.done $0x0  }
0x150: {  	[sflag:s7] =	ssyncadd.s32 $0xFFFFC000  }
0x151: {  	[tilespmem:s3], [sflag:$0x1] =	stream.indirect.gather [hbm4b:s2+s8], $0x20, s29, s8, $0xb8;
	[tilespmem:$0xB400] =	vst v63  }
0x152: {  	_ =	swait.ge [sflag:s4], $0x4000  }
0x153: {  	[sflag:s4] =	ssyncset.done $0x0  }
0x154: {  	s10 =	rddreg [dreg:$0xc];
	[sflag:s4] =	ssyncadd.s32 $0xFFFFC000  }
0x155: {  	[hbm4b:s10+s6] =	stream.strided.scatter [tilespmem:s5], [sflag:$0x2], $0x4000, s9, s6, $0x38;
	[tilespmem:$0xB400] =	vst v63  }
0x156: {  	_ =	swait.ge [sflag:s7], $0x4000  }
0x157: {  	[sflag:s7] =	ssyncset.done $0x0  }
0x158: {  	[sflag:s7] =	ssyncadd.s32 $0xFFFFC000  }
0x159: {  	[tilespmem:s5], [sflag:$0x1] =	stream.indirect.gather [hbm4b:s2+s8], $0x20, s28, s8, $0xb8;
	[tilespmem:$0xB400] =	vst v63  }
0x15a: {  	_ =	swait.ge [sflag:s4], $0x4000  }
0x15b: {  	[sflag:s4] =	ssyncset.done $0x0  }
0x15c: {  	s10 =	rddreg [dreg:$0xd];
	[sflag:s4] =	ssyncadd.s32 $0xFFFFC000  }
0x15d: {  	[hbm4b:s10+s6] =	stream.strided.scatter [tilespmem:s3], [sflag:$0x2], $0x4000, s9, s6, $0x38;
	[tilespmem:$0xB400] =	vst v63  }
0x15e: {  	_ =	swait.ge [sflag:s7], $0x4000  }
0x15f: {  	[sflag:s7] =	ssyncset.done $0x0  }
0x160: {  	[sflag:s7] =	ssyncadd.s32 $0xFFFFC000  }
0x161: {  	[tilespmem:s3], [sflag:$0x1] =	stream.indirect.gather [hbm4b:s2+s8], $0x20, s26, s8, $0xb8;
	[tilespmem:$0xB400] =	vst v63  }
0x162: {  	_ =	swait.ge [sflag:s4], $0x4000  }
0x163: {  	[sflag:s4] =	ssyncset.done $0x0  }
0x164: {  	s10 =	rddreg [dreg:$0xe];
	[sflag:s4] =	ssyncadd.s32 $0xFFFFC000  }
0x165: {  	[hbm4b:s10+s6] =	stream.strided.scatter [tilespmem:s5], [sflag:$0x2], $0x4000, s9, s6, $0x38;
	[tilespmem:$0xB400] =	vst v63  }
0x166: {  	_ =	swait.ge [sflag:s7], $0x4000  }
0x167: {  	[sflag:s7] =	ssyncset.done $0x0  }
0x168: {  	[sflag:s7] =	ssyncadd.s32 $0xFFFFC000  }
0x169: {  	[tilespmem:s5], [sflag:$0x1] =	stream.indirect.gather [hbm4b:s2+s8], $0x20, s24, s8, $0xb8;
	[tilespmem:$0xB400] =	vst v63  }
0x16a: {  	_ =	swait.ge [sflag:s4], $0x4000  }
0x16b: {  	[sflag:s4] =	ssyncset.done $0x0  }
0x16c: {  	s10 =	rddreg [dreg:$0xf];
	[sflag:s4] =	ssyncadd.s32 $0xFFFFC000  }
0x16d: {  	[hbm4b:s10+s6] =	stream.strided.scatter [tilespmem:s3], [sflag:$0x2], $0x4000, s9, s6, $0x38;
	[tilespmem:$0xB400] =	vst v63  }
0x16e: {  	_ =	swait.ge [sflag:s7], $0x4000  }
0x16f: {  	[sflag:s7] =	ssyncset.done $0x0  }
0x170: {  	[sflag:s7] =	ssyncadd.s32 $0xFFFFC000  }
0x171: {  	[tilespmem:s3], [sflag:$0x1] =	stream.indirect.gather [hbm4b:s2+s8], $0x20, s23, s8, $0xb8;
	[tilespmem:$0xB400] =	vst v63  }
0x172: {  	_ =	swait.ge [sflag:s4], $0x4000  }
0x173: {  	[sflag:s4] =	ssyncset.done $0x0  }
0x174: {  	s10 =	rddreg [dreg:$0x10];
	[sflag:s4] =	ssyncadd.s32 $0xFFFFC000  }
0x175: {  	[hbm4b:s10+s6] =	stream.strided.scatter [tilespmem:s5], [sflag:$0x2], $0x4000, s9, s6, $0x38;
	[tilespmem:$0xB400] =	vst v63  }
0x176: {  	_ =	swait.ge [sflag:s7], $0x4000  }
0x177: {  	[sflag:s7] =	ssyncset.done $0x0  }
0x178: {  	[sflag:s7] =	ssyncadd.s32 $0xFFFFC000  }
0x179: {  	[tilespmem:s5], [sflag:$0x1] =	stream.indirect.gather [hbm4b:s2+s8], $0x20, s22, s8, $0xb8;
	[tilespmem:$0xB400] =	vst v63  }
0x17a: {  	_ =	swait.ge [sflag:s4], $0x4000  }
0x17b: {  	[sflag:s4] =	ssyncset.done $0x0  }
0x17c: {  	s10 =	rddreg [dreg:$0x11];
	[sflag:s4] =	ssyncadd.s32 $0xFFFFC000  }
0x17d: {  	[hbm4b:s10+s6] =	stream.strided.scatter [tilespmem:s3], [sflag:$0x2], $0x4000, s9, s6, $0x38;
	[tilespmem:$0xB400] =	vst v63  }
0x17e: {  	_ =	swait.ge [sflag:s7], $0x4000  }
0x17f: {  	[sflag:s7] =	ssyncset.done $0x0  }
0x180: {  	[sflag:s7] =	ssyncadd.s32 $0xFFFFC000  }
0x181: {  	[tilespmem:s3], [sflag:$0x1] =	stream.indirect.gather [hbm4b:s2+s8], $0x20, s21, s8, $0xb8;
	[tilespmem:$0xB400] =	vst v63  }
0x182: {  	_ =	swait.ge [sflag:s4], $0x4000  }
0x183: {  	[sflag:s4] =	ssyncset.done $0x0  }
0x184: {  	s10 =	rddreg [dreg:$0x12];
	[sflag:s4] =	ssyncadd.s32 $0xFFFFC000  }
0x185: {  	[hbm4b:s10+s6] =	stream.strided.scatter [tilespmem:s5], [sflag:$0x2], $0x4000, s9, s6, $0x38;
	[tilespmem:$0xB400] =	vst v63  }
0x186: {  	_ =	swait.ge [sflag:s7], $0x4000  }
0x187: {  	[sflag:s7] =	ssyncset.done $0x0  }
0x188: {  	[sflag:s7] =	ssyncadd.s32 $0xFFFFC000  }
0x189: {  	[tilespmem:s5], [sflag:$0x1] =	stream.indirect.gather [hbm4b:s2+s8], $0x20, s20, s8, $0xb8;
	[tilespmem:$0xB400] =	vst v63  }
0x18a: {  	_ =	swait.ge [sflag:s4], $0x4000  }
0x18b: {  	[sflag:s4] =	ssyncset.done $0x0  }
0x18c: {  	s10 =	rddreg [dreg:$0x13];
	[sflag:s4] =	ssyncadd.s32 $0xFFFFC000  }
0x18d: {  	[hbm4b:s10+s6] =	stream.strided.scatter [tilespmem:s3], [sflag:$0x2], $0x4000, s9, s6, $0x38;
	[tilespmem:$0xB400] =	vst v63  }
0x18e: {  	_ =	swait.ge [sflag:s7], $0x4000  }
0x18f: {  	[sflag:s7] =	ssyncset.done $0x0  }
0x190: {  	[sflag:s7] =	ssyncadd.s32 $0xFFFFC000  }
0x191: {  	[tilespmem:s3], [sflag:$0x1] =	stream.indirect.gather [hbm4b:s2+s8], $0x20, s19, s8, $0xb8;
	[tilespmem:$0xB400] =	vst v63  }
0x192: {  	_ =	swait.ge [sflag:s4], $0x4000  }
0x193: {  	[sflag:s4] =	ssyncset.done $0x0  }
0x194: {  	s10 =	rddreg [dreg:$0x14];
	[sflag:s4] =	ssyncadd.s32 $0xFFFFC000  }
0x195: {  	[hbm4b:s10+s6] =	stream.strided.scatter [tilespmem:s5], [sflag:$0x2], $0x4000, s9, s6, $0x38;
	[tilespmem:$0xB400] =	vst v63  }
0x196: {  	_ =	swait.ge [sflag:s7], $0x4000  }
0x197: {  	[sflag:s7] =	ssyncset.done $0x0  }
0x198: {  	[sflag:s7] =	ssyncadd.s32 $0xFFFFC000  }
0x199: {  	[tilespmem:s5], [sflag:$0x1] =	stream.indirect.gather [hbm4b:s2+s8], $0x20, s18, s8, $0xb8;
	[tilespmem:$0xB400] =	vst v63  }
0x19a: {  	_ =	swait.ge [sflag:s4], $0x4000  }
0x19b: {  	[sflag:s4] =	ssyncset.done $0x0  }
0x19c: {  	s10 =	rddreg [dreg:$0x15];
	[sflag:s4] =	ssyncadd.s32 $0xFFFFC000  }
0x19d: {  	[hbm4b:s10+s6] =	stream.strided.scatter [tilespmem:s3], [sflag:$0x2], $0x4000, s9, s6, $0x38;
	[tilespmem:$0xB400] =	vst v63  }
0x19e: {  	_ =	swait.ge [sflag:s7], $0x4000  }
0x19f: {  	[sflag:s7] =	ssyncset.done $0x0  }
0x1a0: {  	[sflag:s7] =	ssyncadd.s32 $0xFFFFC000  }
0x1a1: {  	[tilespmem:s3], [sflag:$0x1] =	stream.indirect.gather [hbm4b:s2+s8], $0x20, s17, s8, $0xb8;
	[tilespmem:$0xB400] =	vst v63  }
0x1a2: {  	_ =	swait.ge [sflag:s4], $0x4000  }
0x1a3: {  	[sflag:s4] =	ssyncset.done $0x0  }
0x1a4: {  	s10 =	rddreg [dreg:$0x16];
	[sflag:s4] =	ssyncadd.s32 $0xFFFFC000  }
0x1a5: {  	[hbm4b:s10+s6] =	stream.strided.scatter [tilespmem:s5], [sflag:$0x2], $0x4000, s9, s6, $0x38;
	[tilespmem:$0xB400] =	vst v63  }
0x1a6: {  	_ =	swait.ge [sflag:s7], $0x4000  }
0x1a7: {  	[sflag:s7] =	ssyncset.done $0x0  }
0x1a8: {  	[sflag:s7] =	ssyncadd.s32 $0xFFFFC000  }
0x1a9: {  	[tilespmem:s5], [sflag:$0x1] =	stream.indirect.gather [hbm4b:s2+s8], $0x20, s16, s8, $0xb8;
	[tilespmem:$0xB400] =	vst v63  }
0x1aa: {  	_ =	swait.ge [sflag:s4], $0x4000  }
0x1ab: {  	[sflag:s4] =	ssyncset.done $0x0  }
0x1ac: {  	s10 =	rddreg [dreg:$0x17];
	[sflag:s4] =	ssyncadd.s32 $0xFFFFC000  }
0x1ad: {  	[hbm4b:s10+s6] =	stream.strided.scatter [tilespmem:s3], [sflag:$0x2], $0x4000, s9, s6, $0x38;
	[tilespmem:$0xB400] =	vst v63  }
0x1ae: {  	_ =	swait.ge [sflag:s7], $0x4000  }
0x1af: {  	[sflag:s7] =	ssyncset.done $0x0  }
0x1b0: {  	[sflag:s7] =	ssyncadd.s32 $0xFFFFC000  }
0x1b1: {  	[tilespmem:s3], [sflag:$0x1] =	stream.indirect.gather [hbm4b:s2+s8], $0x20, s15, s8, $0xb8;
	[tilespmem:$0xB400] =	vst v63  }
0x1b2: {  	_ =	swait.ge [sflag:s4], $0x4000  }
0x1b3: {  	[sflag:s4] =	ssyncset.done $0x0  }
0x1b4: {  	s10 =	rddreg [dreg:$0x18];
	[sflag:s4] =	ssyncadd.s32 $0xFFFFC000  }
0x1b5: {  	[hbm4b:s10+s6] =	stream.strided.scatter [tilespmem:s5], [sflag:$0x2], $0x4000, s9, s6, $0x38;
	[tilespmem:$0xB400] =	vst v63  }
0x1b6: {  	_ =	swait.ge [sflag:s7], $0x4000  }
0x1b7: {  	[sflag:s7] =	ssyncset.done $0x0  }
0x1b8: {  	[sflag:s7] =	ssyncadd.s32 $0xFFFFC000  }
0x1b9: {  	[tilespmem:s5], [sflag:$0x1] =	stream.indirect.gather [hbm4b:s2+s8], $0x20, s14, s8, $0xb8;
	[tilespmem:$0xB400] =	vst v63  }
0x1ba: {  	_ =	swait.ge [sflag:s4], $0x4000  }
0x1bb: {  	[sflag:s4] =	ssyncset.done $0x0  }
0x1bc: {  	s10 =	rddreg [dreg:$0x19];
	[sflag:s4] =	ssyncadd.s32 $0xFFFFC000  }
0x1bd: {  	[hbm4b:s10+s6] =	stream.strided.scatter [tilespmem:s3], [sflag:$0x2], $0x4000, s9, s6, $0x38;
	[tilespmem:$0xB400] =	vst v63  }
0x1be: {  	_ =	swait.ge [sflag:s7], $0x4000  }
0x1bf: {  	[sflag:s7] =	ssyncset.done $0x0  }
0x1c0: {  	[sflag:s7] =	ssyncadd.s32 $0xFFFFC000  }
0x1c1: {  	[tilespmem:s3], [sflag:$0x1] =	stream.indirect.gather [hbm4b:s2+s8], $0x20, s13, s8, $0xb8;
	[tilespmem:$0xB400] =	vst v63  }
0x1c2: {  	_ =	swait.ge [sflag:s4], $0x4000  }
0x1c3: {  	[sflag:s4] =	ssyncset.done $0x0  }
0x1c4: {  	s10 =	rddreg [dreg:$0x1a];
	[sflag:s4] =	ssyncadd.s32 $0xFFFFC000  }
0x1c5: {  	[hbm4b:s10+s6] =	stream.strided.scatter [tilespmem:s5], [sflag:$0x2], $0x4000, s9, s6, $0x38;
	[tilespmem:$0xB400] =	vst v63  }
0x1c6: {  	_ =	swait.ge [sflag:s7], $0x4000  }
0x1c7: {  	[sflag:s7] =	ssyncset.done $0x0  }
0x1c8: {  	[sflag:s7] =	ssyncadd.s32 $0xFFFFC000  }
0x1c9: {  	[tilespmem:s5], [sflag:$0x1] =	stream.indirect.gather [hbm4b:s2+s8], $0x20, s12, s8, $0xb8;
	[tilespmem:$0xB400] =	vst v63  }
0x1ca: {  	_ =	swait.ge [sflag:s4], $0x4000  }
0x1cb: {  	[sflag:s4] =	ssyncset.done $0x0  }
0x1cc: {  	s10 =	rddreg [dreg:$0x1b];
	[sflag:s4] =	ssyncadd.s32 $0xFFFFC000  }
0x1cd: {  	[hbm4b:s10+s6] =	stream.strided.scatter [tilespmem:s3], [sflag:$0x2], $0x4000, s9, s6, $0x38;
	[tilespmem:$0xB400] =	vst v63  }
0x1ce: {  	_ =	swait.ge [sflag:s7], $0x4000  }
0x1cf: {  	[sflag:s7] =	ssyncset.done $0x0  }
0x1d0: {  	[sflag:s7] =	ssyncadd.s32 $0xFFFFC000  }
0x1d1: {  	[tilespmem:s3], [sflag:$0x1] =	stream.indirect.gather [hbm4b:s2+s8], $0x20, s11, s8, $0xb8;
	[tilespmem:$0xB400] =	vst v63  }
0x1d2: {  	_ =	swait.ge [sflag:s4], $0x4000  }
0x1d3: {  	[sflag:s4] =	ssyncset.done $0x0  }
0x1d4: {  	s10 =	rddreg [dreg:$0x1c];
	[sflag:s4] =	ssyncadd.s32 $0xFFFFC000  }
0x1d5: {  	[hbm4b:s10+s6] =	stream.strided.scatter [tilespmem:s5], [sflag:$0x2], $0x4000, s9, s6, $0x38;
	[tilespmem:$0xB400] =	vst v63  }
0x1d6: {  	_ =	swait.ge [sflag:s4], $0x4000  }
0x1d7: {  	[sflag:s4] =	ssyncset.done $0x0  }
0x1d8: {  	p1 =	sne.s32 s1, $0x1;
	s10 =	rddreg [dreg:$0x1d];
	[sflag:s4] =	ssyncadd.s32 $0xFFFFC000  }
0x1d9: {  	[hbm4b:s10+s6] =	stream.strided.scatter [tilespmem:s3], [sflag:$0x2], $0x4000, s9, s6, $0x38;
	[tilespmem:$0xB400] =	vst v63  }
.Ltmp2:
0x1da: {  	_ =	swait.ge [sflag:s7], $0x4000;
	(pc) =	sbr.rel @p1 .LBB2_4-.Ltmp2, $4  }
0x1db: {  	[sflag:s7] =	ssyncset.done $0x0  }
0x1dc: {  	[sflag:s7] =	ssyncadd.s32 $0xFFFFC000  }
0x1dd: {  	_ =	swait.ge [sflag:s7], $0x4000  }
0x1de: {  	s1 =	sadd.s32 $0xFFFFFFFF, s1;
	s0 =	rddreg [dreg:$0x3];
	[sflag:s7] =	ssyncset.done $0x0  }
0x1df: {  	s11 =	simm.s32 $0xE00  }
0x1e0: {  	s30 =	simm.s32 $0x1000;
	s29 =	simm.s32 $0x1200;
	s28 =	simm.s32 $0x1400  }
0x1e1: {  	s26 =	simm.s32 $0x1600;
	s24 =	simm.s32 $0x1800;
	s23 =	simm.s32 $0x1A00  }
0x1e2: {  	s22 =	simm.s32 $0x1C00;
	s21 =	simm.s32 $0x1E00;
	s20 =	simm.s32 $0x2000  }
0x1e3: {  	s19 =	simm.s32 $0x2200;
	s18 =	simm.s32 $0x2400;
	s17 =	simm.s32 $0x2600  }
0x1e4: {  	s16 =	simm.s32 $0x2800;
	s15 =	simm.s32 $0x2A00;
	s14 =	simm.s32 $0x2C00  }
0x1e5: {  	s13 =	simm.s32 $0x2E00;
	s12 =	simm.s32 $0x3000;
	s10 =	stileid.u32  }
.LBB2_6:
0x1e6: {  	s1 =	rddreg [dreg:$0x1e];
	[sflag:s7] =	ssyncadd.s32 @p0 $0xFFFFC000  }
0x1e7: {  	[tilespmem:s25], [sflag:$0x3] =	stream.strided.gather [hbm4b:s0+s8], $0x3400, s1, s8, $0x38;
	[tilespmem:$0xB400] =	vst v63  }
0x1e8: {  	_ =	swait.ge [sflag:s31], $0x3400  }
0x1e9: {  	[sflag:s31] =	ssyncset.done $0x0  }
0x1ea: {  	[sflag:s31] =	ssyncadd.s32 $0xFFFFCC00  }
0x1eb: {  	[tilespmem:s5], [sflag:$0x1] =	stream.indirect.gather [hbm4b:s2+s8], $0x20, s25, s8, $0xb8;
	[tilespmem:$0xB400] =	vst v63  }
0x1ec: {  	_ = 	snop  }
0x1ed: {  	[tilespmem:s3], [sflag:$0x1] =	stream.indirect.gather [hbm4b:s2+s8], $0x20, s8, s8, $0xb8;
	[tilespmem:$0xB400] =	vst v63  }
0x1ee: {  	_ =	swait.ge [sflag:s4], $0x4000  }
0x1ef: {  	[sflag:s4] =	ssyncset.done $0x0  }
0x1f0: {  	s1 =	rddreg [dreg:$0x4];
	[sflag:s4] =	ssyncadd.s32 $0xFFFFC000  }
0x1f1: {  	[hbm4b:s1+s6] =	stream.strided.scatter [tilespmem:s5], [sflag:$0x2], $0x4000, s9, s6, $0x38;
	[tilespmem:$0xB400] =	vst v63  }
0x1f2: {  	_ =	swait.ge [sflag:s7], $0x4000  }
0x1f3: {  	[sflag:s7] =	ssyncset.done $0x0  }
0x1f4: {  	s25 =	rddreg [dreg:$0x1f];
	[sflag:s7] =	ssyncadd.s32 $0xFFFFC000  }
0x1f5: {  	[tilespmem:s5], [sflag:$0x1] =	stream.indirect.gather [hbm4b:s2+s8], $0x20, s25, s8, $0xb8;
	[tilespmem:$0xB400] =	vst v63  }
0x1f6: {  	_ =	swait.ge [sflag:s4], $0x4000  }
0x1f7: {  	[sflag:s4] =	ssyncset.done $0x0  }
0x1f8: {  	s31 =	rddreg [dreg:$0x5];
	[sflag:s4] =	ssyncadd.s32 $0xFFFFC000  }
0x1f9: {  	[hbm4b:s31+s6] =	stream.strided.scatter [tilespmem:s3], [sflag:$0x2], $0x4000, s9, s6, $0x38;
	[tilespmem:$0xB400] =	vst v63  }
0x1fa: {  	_ =	swait.ge [sflag:s7], $0x4000  }
0x1fb: {  	s1 =	sld [smem:$0x7FA]  }
0x1fc: {  	[sflag:s7] =	ssyncset.done $0x0  }
0x1fd: {  	[sflag:s7] =	ssyncadd.s32 $0xFFFFC000  }
0x1fe: {  	[tilespmem:s3], [sflag:$0x1] =	stream.indirect.gather [hbm4b:s2+s8], $0x20, s1, s8, $0xb8;
	[tilespmem:$0xB400] =	vst v63  }
0x1ff: {  	_ =	swait.ge [sflag:s4], $0x4000  }
0x200: {  	[sflag:s4] =	ssyncset.done $0x0  }
0x201: {  	s25 =	rddreg [dreg:$0x6];
	[sflag:s4] =	ssyncadd.s32 $0xFFFFC000  }
0x202: {  	[hbm4b:s25+s6] =	stream.strided.scatter [tilespmem:s5], [sflag:$0x2], $0x4000, s9, s6, $0x38;
	[tilespmem:$0xB400] =	vst v63  }
0x203: {  	_ =	swait.ge [sflag:s7], $0x4000  }
0x204: {  	s31 =	sld [smem:$0x7FB]  }
0x205: {  	[sflag:s7] =	ssyncset.done $0x0  }
0x206: {  	[sflag:s7] =	ssyncadd.s32 $0xFFFFC000  }
0x207: {  	[tilespmem:s5], [sflag:$0x1] =	stream.indirect.gather [hbm4b:s2+s8], $0x20, s31, s8, $0xb8;
	[tilespmem:$0xB400] =	vst v63  }
0x208: {  	_ =	swait.ge [sflag:s4], $0x4000  }
0x209: {  	[sflag:s4] =	ssyncset.done $0x0  }
0x20a: {  	s1 =	rddreg [dreg:$0x7];
	[sflag:s4] =	ssyncadd.s32 $0xFFFFC000  }
0x20b: {  	[hbm4b:s1+s6] =	stream.strided.scatter [tilespmem:s3], [sflag:$0x2], $0x4000, s9, s6, $0x38;
	[tilespmem:$0xB400] =	vst v63  }
0x20c: {  	_ =	swait.ge [sflag:s7], $0x4000  }
0x20d: {  	s25 =	sld [smem:$0x7FC]  }
0x20e: {  	[sflag:s7] =	ssyncset.done $0x0  }
0x20f: {  	[sflag:s7] =	ssyncadd.s32 $0xFFFFC000  }
0x210: {  	[tilespmem:s3], [sflag:$0x1] =	stream.indirect.gather [hbm4b:s2+s8], $0x20, s25, s8, $0xb8;
	[tilespmem:$0xB400] =	vst v63  }
0x211: {  	_ =	swait.ge [sflag:s4], $0x4000  }
0x212: {  	[sflag:s4] =	ssyncset.done $0x0  }
0x213: {  	s31 =	rddreg [dreg:$0x8];
	[sflag:s4] =	ssyncadd.s32 $0xFFFFC000  }
0x214: {  	[hbm4b:s31+s6] =	stream.strided.scatter [tilespmem:s5], [sflag:$0x2], $0x4000, s9, s6, $0x38;
	[tilespmem:$0xB400] =	vst v63  }
0x215: {  	_ =	swait.ge [sflag:s7], $0x4000  }
0x216: {  	s1 =	sld [smem:$0x7FD]  }
0x217: {  	[sflag:s7] =	ssyncset.done $0x0  }
0x218: {  	[sflag:s7] =	ssyncadd.s32 $0xFFFFC000  }
0x219: {  	[tilespmem:s5], [sflag:$0x1] =	stream.indirect.gather [hbm4b:s2+s8], $0x20, s1, s8, $0xb8;
	[tilespmem:$0xB400] =	vst v63  }
0x21a: {  	_ =	swait.ge [sflag:s4], $0x4000  }
0x21b: {  	[sflag:s4] =	ssyncset.done $0x0  }
0x21c: {  	s25 =	rddreg [dreg:$0x9];
	[sflag:s4] =	ssyncadd.s32 $0xFFFFC000  }
0x21d: {  	[hbm4b:s25+s6] =	stream.strided.scatter [tilespmem:s3], [sflag:$0x2], $0x4000, s9, s6, $0x38;
	[tilespmem:$0xB400] =	vst v63  }
0x21e: {  	_ =	swait.ge [sflag:s7], $0x4000  }
0x21f: {  	[sflag:s7] =	ssyncset.done $0x0  }
0x220: {  	[sflag:s7] =	ssyncadd.s32 $0xFFFFC000  }
0x221: {  	[tilespmem:s3], [sflag:$0x1] =	stream.indirect.gather [hbm4b:s2+s8], $0x20, s11, s8, $0xb8;
	[tilespmem:$0xB400] =	vst v63  }
0x222: {  	_ =	swait.ge [sflag:s4], $0x4000  }
0x223: {  	[sflag:s4] =	ssyncset.done $0x0  }
0x224: {  	s31 =	rddreg [dreg:$0xa];
	[sflag:s4] =	ssyncadd.s32 $0xFFFFC000  }
0x225: {  	[hbm4b:s31+s6] =	stream.strided.scatter [tilespmem:s5], [sflag:$0x2], $0x4000, s9, s6, $0x38;
	[tilespmem:$0xB400] =	vst v63  }
0x226: {  	_ =	swait.ge [sflag:s7], $0x4000  }
0x227: {  	[sflag:s7] =	ssyncset.done $0x0  }
0x228: {  	[sflag:s7] =	ssyncadd.s32 $0xFFFFC000  }
0x229: {  	[tilespmem:s5], [sflag:$0x1] =	stream.indirect.gather [hbm4b:s2+s8], $0x20, s30, s8, $0xb8;
	[tilespmem:$0xB400] =	vst v63  }
0x22a: {  	_ =	swait.ge [sflag:s4], $0x4000  }
0x22b: {  	[sflag:s4] =	ssyncset.done $0x0  }
0x22c: {  	s1 =	rddreg [dreg:$0xb];
	[sflag:s4] =	ssyncadd.s32 $0xFFFFC000  }
0x22d: {  	[hbm4b:s1+s6] =	stream.strided.scatter [tilespmem:s3], [sflag:$0x2], $0x4000, s9, s6, $0x38;
	[tilespmem:$0xB400] =	vst v63  }
0x22e: {  	_ =	swait.ge [sflag:s7], $0x4000  }
0x22f: {  	[sflag:s7] =	ssyncset.done $0x0  }
0x230: {  	[sflag:s7] =	ssyncadd.s32 $0xFFFFC000  }
0x231: {  	[tilespmem:s3], [sflag:$0x1] =	stream.indirect.gather [hbm4b:s2+s8], $0x20, s29, s8, $0xb8;
	[tilespmem:$0xB400] =	vst v63  }
0x232: {  	_ =	swait.ge [sflag:s4], $0x4000  }
0x233: {  	[sflag:s4] =	ssyncset.done $0x0  }
0x234: {  	s11 =	rddreg [dreg:$0xc];
	[sflag:s4] =	ssyncadd.s32 $0xFFFFC000  }
0x235: {  	[hbm4b:s11+s6] =	stream.strided.scatter [tilespmem:s5], [sflag:$0x2], $0x4000, s9, s6, $0x38;
	[tilespmem:$0xB400] =	vst v63  }
0x236: {  	_ =	swait.ge [sflag:s7], $0x4000  }
0x237: {  	[sflag:s7] =	ssyncset.done $0x0  }
0x238: {  	[sflag:s7] =	ssyncadd.s32 $0xFFFFC000  }
0x239: {  	[tilespmem:s5], [sflag:$0x1] =	stream.indirect.gather [hbm4b:s2+s8], $0x20, s28, s8, $0xb8;
	[tilespmem:$0xB400] =	vst v63  }
0x23a: {  	_ =	swait.ge [sflag:s4], $0x4000  }
0x23b: {  	[sflag:s4] =	ssyncset.done $0x0  }
0x23c: {  	s25 =	rddreg [dreg:$0xd];
	[sflag:s4] =	ssyncadd.s32 $0xFFFFC000  }
0x23d: {  	[hbm4b:s25+s6] =	stream.strided.scatter [tilespmem:s3], [sflag:$0x2], $0x4000, s9, s6, $0x38;
	[tilespmem:$0xB400] =	vst v63  }
0x23e: {  	_ =	swait.ge [sflag:s7], $0x4000  }
0x23f: {  	[sflag:s7] =	ssyncset.done $0x0  }
0x240: {  	[sflag:s7] =	ssyncadd.s32 $0xFFFFC000  }
0x241: {  	[tilespmem:s3], [sflag:$0x1] =	stream.indirect.gather [hbm4b:s2+s8], $0x20, s26, s8, $0xb8;
	[tilespmem:$0xB400] =	vst v63  }
0x242: {  	_ =	swait.ge [sflag:s4], $0x4000  }
0x243: {  	[sflag:s4] =	ssyncset.done $0x0  }
0x244: {  	s28 =	rddreg [dreg:$0xe];
	[sflag:s4] =	ssyncadd.s32 $0xFFFFC000  }
0x245: {  	[hbm4b:s28+s6] =	stream.strided.scatter [tilespmem:s5], [sflag:$0x2], $0x4000, s9, s6, $0x38;
	[tilespmem:$0xB400] =	vst v63  }
0x246: {  	_ =	swait.ge [sflag:s7], $0x4000  }
0x247: {  	[sflag:s7] =	ssyncset.done $0x0  }
0x248: {  	[sflag:s7] =	ssyncadd.s32 $0xFFFFC000  }
0x249: {  	[tilespmem:s5], [sflag:$0x1] =	stream.indirect.gather [hbm4b:s2+s8], $0x20, s24, s8, $0xb8;
	[tilespmem:$0xB400] =	vst v63  }
0x24a: {  	_ =	swait.ge [sflag:s4], $0x4000  }
0x24b: {  	[sflag:s4] =	ssyncset.done $0x0  }
0x24c: {  	s29 =	rddreg [dreg:$0xf];
	[sflag:s4] =	ssyncadd.s32 $0xFFFFC000  }
0x24d: {  	[hbm4b:s29+s6] =	stream.strided.scatter [tilespmem:s3], [sflag:$0x2], $0x4000, s9, s6, $0x38;
	[tilespmem:$0xB400] =	vst v63  }
0x24e: {  	_ =	swait.ge [sflag:s7], $0x4000  }
0x24f: {  	[sflag:s7] =	ssyncset.done $0x0  }
0x250: {  	[sflag:s7] =	ssyncadd.s32 $0xFFFFC000  }
0x251: {  	[tilespmem:s3], [sflag:$0x1] =	stream.indirect.gather [hbm4b:s2+s8], $0x20, s23, s8, $0xb8;
	[tilespmem:$0xB400] =	vst v63  }
0x252: {  	_ =	swait.ge [sflag:s4], $0x4000  }
0x253: {  	[sflag:s4] =	ssyncset.done $0x0  }
0x254: {  	s30 =	rddreg [dreg:$0x10];
	[sflag:s4] =	ssyncadd.s32 $0xFFFFC000  }
0x255: {  	[hbm4b:s30+s6] =	stream.strided.scatter [tilespmem:s5], [sflag:$0x2], $0x4000, s9, s6, $0x38;
	[tilespmem:$0xB400] =	vst v63  }
0x256: {  	_ =	swait.ge [sflag:s7], $0x4000  }
0x257: {  	[sflag:s7] =	ssyncset.done $0x0  }
0x258: {  	[sflag:s7] =	ssyncadd.s32 $0xFFFFC000  }
0x259: {  	[tilespmem:s5], [sflag:$0x1] =	stream.indirect.gather [hbm4b:s2+s8], $0x20, s22, s8, $0xb8;
	[tilespmem:$0xB400] =	vst v63  }
0x25a: {  	_ =	swait.ge [sflag:s4], $0x4000  }
0x25b: {  	[sflag:s4] =	ssyncset.done $0x0  }
0x25c: {  	s31 =	rddreg [dreg:$0x11];
	[sflag:s4] =	ssyncadd.s32 $0xFFFFC000  }
0x25d: {  	[hbm4b:s31+s6] =	stream.strided.scatter [tilespmem:s3], [sflag:$0x2], $0x4000, s9, s6, $0x38;
	[tilespmem:$0xB400] =	vst v63  }
0x25e: {  	_ =	swait.ge [sflag:s7], $0x4000  }
0x25f: {  	[sflag:s7] =	ssyncset.done $0x0  }
0x260: {  	[sflag:s7] =	ssyncadd.s32 $0xFFFFC000  }
0x261: {  	[tilespmem:s3], [sflag:$0x1] =	stream.indirect.gather [hbm4b:s2+s8], $0x20, s21, s8, $0xb8;
	[tilespmem:$0xB400] =	vst v63  }
0x262: {  	_ =	swait.ge [sflag:s4], $0x4000  }
0x263: {  	[sflag:s4] =	ssyncset.done $0x0  }
0x264: {  	s1 =	rddreg [dreg:$0x12];
	[sflag:s4] =	ssyncadd.s32 $0xFFFFC000  }
0x265: {  	[hbm4b:s1+s6] =	stream.strided.scatter [tilespmem:s5], [sflag:$0x2], $0x4000, s9, s6, $0x38;
	[tilespmem:$0xB400] =	vst v63  }
0x266: {  	_ =	swait.ge [sflag:s7], $0x4000  }
0x267: {  	[sflag:s7] =	ssyncset.done $0x0  }
0x268: {  	[sflag:s7] =	ssyncadd.s32 $0xFFFFC000  }
0x269: {  	[tilespmem:s5], [sflag:$0x1] =	stream.indirect.gather [hbm4b:s2+s8], $0x20, s20, s8, $0xb8;
	[tilespmem:$0xB400] =	vst v63  }
0x26a: {  	_ =	swait.ge [sflag:s4], $0x4000  }
0x26b: {  	[sflag:s4] =	ssyncset.done $0x0  }
0x26c: {  	s11 =	rddreg [dreg:$0x13];
	[sflag:s4] =	ssyncadd.s32 $0xFFFFC000  }
0x26d: {  	[hbm4b:s11+s6] =	stream.strided.scatter [tilespmem:s3], [sflag:$0x2], $0x4000, s9, s6, $0x38;
	[tilespmem:$0xB400] =	vst v63  }
0x26e: {  	_ =	swait.ge [sflag:s7], $0x4000  }
0x26f: {  	[sflag:s7] =	ssyncset.done $0x0  }
0x270: {  	[sflag:s7] =	ssyncadd.s32 $0xFFFFC000  }
0x271: {  	[tilespmem:s3], [sflag:$0x1] =	stream.indirect.gather [hbm4b:s2+s8], $0x20, s19, s8, $0xb8;
	[tilespmem:$0xB400] =	vst v63  }
0x272: {  	_ =	swait.ge [sflag:s4], $0x4000  }
0x273: {  	[sflag:s4] =	ssyncset.done $0x0  }
0x274: {  	s20 =	rddreg [dreg:$0x14];
	[sflag:s4] =	ssyncadd.s32 $0xFFFFC000  }
0x275: {  	[hbm4b:s20+s6] =	stream.strided.scatter [tilespmem:s5], [sflag:$0x2], $0x4000, s9, s6, $0x38;
	[tilespmem:$0xB400] =	vst v63  }
0x276: {  	_ =	swait.ge [sflag:s7], $0x4000  }
0x277: {  	[sflag:s7] =	ssyncset.done $0x0  }
0x278: {  	[sflag:s7] =	ssyncadd.s32 $0xFFFFC000  }
0x279: {  	[tilespmem:s5], [sflag:$0x1] =	stream.indirect.gather [hbm4b:s2+s8], $0x20, s18, s8, $0xb8;
	[tilespmem:$0xB400] =	vst v63  }
0x27a: {  	_ =	swait.ge [sflag:s4], $0x4000  }
0x27b: {  	[sflag:s4] =	ssyncset.done $0x0  }
0x27c: {  	s21 =	rddreg [dreg:$0x15];
	[sflag:s4] =	ssyncadd.s32 $0xFFFFC000  }
0x27d: {  	[hbm4b:s21+s6] =	stream.strided.scatter [tilespmem:s3], [sflag:$0x2], $0x4000, s9, s6, $0x38;
	[tilespmem:$0xB400] =	vst v63  }
0x27e: {  	_ =	swait.ge [sflag:s7], $0x4000  }
0x27f: {  	[sflag:s7] =	ssyncset.done $0x0  }
0x280: {  	[sflag:s7] =	ssyncadd.s32 $0xFFFFC000  }
0x281: {  	[tilespmem:s3], [sflag:$0x1] =	stream.indirect.gather [hbm4b:s2+s8], $0x20, s17, s8, $0xb8;
	[tilespmem:$0xB400] =	vst v63  }
0x282: {  	_ =	swait.ge [sflag:s4], $0x4000  }
0x283: {  	[sflag:s4] =	ssyncset.done $0x0  }
0x284: {  	s22 =	rddreg [dreg:$0x16];
	[sflag:s4] =	ssyncadd.s32 $0xFFFFC000  }
0x285: {  	[hbm4b:s22+s6] =	stream.strided.scatter [tilespmem:s5], [sflag:$0x2], $0x4000, s9, s6, $0x38;
	[tilespmem:$0xB400] =	vst v63  }
0x286: {  	_ =	swait.ge [sflag:s7], $0x4000  }
0x287: {  	[sflag:s7] =	ssyncset.done $0x0  }
0x288: {  	[sflag:s7] =	ssyncadd.s32 $0xFFFFC000  }
0x289: {  	[tilespmem:s5], [sflag:$0x1] =	stream.indirect.gather [hbm4b:s2+s8], $0x20, s16, s8, $0xb8;
	[tilespmem:$0xB400] =	vst v63  }
0x28a: {  	_ =	swait.ge [sflag:s4], $0x4000  }
0x28b: {  	[sflag:s4] =	ssyncset.done $0x0  }
0x28c: {  	s23 =	rddreg [dreg:$0x17];
	[sflag:s4] =	ssyncadd.s32 $0xFFFFC000  }
0x28d: {  	[hbm4b:s23+s6] =	stream.strided.scatter [tilespmem:s3], [sflag:$0x2], $0x4000, s9, s6, $0x38;
	[tilespmem:$0xB400] =	vst v63  }
0x28e: {  	_ =	swait.ge [sflag:s7], $0x4000  }
0x28f: {  	[sflag:s7] =	ssyncset.done $0x0  }
0x290: {  	[sflag:s7] =	ssyncadd.s32 $0xFFFFC000  }
0x291: {  	[tilespmem:s3], [sflag:$0x1] =	stream.indirect.gather [hbm4b:s2+s8], $0x20, s15, s8, $0xb8;
	[tilespmem:$0xB400] =	vst v63  }
0x292: {  	_ =	swait.ge [sflag:s4], $0x4000  }
0x293: {  	[sflag:s4] =	ssyncset.done $0x0  }
0x294: {  	s24 =	rddreg [dreg:$0x18];
	[sflag:s4] =	ssyncadd.s32 $0xFFFFC000  }
0x295: {  	[hbm4b:s24+s6] =	stream.strided.scatter [tilespmem:s5], [sflag:$0x2], $0x4000, s9, s6, $0x38;
	[tilespmem:$0xB400] =	vst v63  }
0x296: {  	_ =	swait.ge [sflag:s7], $0x4000  }
0x297: {  	[sflag:s7] =	ssyncset.done $0x0  }
0x298: {  	[sflag:s7] =	ssyncadd.s32 $0xFFFFC000  }
0x299: {  	[tilespmem:s5], [sflag:$0x1] =	stream.indirect.gather [hbm4b:s2+s8], $0x20, s14, s8, $0xb8;
	[tilespmem:$0xB400] =	vst v63  }
0x29a: {  	_ =	swait.ge [sflag:s4], $0x4000  }
0x29b: {  	[sflag:s4] =	ssyncset.done $0x0  }
0x29c: {  	s25 =	rddreg [dreg:$0x19];
	[sflag:s4] =	ssyncadd.s32 $0xFFFFC000  }
0x29d: {  	[hbm4b:s25+s6] =	stream.strided.scatter [tilespmem:s3], [sflag:$0x2], $0x4000, s9, s6, $0x38;
	[tilespmem:$0xB400] =	vst v63  }
0x29e: {  	_ =	swait.ge [sflag:s7], $0x4000  }
0x29f: {  	[sflag:s7] =	ssyncset.done $0x0  }
0x2a0: {  	[sflag:s7] =	ssyncadd.s32 $0xFFFFC000  }
0x2a1: {  	[tilespmem:s3], [sflag:$0x1] =	stream.indirect.gather [hbm4b:s2+s8], $0x20, s13, s8, $0xb8;
	[tilespmem:$0xB400] =	vst v63  }
0x2a2: {  	_ =	swait.ge [sflag:s4], $0x4000  }
0x2a3: {  	[sflag:s4] =	ssyncset.done $0x0  }
0x2a4: {  	s26 =	rddreg [dreg:$0x1a];
	[sflag:s4] =	ssyncadd.s32 $0xFFFFC000  }
0x2a5: {  	[hbm4b:s26+s6] =	stream.strided.scatter [tilespmem:s5], [sflag:$0x2], $0x4000, s9, s6, $0x38;
	[tilespmem:$0xB400] =	vst v63  }
0x2a6: {  	_ =	swait.ge [sflag:s7], $0x4000  }
0x2a7: {  	[sflag:s7] =	ssyncset.done $0x0  }
0x2a8: {  	[sflag:s7] =	ssyncadd.s32 $0xFFFFC000  }
0x2a9: {  	[tilespmem:s5], [sflag:$0x1] =	stream.indirect.gather [hbm4b:s2+s8], $0x20, s12, s8, $0xb8;
	[tilespmem:$0xB400] =	vst v63  }
0x2aa: {  	_ =	swait.ge [sflag:s4], $0x4000  }
0x2ab: {  	[sflag:s4] =	ssyncset.done $0x0  }
0x2ac: {  	s28 =	rddreg [dreg:$0x1b];
	[sflag:s4] =	ssyncadd.s32 $0xFFFFC000  }
0x2ad: {  	[hbm4b:s28+s6] =	stream.strided.scatter [tilespmem:s3], [sflag:$0x2], $0x4000, s9, s6, $0x38;
	[tilespmem:$0xB400] =	vst v63  }
0x2ae: {  	_ =	swait.ge [sflag:s7], $0x4000  }
0x2af: {  	[sflag:s7] =	ssyncset.done $0x0  }
0x2b0: {  	s29 =	simm.s32 $0x3200;
	[sflag:s7] =	ssyncadd.s32 $0xFFFFC000  }
0x2b1: {  	[tilespmem:s3], [sflag:$0x1] =	stream.indirect.gather [hbm4b:s2+s8], $0x20, s29, s8, $0xb8;
	[tilespmem:$0xB400] =	vst v63  }
0x2b2: {  	_ =	swait.ge [sflag:s4], $0x4000  }
0x2b3: {  	[sflag:s4] =	ssyncset.done $0x0  }
0x2b4: {  	s30 =	rddreg [dreg:$0x1c];
	[sflag:s4] =	ssyncadd.s32 $0xFFFFC000  }
0x2b5: {  	[hbm4b:s30+s6] =	stream.strided.scatter [tilespmem:s5], [sflag:$0x2], $0x4000, s9, s6, $0x38;
	[tilespmem:$0xB400] =	vst v63  }
0x2b6: {  	_ =	swait.ge [sflag:s4], $0x4000  }
0x2b7: {  	[sflag:s4] =	ssyncset.done $0x0  }
0x2b8: {  	s31 =	rddreg [dreg:$0x1d];
	[sflag:s4] =	ssyncadd.s32 $0xFFFFC000  }
0x2b9: {  	[hbm4b:s31+s6] =	stream.strided.scatter [tilespmem:s3], [sflag:$0x2], $0x4000, s9, s6, $0x38;
	[tilespmem:$0xB400] =	vst v63  }
0x2ba: {  	_ =	swait.ge [sflag:s7], $0x4000  }
0x2bb: {  	[sflag:s7] =	ssyncset.done $0x0  }
0x2bc: {  	[sflag:s7] =	ssyncadd.s32 $0xFFFFC000  }
0x2bd: {  	_ =	swait.ge [sflag:s7], $0x4000  }
0x2be: {  	[sflag:s7] =	ssyncset.done $0x0  }
0x2bf: {  	[sflag:s7] =	ssyncadd.s32 $0xFFFFC000  }
0x2c0: {  	_ =	sfence.sel $0x180000  }
0x2c1: {  	[bflag:$0x0] =	sbarrier.arrive $0xFFFF  }
0x2c2: {  	_ =	strace $0x90000047  }
0x2c3: {  	[bflag:$0x2] =	sbarrier.arrive $0xFFFF  }
0x2c4: {  	p0 =	sne.s32 s10, $0x0;
	s0 =	rddreg [dreg:$0x2]  }
0x2c5: {  	s0 =	sadd.s32 @!p0 $0x100000, s0  }
0x2c6: {  	[sflag:s0] =	ssyncadd.tile.s32 @!p0 $0x1;
	_ =	shalt  }
.LBB2_1:
0x2c7: {  	s11 =	simm.s32 $0xE00  }
0x2c8: {  	s30 =	simm.s32 $0x1000;
	s29 =	simm.s32 $0x1200;
	s28 =	simm.s32 $0x1400  }
.Ltmp3:
0x2c9: {  	s26 =	simm.s32 $0x1600;
	s24 =	simm.s32 $0x1800;
	(pc) =	sbr.rel .LBB2_6-.Ltmp3, $4  }
0x2ca: {  	s23 =	simm.s32 $0x1A00;
	s22 =	simm.s32 $0x1C00;
	s21 =	simm.s32 $0x1E00  }
0x2cb: {  	s20 =	simm.s32 $0x2000;
	s19 =	simm.s32 $0x2200;
	s18 =	simm.s32 $0x2400  }
0x2cc: {  	s17 =	simm.s32 $0x2600;
	s16 =	simm.s32 $0x2800;
	s15 =	simm.s32 $0x2A00  }
0x2cd: {  	s14 =	simm.s32 $0x2C00;
	s13 =	simm.s32 $0x2E00;
	s12 =	simm.s32 $0x3000  }
.LBB2_3:
0x2ce: {  	s11 =	simm.s32 $0xE00;
	s30 =	simm.s32 $0x1000  }
0x2cf: {  	s29 =	simm.s32 $0x1200;
	s28 =	simm.s32 $0x1400;
	s26 =	simm.s32 $0x1600  }
.Ltmp4:
0x2d0: {  	s24 =	simm.s32 $0x1800;
	s23 =	simm.s32 $0x1A00;
	(pc) =	sbr.rel .LBB2_6-.Ltmp4, $4  }
0x2d1: {  	s22 =	simm.s32 $0x1C00;
	s21 =	simm.s32 $0x1E00;
	s20 =	simm.s32 $0x2000  }
0x2d2: {  	s19 =	simm.s32 $0x2200;
	s18 =	simm.s32 $0x2400;
	s17 =	simm.s32 $0x2600  }
0x2d3: {  	s16 =	simm.s32 $0x2800;
	s15 =	simm.s32 $0x2A00;
	s14 =	simm.s32 $0x2C00  }
0x2d4: {  	s13 =	simm.s32 $0x2E00;
	s12 =	simm.s32 $0x3000;
	s10 =	stileid.u32  }
.Lfunc_end2:
_tile_overlayer_lowered:
.L_overlay_start_2:
0x2d5: {  	(tag) =	ssettag $0x2  }
0x2d6: {  	s0 =	rddreg [dreg:$0x0];
	s2 =	stileid.u32  }
0x2d7: {  	s1 =	rddreg [dreg:$0x1];
	p0 =	sne.s32 s2, $0x0  }
0x2d8: {  	s3 =	rddreg [dreg:$0x2];
	[bflag:$0x3] =	sbarrier.arrive $0xFFFF;
	s2 =	simm.s32 @!p0 $0x1C03  }
0x2d9: {  	[timem:s3], [sflag:s2] =	dma.local @!p0 [hbm:s0], s1  }
0x2da: {  	s0 =	simm.s32 @!p0 $0x3  }
0x2db: {  	_ =	swait.ge @!p0 [sflag:s0], s1  }
0x2dc: {  	s1 =	ssub.s32 @!p0 $0x0, s1;
	[sflag:s0] =	ssyncset.done @!p0 $0x0  }
0x2dd: {  	[sflag:s0] =	ssyncadd.s32 @!p0 s1  }
0x2de: {  	[bflag:$0x3] =	sbarrier.arrive $0xFFFF  }
0x2df: {  	_ =	shalt  }

// kernel: sparse-core-data-format-call.cloned.1.call-start
scs
called_computation_lowered:
.L_overlay_start_0:
0x0: {  	s2 =	sld [smem:$0x3FD9]  }
0x1: {  	s3 =	sld [smem:$0x3FFE];
	_ =	sdelay $0x1  }
0x2: {  	s1 =	srdreg.scid  }
0x3: {  	s0 =	sand.u32 $0x1, s1  }
0x4: {  	s18 =	sshll.u32 s0, $0xA;
	s2 =	sadd.s32 s3, s2  }
0x5: {  	s2 =	sadd.s32 s2, s18  }
0x6: {  	[smem:$0x3FC6] =	sst s2  }
0x7: {  	_ = 	snop  }
0x8: {  	s2 =	sld [smem:$0x3FD0];
	(tm) =	ssettm $0x1  }
0x9: {  	s19 =	sld [smem:$0x3FFB];
	_ =	sdelay $0x3  }
0xa: {  	_ =	strace s19  }
0xb: {  	s3 =	sld [smem:$0x3FFC];
	_ =	sdelay $0x3  }
0xc: {  	_ =	strace s3  }
0xd: {  	s3 =	sld [smem:$0x3FFD];
	_ =	sdelay $0x3  }
0xe: {  	_ =	strace s3  }
0xf: {  	_ =	strace $0x8FFFFFFF  }
0x10: {  	s20 =	sld [smem:$0x3FDB];
	_ =	sdelay $0x1  }
0x11: {  	s4 =	simm.s32 $_scs_section_size  }
0x12: {  	s5 =	simm.s32 $_size__tile_overlayer_lowered;
	s6 =	simm.s32 $_tile_overlayer_lowered  }
0x13: {  	s23 =	simm.s32 $0x1BFF;
	s22 =	sshll.u32 s6, $0x1;
	s3 =	sadd.s32 s4, s20  }
0x14: {  	s7 =	simm.s32 $0x0;
	s21 =	sshll.u32 s5, $0x1;
	s5 =	sadd.s32 s22, s3  }
0x15: {  	[timem:s7], [sflag:s23] =	dma.local [hbm:s5], s21  }
0x16: {  	_ =	swait.ge [sflag:s23], s21  }
0x17: {  	s4 =	ssub.s32 $0x0, s21;
	[sflag:s23] =	ssyncset.done $0x0  }
0x18: {  	[sflag:s23] =	ssyncadd.s32 s4;
	_ =	sdelay $0x1  }
0x19: {  	s24 =	simm.s32 $0x1B8B  }
0x1a: {  	_ =	swait.ge [sflag:s24], $0x1  }
0x1b: {  	[sflag:s24] =	ssyncset.done $0x0  }
0x1c: {  	s26 =	simm.s32 $0x1B8E;
	s25 =	sld [smem:$0x3FFE];
	[sflag:s24] =	ssyncadd.s32 $0xFFFFFFFF  }
0x1d: {  	s27 =	simm.s32 $execute0_lowered;
	[smem:$0x3FD2] =	sst s26  }
0x1e: {  	s5 =	sshll.u32 s27, $0x1;
	_ =	strace $0x80000049;
	[dreg:$0x1] =	wrdreg $0xFFFFFFFF  }
0x1f: {  	s28 =	simm.s32 $_size_execute0_lowered;
	s3 =	sadd.s32 s3, s5;
	[dreg:$0x0] =	wrdreg $0x0  }
0x20: {  	s5 =	sshll.u32 s28, $0x1;
	[dreg:$0x2] =	wrdreg s3  }
0x21: {  	[dreg:$0x3] =	wrdreg s5  }
0x22: {  	[dreg:$0x4] =	wrdreg $0xC0  }
0x23: {  	_ =	task [dreg:s7], $0x5FFFF  }
0x24: {  	[dreg:$0x1] =	wrdreg $0xFFFFFFFF  }
0x25: {  	[dreg:$0x0] =	wrdreg $0x60  }
0x26: {  	[dreg:$0x2] =	wrdreg s25  }
0x27: {  	[dreg:$0x3] =	wrdreg s2  }
0x28: {  	[dreg:$0x4] =	wrdreg $0x9  }
0x29: {  	_ =	task.clear_ibuf [dreg:s7], $0x5FFFF;
	_ =	strace $0x90000049  }
0x2a: {  	s29 =	simm.s32 $0x9;
	_ =	strace $0x8000004B  }
0x2b: {  	_ =	swait.ge [sflag:s29], $0x1  }
0x2c: {  	[sflag:s29] =	ssyncadd.s32 $0xFFFFFFFF  }
0x2d: {  	_ =	strace $0x9000004B  }
0x2e: {  	_ =	sfence  }
0x2f: {  	s30 =	sld [smem:$0x0];
	_ =	sdelay $0x2  }
0x30: {  	s31 =	sshll.u32 s1, $0xD;
	s1 =	sshrl.u32 s1, $0x2  }
0x31: {  	s3 =	sand.u32 $0x4000, s31;
	s1 =	sadd.s32 s1, s30  }
0x32: {  	s0 =	sor.u32 s3, s0;
	s1 =	sshll.u32 s1, $0x11  }
0x33: {  	s0 =	sor.u32 s1, s0  }
0x34: {  	s0 =	sadd.s32 $0x8F2B, s0  }
0x35: {  	[sflag:s0] =	ssyncadd.remote.s32 $0x1  }
0x36: {  	_ =	sfence.sel $0xFFFF  }
0x37: {  	[dreg:$0x0] =	wrdreg $0xFFFFFFFF;
	(pc) =	sbr.abs _section_cstart, $3  }
0x38: {  	[dreg:$0x1] =	wrdreg $0xFFFFFFFF  }
0x39: {  	_ =	task.clear_ibuf [dreg:s7], $0x2FFFF;
	_ =	strace $0x9FFFFFFF  }
0x3a: {  	(tm) =	ssettm $0x7FFFFFFF  }
0x3b: {  	_ =	shalt  }
tec
execute0_lowered:
.L_overlay_start_1:
0x0: {  	(tag) =	ssettag $0x1  }
0x1: {  	s0 =	srdreg.scid  }
0x2: {  	s1 =	sshll.u32 s0, $0x4  }
0x3: {  	s0 =	stileid.u32;
	s1 =	sand.u32 $0x10, s1  }
0x4: {  	s7 =	rddreg [dreg:$0x0];
	s1 =	sor.u32 s0, s1  }
0x5: {  	s4 =	simm.s32 $0x1;
	s8 =	simm.s32 $0x2;
	s2 =	sshll.u32 s1, $0x7  }
0x6: {  	s13 =	simm.s32 $0x0;
	s9 =	simm.s32 $0x20000;
	s1 =	ssub.s32 $0x4000, s2  }
0x7: {  	s14 =	simm.s32 $0x0;
	s11 =	simm.s32 $0x0;
	s3 =	sand.u32 $0xF80, s1  }
0x8: {  	s12 =	simm.s32 $0x0;
	s5 =	sshrl.u32 s1, $0xC;
	p0 =	sne.s32 s3, $0x0  }
.Ltmp0:
0x9: {  	s1 =	rddreg [dreg:$0x2];
	s4 =	simm.s32 @!p0 $0x0;
	(pc) =	sbr.rel .LBB1_1-.Ltmp0, $4  }
0xa: {  	s6 =	sadd.s32 $0xA00, s7;
	s3 =	rddreg [dreg:$0x1];
	s5 =	sadd.s32 s4, s5  }
0xb: {  	_ =	strace $0x8000004A;
	s4 =	simm.s32 $0x1;
	s5 =	smul.u32 $0xD, s5  }
0xc: {  	s7 =	sadd.s32 $0x40A00, s7;
	s10 =	smov.u32 s2;
	[sflag:s4] =	ssyncpa.u1 $0x0  }
0xd: {  	p0 =	por $0x0, $0x0;
	[sflag:s8] =	ssyncpa.u1 $0x0;
	s8 =	sadd.s32 $0x1, s5  }
.LBB1_7:
0xe: {  	s15 =	sadd.s32 $0x1000, s10  }
0xf: {  	s13 =	sadd.s32 $0x2, s11;
	s17 =	smov.u32 s11;
	p2 =	sgt.s32 s15, $0x3FFF  }
0x10: {  	s17 =	smov.u32 @p2 s13  }
0x11: {  	s15 =	smov.u32 @p2 s2;
	p2 =	sgt.s32 s17, $0x19  }
0x12: {  	s17 =	simm.s32 @p2 $0x0;
	p2 =	sne.s32 s12, s8  }
.Ltmp1:
0x13: {  	p1 =	slt.u32 s12, $0x2;
	(pc) =	sbr.rel @!p2 .LBB1_8-.Ltmp1, $4  }
0x14: {  	s16 =	simm.s32 @!p1 $0x2  }
0x15: {  	s14 =	smov.u32 s11;
	p0 =	por !p0, !p0;
	_ =	swait.ge @!p1 [sflag:s16], $0x2000  }
0x16: {  	s13 =	smov.u32 s10;
	[sflag:s16] =	ssyncset.done @!p1 $0x0;
	s10 =	smov.u32 s15  }
0x17: {  	s12 =	sadd.s32 $0x1, s12;
	[sflag:s16] =	ssyncadd.s32 @!p1 $0xFFFFE000;
	s11 =	smov.u32 s17  }
.LBB1_1:
0x18: {  	p1 =	sge.u32 s12, s5  }
0x19: {  	s15 =	sxor.u32 @!p1 $0xFFFFFFFF, s12;
	s16 =	sshll.u32 @!p1 s11, $0x12  }
0x1a: {  	s17 =	sshll.u32 @!p1 s10, $0x4;
	s19 =	simm.s32 @!p1 $0x20;
	s20 =	simm.s32 @!p1 $0x80  }
0x1b: {  	s15 =	sshll.u32 @!p1 s15, $0xD;
	s17 =	sand.u32 @!p1 $0x3FFF0, s17;
	s18 =	sadd.s32 @!p1 s6, s16  }
0x1c: {  	s16 =	sadd.s32 @!p1 s16, s7;
	s15 =	sand.u32 @!p1 $0x2000, s15;
	s18 =	sadd.s32 @!p1 s17, s18  }
0x1d: {  	[tilespmem:s15], [sflag:$0x1] =	stream.strided.gather @!p1 [hbm4b:s18+s19], $0x1000, s20, s19, $0x38;
	[tilespmem:$0x8080] =	vst v63  }
0x1e: {  	s31 =	sadd.s32 $0xFFFFFFFF, s12;
	s16 =	sadd.s32 @!p1 s17, s16;
	s15 =	sor.u32 @!p1 $0x1000, s15  }
0x1f: {  	[tilespmem:s15], [sflag:$0x1] =	stream.strided.gather @!p1 [hbm4b:s16+s19], $0x1000, s20, s19, $0x38;
	[tilespmem:$0x8080] =	vst v63  }
0x20: {  	p1 =	sge.u32 s31, s5  }
.Ltmp2:
0x21: {  	_ = 	snop;
	(pc) =	sbr.rel @p1 .LBB1_7-.Ltmp2, $1  }
0x22: {  	_ =	sdelay $0x3  }
0x23: {  	s15 =	simm.s32 $0x1;
	s17 =	sand.u32 $0x1, s12  }
0x24: {  	_ =	swait.ge [sflag:s4], $0x2000;
	s15 =	simm.s32 @!p0 $0x0;
	s17 =	smul.u32 $0x8100, s17  }
0x25: {  	p2 =	por $0x1, $0x1;
	[sflag:s4] =	ssyncset.done $0x0;
	s16 =	smul.u32 $0x8100, s15  }
0x26: {  	s18 =	sshll.u32 s15, $0xF;
	[sflag:s4] =	ssyncadd.s32 $0xFFFFE000;
	s30 =	sshrl.u32 s17, $0x2  }
0x27: {  	s31 =	sshrl.u32 s18, $0x2;
	s18 =	simm.s32 $0x0;
	s16 =	sshrl.u32 s16, $0x2  }
0x28: {  	s15 =	sor.u32 $0x4000, s30;
	s17 =	sadd.s32 $0x10, s31;
	s16 =	sor.u32 $0x4000, s16  }
.LBB1_3:
0x29: {  	s19 =	sshll.u32 s18, $0xC  }
0x2a: {  	s19 =	sand.u32 $0x3FFFF000, s19  }
0x2b: {  	s20 =	sadd.s32 s19, s17  }
0x2c: {  	s31 =	smul.u32 $0x4080, s18;
	v1 =	vld [tilespmem:s20+$0x0]  }
0x2d: {  	v0 =	vld [tilespmem:s20+$0xFFFFFFF0]  }
0x2e: {  	s18 =	sshra.s32 s31, $0x2  }
0x2f: {  	s18 =	sadd.s32 s18, s16  }
0x30: {  	s21 =	sadd.s32 $0x0, s18  }
0x31: {  	p1 =	por p2, p2;
	s19 =	simm.s32 $0x4;
	s20 =	sadd.s32 $0x20, s20;
	[tilespmem:s21+$0x810 ss:$0x81] =	vst.msk $0xffff, v1  }
.LBB1_4:
0x32: {  	v1 =	vld [tilespmem:s20+$0x0];
	p2 =	sne.s32 s19, $0x1FC;
	[tilespmem:s21+$0x0 ss:$0x81] =	vst.msk $0xffff, v0;
	s21 =	smov.u32 s19;
	s19 =	sadd.s32 $0x4, s19  }
.Ltmp3:
0x33: {  	v0 =	vld [tilespmem:s20+$0xFFFFFFF0];
	(pc) =	sbr.rel @p2 .LBB1_4-.Ltmp3, $4  }
0x34: {  	_ = 	snop  }
0x35: {  	s21 =	sshra.s32 s21, $0x2  }
0x36: {  	s21 =	sadd.s32 s21, s18  }
0x37: {  	s20 =	sadd.s32 $0x20, s20;
	[tilespmem:s21+$0x810 ss:$0x81] =	vst.msk $0xffff, v1  }
.Ltmp4:
0x38: {  	(pc) =	sbr.rel @p1 .LBB1_3-.Ltmp4, $2  }
0x39: {  	_ =	sdelay $0x2  }
0x3a: {  	[tilespmem:s21+$0x0 ss:$0x81] =	vst.msk $0xffff, v0;
	s18 =	simm.s32 $0x1;
	p2 =	por $0x0, $0x0  }
0x3b: {  	s16 =	sshll.u32 s13, $0x3;
	s17 =	sand.u32 $0x78, s13;
	s14 =	sshll.u32 s14, $0x10  }
.Ltmp5:
0x3c: {  	s30 =	sand.u32 $0xF800, s13;
	s16 =	sand.u32 $0x3C00, s16;
	(pc) =	sbr.rel .LBB1_7-.Ltmp5, $4  }
0x3d: {  	s31 =	sand.u32 $0x7, s13;
	s14 =	sadd.s32 s3, s14;
	s16 =	sor.u32 s17, s16  }
0x3e: {  	s13 =	sshll.u32 s31, $0x12;
	s14 =	sadd.s32 s30, s14;
	s16 =	sshrl.u32 s16, $0x3  }
0x3f: {  	s13 =	sor.u32 $0x400, s13;
	s14 =	sadd.s32 s16, s14  }
0x40: {  	[hbm4b:s14+s13] =	stream.strided.scatter [tilespmem:s15], [sflag:$0x2], $0x2000, s9, s13, $0x20;
	[tilespmem:$0x8080] =	vst v63  }
.LBB1_8:
0x41: {  	_ =	sfence.sel $0x180000  }
0x42: {  	s2 =	simm.s32 $0x1;
	[bflag:$0x0] =	sbarrier.arrive $0xFFFF  }
0x43: {  	s31 =	simm.s32 $0x2;
	[sflag:s2] =	ssyncpa.u1 $0x1  }
0x44: {  	[sflag:s31] =	ssyncpa.u1 $0x1  }
0x45: {  	p0 =	sne.s32 s0, $0x0;
	_ =	strace $0x9000004A  }
0x46: {  	s0 =	sadd.s32 @!p0 $0x100000, s1;
	[bflag:$0x2] =	sbarrier.arrive $0xFFFF  }
0x47: {  	[sflag:s0] =	ssyncadd.tile.s32 @!p0 $0x1;
	_ =	shalt  }
.Lfunc_end1:
_tile_overlayer_lowered:
.L_overlay_start_2:
0x48: {  	(tag) =	ssettag $0x2  }
0x49: {  	s0 =	rddreg [dreg:$0x0];
	s2 =	stileid.u32  }
0x4a: {  	s1 =	rddreg [dreg:$0x1];
	p0 =	sne.s32 s2, $0x0  }
0x4b: {  	s3 =	rddreg [dreg:$0x2];
	[bflag:$0x3] =	sbarrier.arrive $0xFFFF;
	s2 =	simm.s32 @!p0 $0x1C01  }
0x4c: {  	[timem:s3], [sflag:s2] =	dma.local @!p0 [hbm:s0], s1  }
0x4d: {  	s0 =	simm.s32 @!p0 $0x1  }
0x4e: {  	_ =	swait.ge @!p0 [sflag:s0], s1  }
0x4f: {  	s1 =	ssub.s32 @!p0 $0x0, s1;
	[sflag:s0] =	ssyncset.done @!p0 $0x0  }
0x50: {  	[sflag:s0] =	ssyncadd.s32 @!p0 s1  }
0x51: {  	[bflag:$0x3] =	sbarrier.arrive $0xFFFF  }
0x52: {  	_ =	shalt  }

</sc_bundles>
